<compile_context>
chip_gen: v7x
topology: tpu7x:2x2x1
jax: 0.10.2.dev20260603
libtpu: 0.0.44.dev20260713+nightly
codegen_flags: <defaults>
</compile_context>

<pallas_src>
import functools

import jax
import jax.numpy as jnp
from jax import lax
from jax.experimental import pallas as pl
from jax.experimental.pallas import tpu as pltpu
from jax.experimental.pallas import tpu_sc as plsc

N = 10000
E = 320000
D = 128
NCLS = 10
L = 8
G = 64
NEG_SLOPE = 0.01

NC = 2
NS = 16
NW = NC * NS

CH = 128
EPT = 10112
EP = NW * EPT
NCH = EPT // CH
NPAD = 10240
RPT = NPAD // NS


def _make_seg_sum():
    mesh = plsc.VectorSubcoreMesh(
        core_axis_name="c", subcore_axis_name="s", num_cores=NC, num_subcores=NS
    )

    @functools.partial(
        pl.kernel,
        out_type=jax.ShapeDtypeStruct((NC * NPAD, D), jnp.float32),
        mesh=mesh,
        scratch_types=[
            pltpu.VMEM((CH,), jnp.int32),
            pltpu.VMEM((CH,), jnp.int32),
            pltpu.VMEM((CH, D), jnp.float32),
            pltpu.VMEM_SHARED((NPAD, D), jnp.float32),
            pltpu.SemaphoreType.DMA,
        ],
    )
    def seg_sum(h_hbm, src_hbm, dst_hbm, z_hbm, out_hbm,
                src_v, dst_v, rows_v, acc_sh, sem):
        cid = lax.axis_index("c")
        sid = lax.axis_index("s")
        tile = cid * NS + sid

        pltpu.sync_copy(z_hbm, acc_sh.at[pl.ds(sid * RPT, RPT)])
        plsc.subcore_barrier()

        ebase = tile * EPT

        def body(i, carry):
            off = ebase + i * CH
            pltpu.sync_copy(src_hbm.at[pl.ds(off, CH)], src_v)
            pltpu.sync_copy(dst_hbm.at[pl.ds(off, CH)], dst_v)
            pltpu.async_copy(h_hbm.at[src_v], rows_v, sem).wait()
            pltpu.sync_copy(rows_v, acc_sh.at[dst_v], add=True)
            return carry

        lax.fori_loop(0, NCH, body, 0)
        plsc.subcore_barrier()

        pltpu.sync_copy(
            acc_sh.at[pl.ds(sid * RPT, RPT)],
            out_hbm.at[pl.ds(cid * NPAD + sid * RPT, RPT)],
        )

    return seg_sum


_seg_sum_cache = []


def _seg_sum(h, src_p, dst_p, zeros):
    if not _seg_sum_cache:
        _seg_sum_cache.append(_make_seg_sum())
    return _seg_sum_cache[0](h, src_p, dst_p, zeros)


def _dense_body(h_ref, a0_ref, a1_ref, w1_ref, b1_ref, w2_ref, b2_ref,
                g_ref, be_ref, o_ref, *, last):
    z = h_ref[...] + a0_ref[...] + a1_ref[...]
    z = jnp.dot(z, w1_ref[...], preferred_element_type=jnp.float32, precision=lax.Precision.HIGHEST) + b1_ref[...]
    z = jnp.where(z > 0, z, NEG_SLOPE * z)
    y = jnp.dot(z, w2_ref[...], preferred_element_type=jnp.float32, precision=lax.Precision.HIGHEST) + b2_ref[...]
    mu = jnp.mean(y, axis=0, keepdims=True)
    yc = y - mu
    var = jnp.mean(yc * yc, axis=0, keepdims=True)
    out = yc * lax.rsqrt(var + 1e-5) * g_ref[...] + be_ref[...]
    if not last:
        out = jnp.where(out > 0, out, NEG_SLOPE * out)
    o_ref[...] = out


def _dense_layer(h, a0, a1, w1, b1, w2, b2, g, be, last):
    return pl.pallas_call(
        functools.partial(_dense_body, last=last),
        out_shape=jax.ShapeDtypeStruct((N, D), jnp.float32),
    )(h, a0, a1, w1, b1, w2, b2, g, be)


def _final_body(h_ref, u_ref, brow_ref, wd1_ref, bd1_ref, wd2_ref, bd2_ref,
                probs_ref, c_ref):
    u = u_ref[...]
    y = h_ref[...] + (-jnp.log(-jnp.log(u)))
    m = jnp.max(y, axis=1, keepdims=True)
    ex = jnp.exp(y - m)
    c = ex / jnp.sum(ex, axis=1, keepdims=True)
    c_ref[...] = c
    ohT = (lax.broadcasted_iota(jnp.int32, (G, N), 0) == brow_ref[...]).astype(
        jnp.float32)
    pooled = jnp.dot(ohT, c, preferred_element_type=jnp.float32, precision=lax.Precision.HIGHEST)
    d = jnp.dot(pooled, wd1_ref[...], preferred_element_type=jnp.float32, precision=lax.Precision.HIGHEST) + bd1_ref[...]
    d = jnp.where(d > 0, d, NEG_SLOPE * d)
    e2 = jnp.dot(d, wd2_ref[...], preferred_element_type=jnp.float32, precision=lax.Precision.HIGHEST) + bd2_ref[...]
    m2 = jnp.max(e2, axis=1, keepdims=True)
    ex2 = jnp.exp(e2 - m2)
    probs_ref[...] = ex2 / jnp.sum(ex2, axis=1, keepdims=True)


def _final(h, u, brow, wd1, bd1, wd2, bd2):
    return pl.pallas_call(
        _final_body,
        out_shape=(
            jax.ShapeDtypeStruct((G, NCLS), jnp.float32),
            jax.ShapeDtypeStruct((N, D), jnp.float32),
        ),
    )(h, u, brow, wd1, bd1, wd2, bd2)


def kernel(x, edge_index, batch, W1, b1, W2, b2, gamma, beta, Wd1, bd1, Wd2, bd2):
    src = edge_index[0]
    dst = edge_index[1]
    pad = EP - E
    apad = jnp.arange(pad, dtype=jnp.int32)
    src_p = jnp.concatenate([src, apad % N])
    dst_p = jnp.concatenate([dst, N + apad % (NPAD - N)])
    zeros = jnp.zeros((RPT, D), jnp.float32)
    brow = batch[None, :]
    u = jax.random.uniform(jax.random.key(42), (N, D), minval=1e-6, maxval=1.0 - 1e-6)

    h = x
    for i in range(L):
        agg2 = _seg_sum(h, src_p, dst_p, zeros)
        h = _dense_layer(h, agg2[:N], agg2[NPAD:NPAD + N],
                         W1[i], b1[i][None, :], W2[i], b2[i][None, :],
                         gamma[i][None, :], beta[i][None, :], last=(i == L - 1))
    probs, c = _final(h, u, brow, Wd1, bd1[None, :], Wd2, bd2[None, :])
    return probs, c

# --- scband reference (transcript-rebuilt; emitter-appended) ---
"""Pipeline reference for scband-gco-re-78262894068282 (READ-ONLY COPY).

The authoritative reference and input builder live on the scoring server;
editing this copy changes nothing except your own understanding.
"""

import jax, jax.numpy as jnp
import numpy as np

N = 10000
E = 320000
D = 128
NCLS = 10
L = 8
G = 64
NEG_SLOPE = 0.01

def setup_inputs(seed: int = 0) -> dict:
    key = jax.random.key(seed)
    ks = jax.random.split(key, 16)
    x = jax.random.normal(ks[0], (N, D), dtype=jnp.float32)
    edge_index = jax.random.randint(ks[1], (2, E), 0, N, dtype=jnp.int32)
    batch = jnp.sort(jax.random.randint(ks[2], (N,), 0, G, dtype=jnp.int32))
    W1 = jax.random.normal(ks[3], (L, D, D), dtype=jnp.float32) * 0.05
    b1 = jnp.zeros((L, D), dtype=jnp.float32)
    W2 = jax.random.normal(ks[4], (L, D, D), dtype=jnp.float32) * 0.05
    b2 = jnp.zeros((L, D), dtype=jnp.float32)
    gamma = jnp.ones((L, D), dtype=jnp.float32)
    beta = jnp.zeros((L, D), dtype=jnp.float32)
    Wd1 = jax.random.normal(ks[5], (D, D), dtype=jnp.float32) * 0.05
    bd1 = jnp.zeros((D,), dtype=jnp.float32)
    Wd2 = jax.random.normal(ks[6], (D, NCLS), dtype=jnp.float32) * 0.05
    bd2 = jnp.zeros((NCLS,), dtype=jnp.float32)
    return {"x": x, "edge_index": edge_index, "batch": batch, "W1": W1, "b1": b1, "W2": W2, "b2": b2, "gamma": gamma, "beta": beta, "Wd1": Wd1, "bd1": bd1, "Wd2": Wd2, "bd2": bd2}

def reference(x, edge_index, batch, W1, b1, W2, b2, gamma, beta, Wd1, bd1, Wd2, bd2):
    src = edge_index[0]
    dst = edge_index[1]
    h = x
    for i in range(L):
        # GINConv: nn((1 + eps) * x + sum_{j in N(i)} x_j), eps = 0
        agg = jax.ops.segment_sum(h[src], dst, num_segments=N)
        z = h + agg
        z = jnp.dot(z, W1[i]) + b1[i]
        z = jax.nn.leaky_relu(z, negative_slope=NEG_SLOPE)
        z = jnp.dot(z, W2[i]) + b2[i]
        # BatchNorm (training-mode batch statistics, biased variance)
        mean = jnp.mean(z, axis=0)
        var = jnp.var(z, axis=0)
        z = (z - mean) / jnp.sqrt(var + 1e-5) * gamma[i] + beta[i]
        if i < L - 1:
            z = jax.nn.leaky_relu(z, negative_slope=NEG_SLOPE)
        h = z
    # gumbel softmax (tau=1, soft) with fixed noise key for determinism
    u = jax.random.uniform(jax.random.key(42), h.shape, minval=1e-6, maxval=1.0 - 1e-6)
    gnoise = -jnp.log(-jnp.log(u))
    c = jax.nn.softmax(h + gnoise, axis=-1)
    # global add pool over graphs in the batch
    pooled = jax.ops.segment_sum(c, batch, num_segments=G)
    d = jnp.dot(pooled, Wd1) + bd1
    d = jax.nn.leaky_relu(d, negative_slope=NEG_SLOPE)
    d = jnp.dot(d, Wd2) + bd2
    return (jax.nn.softmax(d, axis=-1), c)

if __name__ == "__main__":
    import jax
    _d = setup_inputs()
    print(jax.jit(kernel)(*tuple(_d.values())))

</pallas_src>

<mosaic_0001>
#map = affine_map<(d0, d1) -> (0, 0)>
#map1 = affine_map<(d0, d1) -> (0)>
module attributes {stable_mosaic.version = 14 : i64} {
  func.func @seg_sum(%arg0: i32, %arg1: i32, %arg2: memref<10000x128xf32, #tpu.memory_space<hbm>>, %arg3: memref<323584xi32, #tpu.memory_space<hbm>>, %arg4: memref<323584xi32, #tpu.memory_space<hbm>>, %arg5: memref<640x128xf32, #tpu.memory_space<hbm>>, %arg6: memref<20480x128xf32, #tpu.memory_space<hbm>>, %arg7: memref<128xi32, #tpu.memory_space<vmem>>, %arg8: memref<128xi32, #tpu.memory_space<vmem>>, %arg9: memref<128x128xf32, #tpu.memory_space<vmem>>, %arg10: memref<10240x128xf32, #tpu.memory_space<vmem_shared>>, %arg11: memref<!tpu.dma_semaphore, #tpu.memory_space<semaphore_mem>>) attributes {dimension_semantics = [#tpu.dimension_semantics<core_parallel>, #tpu.dimension_semantics<subcore_parallel>], iteration_bounds = array<i64: 2, 16>, scalar_prefetch = 0 : i64, scratch_operands = 5 : i64, tpu.core_type = #tpu.core_type<sc_vector_subcore>, window_params = [{transform_indices = #map}, {transform_indices = #map1}, {transform_indices = #map1}, {transform_indices = #map}, {transform_indices = #map}]} {
    %mul3A = arith.constant 16 : i32
    %mul3A_0 = arith.muli %arg0, %mul3A : i32
    %add3A = arith.addi %mul3A_0, %arg1 : i32
    %mul3A_1 = arith.constant 640 : i32
    %mul3A_2 = arith.muli %arg1, %mul3A_1 : i32
    "tpu.region"() ({
      %run_scoped3A = tpu.sem_alloc : memref<!tpu.dma_semaphore, #tpu.memory_space<semaphore_mem>>
      %dma_start3A = arith.constant 0 : i32
      %dma_start3A_18 = tpu.memref_slice %arg10[%mul3A_2, %dma_start3A] : memref<10240x128xf32, #tpu.memory_space<vmem_shared>> -> memref<640x128xf32, #tpu.memory_space<vmem_shared>>
      tpu.enqueue_dma source(%arg5 : memref<640x128xf32, #tpu.memory_space<hbm>>) target(%dma_start3A_18 : memref<640x128xf32, #tpu.memory_space<vmem_shared>>) target_semaphore(%run_scoped3A : memref<!tpu.dma_semaphore, #tpu.memory_space<semaphore_mem>>)
      %dma_wait3A = arith.constant 0 : i32
      %dma_wait3A_19 = tpu.memref_slice %arg10[%mul3A_2, %dma_wait3A] : memref<10240x128xf32, #tpu.memory_space<vmem_shared>> -> memref<640x128xf32, #tpu.memory_space<vmem_shared>>
      tpu.wait_dma2 semaphore(%run_scoped3A : memref<!tpu.dma_semaphore, #tpu.memory_space<semaphore_mem>>) src(%arg5 : memref<640x128xf32, #tpu.memory_space<hbm>>) dst(%dma_wait3A_19 : memref<640x128xf32, #tpu.memory_space<vmem_shared>>)
      tpu.yield
    }) : () -> ()
    %barrier3A = arith.constant 0 : index
    tpu.barrier barrier_id(%barrier3A)
    %mul3A_3 = arith.constant 10112 : i32
    %mul3A_4 = arith.muli %add3A, %mul3A_3 : i32
    %scan3A = arith.constant 0 : i32
    %scan3A_5 = arith.constant 0 : i32
    %scan3A_6 = arith.constant 79 : i32
    %scan3A_7 = arith.addi %scan3A_5, %scan3A_6 : i32
    %scan3A_8 = arith.constant 1 : i32
    scf.for %scan3A_18 = %scan3A_5 to %scan3A_7 step %scan3A_8  : i32 {
      %mul3A_19 = arith.constant 128 : i32
      %mul3A_20 = arith.muli %scan3A_18, %mul3A_19 : i32
      %add3A_21 = arith.addi %mul3A_4, %mul3A_20 : i32
      "tpu.region"() ({
        %run_scoped3A = tpu.sem_alloc : memref<!tpu.dma_semaphore, #tpu.memory_space<semaphore_mem>>
        %dma_start3A_26 = tpu.memref_slice %arg3[%add3A_21] : memref<323584xi32, #tpu.memory_space<hbm>> -> memref<128xi32, #tpu.memory_space<hbm>>
        %dma_start3A_27 = tpu.memref_slice %arg3[%add3A_21] : memref<323584xi32, #tpu.memory_space<hbm>> -> memref<128xi32, #tpu.memory_space<hbm>>
        tpu.enqueue_dma source(%dma_start3A_27 : memref<128xi32, #tpu.memory_space<hbm>>) target(%arg7 : memref<128xi32, #tpu.memory_space<vmem>>) target_semaphore(%run_scoped3A : memref<!tpu.dma_semaphore, #tpu.memory_space<semaphore_mem>>)
        %dma_wait3A_28 = tpu.memref_slice %arg3[%add3A_21] : memref<323584xi32, #tpu.memory_space<hbm>> -> memref<128xi32, #tpu.memory_space<hbm>>
        %dma_wait3A_29 = tpu.memref_slice %arg3[%add3A_21] : memref<323584xi32, #tpu.memory_space<hbm>> -> memref<128xi32, #tpu.memory_space<hbm>>
        tpu.wait_dma2 semaphore(%run_scoped3A : memref<!tpu.dma_semaphore, #tpu.memory_space<semaphore_mem>>) src(%dma_wait3A_29 : memref<128xi32, #tpu.memory_space<hbm>>) dst(%arg7 : memref<128xi32, #tpu.memory_space<vmem>>)
        tpu.yield
      }) : () -> ()
      "tpu.region"() ({
        %run_scoped3A = tpu.sem_alloc : memref<!tpu.dma_semaphore, #tpu.memory_space<semaphore_mem>>
        %dma_start3A_26 = tpu.memref_slice %arg4[%add3A_21] : memref<323584xi32, #tpu.memory_space<hbm>> -> memref<128xi32, #tpu.memory_space<hbm>>
        %dma_start3A_27 = tpu.memref_slice %arg4[%add3A_21] : memref<323584xi32, #tpu.memory_space<hbm>> -> memref<128xi32, #tpu.memory_space<hbm>>
        tpu.enqueue_dma source(%dma_start3A_27 : memref<128xi32, #tpu.memory_space<hbm>>) target(%arg8 : memref<128xi32, #tpu.memory_space<vmem>>) target_semaphore(%run_scoped3A : memref<!tpu.dma_semaphore, #tpu.memory_space<semaphore_mem>>)
        %dma_wait3A_28 = tpu.memref_slice %arg4[%add3A_21] : memref<323584xi32, #tpu.memory_space<hbm>> -> memref<128xi32, #tpu.memory_space<hbm>>
        %dma_wait3A_29 = tpu.memref_slice %arg4[%add3A_21] : memref<323584xi32, #tpu.memory_space<hbm>> -> memref<128xi32, #tpu.memory_space<hbm>>
        tpu.wait_dma2 semaphore(%run_scoped3A : memref<!tpu.dma_semaphore, #tpu.memory_space<semaphore_mem>>) src(%dma_wait3A_29 : memref<128xi32, #tpu.memory_space<hbm>>) dst(%arg8 : memref<128xi32, #tpu.memory_space<vmem>>)
        tpu.yield
      }) : () -> ()
      %dma_start3A = arith.constant 0 : i32
      %dma_start3A_22 = arith.constant 0 : i32
      %dma_start3A_23 = tpu.memref_slice %arg2[%dma_start3A, %dma_start3A_22] : memref<10000x128xf32, #tpu.memory_space<hbm>> -> memref<10000x128xf32, #tpu.memory_space<hbm>>
      tpu.enqueue_indirect_dma source(%dma_start3A_23 : memref<10000x128xf32, #tpu.memory_space<hbm>>) target(%arg9 : memref<128x128xf32, #tpu.memory_space<vmem>>) offsets(%arg7 : memref<128xi32, #tpu.memory_space<vmem>>) semaphore(%arg11 : memref<!tpu.dma_semaphore, #tpu.memory_space<semaphore_mem>>)
      %dma_wait3A = arith.constant 0 : i32
      %dma_wait3A_24 = arith.constant 0 : i32
      %dma_wait3A_25 = tpu.memref_slice %arg2[%dma_wait3A, %dma_wait3A_24] : memref<10000x128xf32, #tpu.memory_space<hbm>> -> memref<10000x128xf32, #tpu.memory_space<hbm>>
      tpu.wait_indirect_dma semaphore(%arg11 : memref<!tpu.dma_semaphore, #tpu.memory_space<semaphore_mem>>) src(%dma_wait3A_25 : memref<10000x128xf32, #tpu.memory_space<hbm>>) dst(%arg9 : memref<128x128xf32, #tpu.memory_space<vmem>>)
      "tpu.region"() ({
        %run_scoped3A = tpu.sem_alloc : memref<!tpu.dma_semaphore, #tpu.memory_space<semaphore_mem>>
        %dma_start3A_26 = arith.constant 0 : i32
        %dma_start3A_27 = arith.constant 0 : i32
        %dma_start3A_28 = tpu.memref_slice %arg10[%dma_start3A_26, %dma_start3A_27] : memref<10240x128xf32, #tpu.memory_space<vmem_shared>> -> memref<10240x128xf32, #tpu.memory_space<vmem_shared>>
        tpu.enqueue_indirect_dma source(%arg9 : memref<128x128xf32, #tpu.memory_space<vmem>>) target(%dma_start3A_28 : memref<10240x128xf32, #tpu.memory_space<vmem_shared>>) offsets(%arg8 : memref<128xi32, #tpu.memory_space<vmem>>) semaphore(%run_scoped3A : memref<!tpu.dma_semaphore, #tpu.memory_space<semaphore_mem>>) {add = true}
        %dma_wait3A_29 = arith.constant 0 : i32
        %dma_wait3A_30 = arith.constant 0 : i32
        %dma_wait3A_31 = tpu.memref_slice %arg10[%dma_wait3A_29, %dma_wait3A_30] : memref<10240x128xf32, #tpu.memory_space<vmem_shared>> -> memref<10240x128xf32, #tpu.memory_space<vmem_shared>>
        tpu.wait_indirect_dma semaphore(%run_scoped3A : memref<!tpu.dma_semaphore, #tpu.memory_space<semaphore_mem>>) src(%arg9 : memref<128x128xf32, #tpu.memory_space<vmem>>) dst(%dma_wait3A_31 : memref<10240x128xf32, #tpu.memory_space<vmem_shared>>)
        tpu.yield
      }) : () -> ()
    }
    %scan3A_9 = arith.constant 79 : i32
    %barrier3A_10 = arith.constant 0 : index
    tpu.barrier barrier_id(%barrier3A_10)
    %mul3A_11 = arith.constant 640 : i32
    %mul3A_12 = arith.muli %arg1, %mul3A_11 : i32
    %mul3A_13 = arith.constant 10240 : i32
    %mul3A_14 = arith.muli %arg0, %mul3A_13 : i32
    %mul3A_15 = arith.constant 640 : i32
    %mul3A_16 = arith.muli %arg1, %mul3A_15 : i32
    %add3A_17 = arith.addi %mul3A_14, %mul3A_16 : i32
    "tpu.region"() ({
      %run_scoped3A = tpu.sem_alloc : memref<!tpu.dma_semaphore, #tpu.memory_space<semaphore_mem>>
      %dma_start3A = arith.constant 0 : i32
      %dma_start3A_18 = tpu.memref_slice %arg6[%add3A_17, %dma_start3A] : memref<20480x128xf32, #tpu.memory_space<hbm>> -> memref<640x128xf32, #tpu.memory_space<hbm>>
      %dma_start3A_19 = arith.constant 0 : i32
      %dma_start3A_20 = tpu.memref_slice %arg10[%mul3A_12, %dma_start3A_19] : memref<10240x128xf32, #tpu.memory_space<vmem_shared>> -> memref<640x128xf32, #tpu.memory_space<vmem_shared>>
      tpu.enqueue_dma source(%dma_start3A_20 : memref<640x128xf32, #tpu.memory_space<vmem_shared>>) target(%dma_start3A_18 : memref<640x128xf32, #tpu.memory_space<hbm>>) target_semaphore(%run_scoped3A : memref<!tpu.dma_semaphore, #tpu.memory_space<semaphore_mem>>)
      %dma_wait3A = arith.constant 0 : i32
      %dma_wait3A_21 = tpu.memref_slice %arg6[%add3A_17, %dma_wait3A] : memref<20480x128xf32, #tpu.memory_space<hbm>> -> memref<640x128xf32, #tpu.memory_space<hbm>>
      %dma_wait3A_22 = arith.constant 0 : i32
      %dma_wait3A_23 = tpu.memref_slice %arg10[%mul3A_12, %dma_wait3A_22] : memref<10240x128xf32, #tpu.memory_space<vmem_shared>> -> memref<640x128xf32, #tpu.memory_space<vmem_shared>>
      tpu.wait_dma2 semaphore(%run_scoped3A : memref<!tpu.dma_semaphore, #tpu.memory_space<semaphore_mem>>) src(%dma_wait3A_23 : memref<640x128xf32, #tpu.memory_space<vmem_shared>>) dst(%dma_wait3A_21 : memref<640x128xf32, #tpu.memory_space<hbm>>)
      tpu.yield
    }) : () -> ()
    return
  }
}

#map = affine_map<(d0, d1) -> (0, 0)>
#map1 = affine_map<(d0, d1) -> (0)>
module attributes {stable_mosaic.version = 14 : i64} {
  func.func @seg_sum(%arg0: i32, %arg1: i32, %arg2: memref<10000x128xf32, #tpu.memory_space<hbm>>, %arg3: memref<323584xi32, #tpu.memory_space<hbm>>, %arg4: memref<323584xi32, #tpu.memory_space<hbm>>, %arg5: memref<640x128xf32, #tpu.memory_space<hbm>>, %arg6: memref<20480x128xf32, #tpu.memory_space<hbm>>, %arg7: memref<128xi32, #tpu.memory_space<vmem>>, %arg8: memref<128xi32, #tpu.memory_space<vmem>>, %arg9: memref<128x128xf32, #tpu.memory_space<vmem>>, %arg10: memref<10240x128xf32, #tpu.memory_space<vmem_shared>>, %arg11: memref<!tpu.dma_semaphore, #tpu.memory_space<semaphore_mem>>) attributes {dimension_semantics = [#tpu.dimension_semantics<core_parallel>, #tpu.dimension_semantics<subcore_parallel>], iteration_bounds = array<i64: 2, 16>, scalar_prefetch = 0 : i64, scratch_operands = 5 : i64, tpu.core_type = #tpu.core_type<sc_vector_subcore>, window_params = [{transform_indices = #map}, {transform_indices = #map1}, {transform_indices = #map1}, {transform_indices = #map}, {transform_indices = #map}]} {
    %mul3A = arith.constant 16 : i32
    %mul3A_0 = arith.muli %arg0, %mul3A : i32
    %add3A = arith.addi %mul3A_0, %arg1 : i32
    %mul3A_1 = arith.constant 640 : i32
    %mul3A_2 = arith.muli %arg1, %mul3A_1 : i32
    "tpu.region"() ({
      %run_scoped3A = tpu.sem_alloc : memref<!tpu.dma_semaphore, #tpu.memory_space<semaphore_mem>>
      %dma_start3A = arith.constant 0 : i32
      %dma_start3A_18 = tpu.memref_slice %arg10[%mul3A_2, %dma_start3A] : memref<10240x128xf32, #tpu.memory_space<vmem_shared>> -> memref<640x128xf32, #tpu.memory_space<vmem_shared>>
      tpu.enqueue_dma source(%arg5 : memref<640x128xf32, #tpu.memory_space<hbm>>) target(%dma_start3A_18 : memref<640x128xf32, #tpu.memory_space<vmem_shared>>) target_semaphore(%run_scoped3A : memref<!tpu.dma_semaphore, #tpu.memory_space<semaphore_mem>>)
      %dma_wait3A = arith.constant 0 : i32
      %dma_wait3A_19 = tpu.memref_slice %arg10[%mul3A_2, %dma_wait3A] : memref<10240x128xf32, #tpu.memory_space<vmem_shared>> -> memref<640x128xf32, #tpu.memory_space<vmem_shared>>
      tpu.wait_dma2 semaphore(%run_scoped3A : memref<!tpu.dma_semaphore, #tpu.memory_space<semaphore_mem>>) src(%arg5 : memref<640x128xf32, #tpu.memory_space<hbm>>) dst(%dma_wait3A_19 : memref<640x128xf32, #tpu.memory_space<vmem_shared>>)
      tpu.yield
    }) : () -> ()
    %barrier3A = arith.constant 0 : index
    tpu.barrier barrier_id(%barrier3A)
    %mul3A_3 = arith.constant 10112 : i32
    %mul3A_4 = arith.muli %add3A, %mul3A_3 : i32
    %scan3A = arith.constant 0 : i32
    %scan3A_5 = arith.constant 0 : i32
    %scan3A_6 = arith.constant 79 : i32
    %scan3A_7 = arith.addi %scan3A_5, %scan3A_6 : i32
    %scan3A_8 = arith.constant 1 : i32
    scf.for %scan3A_18 = %scan3A_5 to %scan3A_7 step %scan3A_8  : i32 {
      %mul3A_19 = arith.constant 128 : i32
      %mul3A_20 = arith.muli %scan3A_18, %mul3A_19 : i32
      %add3A_21 = arith.addi %mul3A_4, %mul3A_20 : i32
      "tpu.region"() ({
        %run_scoped3A = tpu.sem_alloc : memref<!tpu.dma_semaphore, #tpu.memory_space<semaphore_mem>>
        %dma_start3A_26 = tpu.memref_slice %arg3[%add3A_21] : memref<323584xi32, #tpu.memory_space<hbm>> -> memref<128xi32, #tpu.memory_space<hbm>>
        %dma_start3A_27 = tpu.memref_slice %arg3[%add3A_21] : memref<323584xi32, #tpu.memory_space<hbm>> -> memref<128xi32, #tpu.memory_space<hbm>>
        tpu.enqueue_dma source(%dma_start3A_27 : memref<128xi32, #tpu.memory_space<hbm>>) target(%arg7 : memref<128xi32, #tpu.memory_space<vmem>>) target_semaphore(%run_scoped3A : memref<!tpu.dma_semaphore, #tpu.memory_space<semaphore_mem>>)
        %dma_wait3A_28 = tpu.memref_slice %arg3[%add3A_21] : memref<323584xi32, #tpu.memory_space<hbm>> -> memref<128xi32, #tpu.memory_space<hbm>>
        %dma_wait3A_29 = tpu.memref_slice %arg3[%add3A_21] : memref<323584xi32, #tpu.memory_space<hbm>> -> memref<128xi32, #tpu.memory_space<hbm>>
        tpu.wait_dma2 semaphore(%run_scoped3A : memref<!tpu.dma_semaphore, #tpu.memory_space<semaphore_mem>>) src(%dma_wait3A_29 : memref<128xi32, #tpu.memory_space<hbm>>) dst(%arg7 : memref<128xi32, #tpu.memory_space<vmem>>)
        tpu.yield
      }) : () -> ()
      "tpu.region"() ({
        %run_scoped3A = tpu.sem_alloc : memref<!tpu.dma_semaphore, #tpu.memory_space<semaphore_mem>>
        %dma_start3A_26 = tpu.memref_slice %arg4[%add3A_21] : memref<323584xi32, #tpu.memory_space<hbm>> -> memref<128xi32, #tpu.memory_space<hbm>>
        %dma_start3A_27 = tpu.memref_slice %arg4[%add3A_21] : memref<323584xi32, #tpu.memory_space<hbm>> -> memref<128xi32, #tpu.memory_space<hbm>>
        tpu.enqueue_dma source(%dma_start3A_27 : memref<128xi32, #tpu.memory_space<hbm>>) target(%arg8 : memref<128xi32, #tpu.memory_space<vmem>>) target_semaphore(%run_scoped3A : memref<!tpu.dma_semaphore, #tpu.memory_space<semaphore_mem>>)
        %dma_wait3A_28 = tpu.memref_slice %arg4[%add3A_21] : memref<323584xi32, #tpu.memory_space<hbm>> -> memref<128xi32, #tpu.memory_space<hbm>>
        %dma_wait3A_29 = tpu.memref_slice %arg4[%add3A_21] : memref<323584xi32, #tpu.memory_space<hbm>> -> memref<128xi32, #tpu.memory_space<hbm>>
        tpu.wait_dma2 semaphore(%run_scoped3A : memref<!tpu.dma_semaphore, #tpu.memory_space<semaphore_mem>>) src(%dma_wait3A_29 : memref<128xi32, #tpu.memory_space<hbm>>) dst(%arg8 : memref<128xi32, #tpu.memory_space<vmem>>)
        tpu.yield
      }) : () -> ()
      %dma_start3A = arith.constant 0 : i32
      %dma_start3A_22 = arith.constant 0 : i32
      %dma_start3A_23 = tpu.memref_slice %arg2[%dma_start3A, %dma_start3A_22] : memref<10000x128xf32, #tpu.memory_space<hbm>> -> memref<10000x128xf32, #tpu.memory_space<hbm>>
      tpu.enqueue_indirect_dma source(%dma_start3A_23 : memref<10000x128xf32, #tpu.memory_space<hbm>>) target(%arg9 : memref<128x128xf32, #tpu.memory_space<vmem>>) offsets(%arg7 : memref<128xi32, #tpu.memory_space<vmem>>) semaphore(%arg11 : memref<!tpu.dma_semaphore, #tpu.memory_space<semaphore_mem>>)
      %dma_wait3A = arith.constant 0 : i32
      %dma_wait3A_24 = arith.constant 0 : i32
      %dma_wait3A_25 = tpu.memref_slice %arg2[%dma_wait3A, %dma_wait3A_24] : memref<10000x128xf32, #tpu.memory_space<hbm>> -> memref<10000x128xf32, #tpu.memory_space<hbm>>
      tpu.wait_indirect_dma semaphore(%arg11 : memref<!tpu.dma_semaphore, #tpu.memory_space<semaphore_mem>>) src(%dma_wait3A_25 : memref<10000x128xf32, #tpu.memory_space<hbm>>) dst(%arg9 : memref<128x128xf32, #tpu.memory_space<vmem>>)
      "tpu.region"() ({
        %run_scoped3A = tpu.sem_alloc : memref<!tpu.dma_semaphore, #tpu.memory_space<semaphore_mem>>
        %dma_start3A_26 = arith.constant 0 : i32
        %dma_start3A_27 = arith.constant 0 : i32
        %dma_start3A_28 = tpu.memref_slice %arg10[%dma_start3A_26, %dma_start3A_27] : memref<10240x128xf32, #tpu.memory_space<vmem_shared>> -> memref<10240x128xf32, #tpu.memory_space<vmem_shared>>
        tpu.enqueue_indirect_dma source(%arg9 : memref<128x128xf32, #tpu.memory_space<vmem>>) target(%dma_start3A_28 : memref<10240x128xf32, #tpu.memory_space<vmem_shared>>) offsets(%arg8 : memref<128xi32, #tpu.memory_space<vmem>>) semaphore(%run_scoped3A : memref<!tpu.dma_semaphore, #tpu.memory_space<semaphore_mem>>) {add = true}
        %dma_wait3A_29 = arith.constant 0 : i32
        %dma_wait3A_30 = arith.constant 0 : i32
        %dma_wait3A_31 = tpu.memref_slice %arg10[%dma_wait3A_29, %dma_wait3A_30] : memref<10240x128xf32, #tpu.memory_space<vmem_shared>> -> memref<10240x128xf32, #tpu.memory_space<vmem_shared>>
        tpu.wait_indirect_dma semaphore(%run_scoped3A : memref<!tpu.dma_semaphore, #tpu.memory_space<semaphore_mem>>) src(%arg9 : memref<128x128xf32, #tpu.memory_space<vmem>>) dst(%dma_wait3A_31 : memref<10240x128xf32, #tpu.memory_space<vmem_shared>>)
        tpu.yield
      }) : () -> ()
    }
    %scan3A_9 = arith.constant 79 : i32
    %barrier3A_10 = arith.constant 0 : index
    tpu.barrier barrier_id(%barrier3A_10)
    %mul3A_11 = arith.constant 640 : i32
    %mul3A_12 = arith.muli %arg1, %mul3A_11 : i32
    %mul3A_13 = arith.constant 10240 : i32
    %mul3A_14 = arith.muli %arg0, %mul3A_13 : i32
    %mul3A_15 = arith.constant 640 : i32
    %mul3A_16 = arith.muli %arg1, %mul3A_15 : i32
    %add3A_17 = arith.addi %mul3A_14, %mul3A_16 : i32
    "tpu.region"() ({
      %run_scoped3A = tpu.sem_alloc : memref<!tpu.dma_semaphore, #tpu.memory_space<semaphore_mem>>
      %dma_start3A = arith.constant 0 : i32
      %dma_start3A_18 = tpu.memref_slice %arg6[%add3A_17, %dma_start3A] : memref<20480x128xf32, #tpu.memory_space<hbm>> -> memref<640x128xf32, #tpu.memory_space<hbm>>
      %dma_start3A_19 = arith.constant 0 : i32
      %dma_start3A_20 = tpu.memref_slice %arg10[%mul3A_12, %dma_start3A_19] : memref<10240x128xf32, #tpu.memory_space<vmem_shared>> -> memref<640x128xf32, #tpu.memory_space<vmem_shared>>
      tpu.enqueue_dma source(%dma_start3A_20 : memref<640x128xf32, #tpu.memory_space<vmem_shared>>) target(%dma_start3A_18 : memref<640x128xf32, #tpu.memory_space<hbm>>) target_semaphore(%run_scoped3A : memref<!tpu.dma_semaphore, #tpu.memory_space<semaphore_mem>>)
      %dma_wait3A = arith.constant 0 : i32
      %dma_wait3A_21 = tpu.memref_slice %arg6[%add3A_17, %dma_wait3A] : memref<20480x128xf32, #tpu.memory_space<hbm>> -> memref<640x128xf32, #tpu.memory_space<hbm>>
      %dma_wait3A_22 = arith.constant 0 : i32
      %dma_wait3A_23 = tpu.memref_slice %arg10[%mul3A_12, %dma_wait3A_22] : memref<10240x128xf32, #tpu.memory_space<vmem_shared>> -> memref<640x128xf32, #tpu.memory_space<vmem_shared>>
      tpu.wait_dma2 semaphore(%run_scoped3A : memref<!tpu.dma_semaphore, #tpu.memory_space<semaphore_mem>>) src(%dma_wait3A_23 : memref<640x128xf32, #tpu.memory_space<vmem_shared>>) dst(%dma_wait3A_21 : memref<640x128xf32, #tpu.memory_space<hbm>>)
      tpu.yield
    }) : () -> ()
    return
  }
}

#map = affine_map<(d0, d1) -> (0, 0)>
#map1 = affine_map<(d0, d1) -> (0)>
module attributes {stable_mosaic.version = 14 : i64} {
  func.func @seg_sum(%arg0: i32, %arg1: i32, %arg2: memref<10000x128xf32, #tpu.memory_space<hbm>>, %arg3: memref<323584xi32, #tpu.memory_space<hbm>>, %arg4: memref<323584xi32, #tpu.memory_space<hbm>>, %arg5: memref<640x128xf32, #tpu.memory_space<hbm>>, %arg6: memref<20480x128xf32, #tpu.memory_space<hbm>>, %arg7: memref<128xi32, #tpu.memory_space<vmem>>, %arg8: memref<128xi32, #tpu.memory_space<vmem>>, %arg9: memref<128x128xf32, #tpu.memory_space<vmem>>, %arg10: memref<10240x128xf32, #tpu.memory_space<vmem_shared>>, %arg11: memref<!tpu.dma_semaphore, #tpu.memory_space<semaphore_mem>>) attributes {dimension_semantics = [#tpu.dimension_semantics<core_parallel>, #tpu.dimension_semantics<subcore_parallel>], iteration_bounds = array<i64: 2, 16>, scalar_prefetch = 0 : i64, scratch_operands = 5 : i64, tpu.core_type = #tpu.core_type<sc_vector_subcore>, window_params = [{transform_indices = #map}, {transform_indices = #map1}, {transform_indices = #map1}, {transform_indices = #map}, {transform_indices = #map}]} {
    %mul3A = arith.constant 16 : i32
    %mul3A_0 = arith.muli %arg0, %mul3A : i32
    %add3A = arith.addi %mul3A_0, %arg1 : i32
    %mul3A_1 = arith.constant 640 : i32
    %mul3A_2 = arith.muli %arg1, %mul3A_1 : i32
    "tpu.region"() ({
      %run_scoped3A = tpu.sem_alloc : memref<!tpu.dma_semaphore, #tpu.memory_space<semaphore_mem>>
      %dma_start3A = arith.constant 0 : i32
      %dma_start3A_18 = tpu.memref_slice %arg10[%mul3A_2, %dma_start3A] : memref<10240x128xf32, #tpu.memory_space<vmem_shared>> -> memref<640x128xf32, #tpu.memory_space<vmem_shared>>
      tpu.enqueue_dma source(%arg5 : memref<640x128xf32, #tpu.memory_space<hbm>>) target(%dma_start3A_18 : memref<640x128xf32, #tpu.memory_space<vmem_shared>>) target_semaphore(%run_scoped3A : memref<!tpu.dma_semaphore, #tpu.memory_space<semaphore_mem>>)
      %dma_wait3A = arith.constant 0 : i32
      %dma_wait3A_19 = tpu.memref_slice %arg10[%mul3A_2, %dma_wait3A] : memref<10240x128xf32, #tpu.memory_space<vmem_shared>> -> memref<640x128xf32, #tpu.memory_space<vmem_shared>>
      tpu.wait_dma2 semaphore(%run_scoped3A : memref<!tpu.dma_semaphore, #tpu.memory_space<semaphore_mem>>) src(%arg5 : memref<640x128xf32, #tpu.memory_space<hbm>>) dst(%dma_wait3A_19 : memref<640x128xf32, #tpu.memory_space<vmem_shared>>)
      tpu.yield
    }) : () -> ()
    %barrier3A = arith.constant 0 : index
    tpu.barrier barrier_id(%barrier3A)
    %mul3A_3 = arith.constant 10112 : i32
    %mul3A_4 = arith.muli %add3A, %mul3A_3 : i32
    %scan3A = arith.constant 0 : i32
    %scan3A_5 = arith.constant 0 : i32
    %scan3A_6 = arith.constant 79 : i32
    %scan3A_7 = arith.addi %scan3A_5, %scan3A_6 : i32
    %scan3A_8 = arith.constant 1 : i32
    scf.for %scan3A_18 = %scan3A_5 to %scan3A_7 step %scan3A_8  : i32 {
      %mul3A_19 = arith.constant 128 : i32
      %mul3A_20 = arith.muli %scan3A_18, %mul3A_19 : i32
      %add3A_21 = arith.addi %mul3A_4, %mul3A_20 : i32
      "tpu.region"() ({
        %run_scoped3A = tpu.sem_alloc : memref<!tpu.dma_semaphore, #tpu.memory_space<semaphore_mem>>
        %dma_start3A_26 = tpu.memref_slice %arg3[%add3A_21] : memref<323584xi32, #tpu.memory_space<hbm>> -> memref<128xi32, #tpu.memory_space<hbm>>
        %dma_start3A_27 = tpu.memref_slice %arg3[%add3A_21] : memref<323584xi32, #tpu.memory_space<hbm>> -> memref<128xi32, #tpu.memory_space<hbm>>
        tpu.enqueue_dma source(%dma_start3A_27 : memref<128xi32, #tpu.memory_space<hbm>>) target(%arg7 : memref<128xi32, #tpu.memory_space<vmem>>) target_semaphore(%run_scoped3A : memref<!tpu.dma_semaphore, #tpu.memory_space<semaphore_mem>>)
        %dma_wait3A_28 = tpu.memref_slice %arg3[%add3A_21] : memref<323584xi32, #tpu.memory_space<hbm>> -> memref<128xi32, #tpu.memory_space<hbm>>
        %dma_wait3A_29 = tpu.memref_slice %arg3[%add3A_21] : memref<323584xi32, #tpu.memory_space<hbm>> -> memref<128xi32, #tpu.memory_space<hbm>>
        tpu.wait_dma2 semaphore(%run_scoped3A : memref<!tpu.dma_semaphore, #tpu.memory_space<semaphore_mem>>) src(%dma_wait3A_29 : memref<128xi32, #tpu.memory_space<hbm>>) dst(%arg7 : memref<128xi32, #tpu.memory_space<vmem>>)
        tpu.yield
      }) : () -> ()
      "tpu.region"() ({
        %run_scoped3A = tpu.sem_alloc : memref<!tpu.dma_semaphore, #tpu.memory_space<semaphore_mem>>
        %dma_start3A_26 = tpu.memref_slice %arg4[%add3A_21] : memref<323584xi32, #tpu.memory_space<hbm>> -> memref<128xi32, #tpu.memory_space<hbm>>
        %dma_start3A_27 = tpu.memref_slice %arg4[%add3A_21] : memref<323584xi32, #tpu.memory_space<hbm>> -> memref<128xi32, #tpu.memory_space<hbm>>
        tpu.enqueue_dma source(%dma_start3A_27 : memref<128xi32, #tpu.memory_space<hbm>>) target(%arg8 : memref<128xi32, #tpu.memory_space<vmem>>) target_semaphore(%run_scoped3A : memref<!tpu.dma_semaphore, #tpu.memory_space<semaphore_mem>>)
        %dma_wait3A_28 = tpu.memref_slice %arg4[%add3A_21] : memref<323584xi32, #tpu.memory_space<hbm>> -> memref<128xi32, #tpu.memory_space<hbm>>
        %dma_wait3A_29 = tpu.memref_slice %arg4[%add3A_21] : memref<323584xi32, #tpu.memory_space<hbm>> -> memref<128xi32, #tpu.memory_space<hbm>>
        tpu.wait_dma2 semaphore(%run_scoped3A : memref<!tpu.dma_semaphore, #tpu.memory_space<semaphore_mem>>) src(%dma_wait3A_29 : memref<128xi32, #tpu.memory_space<hbm>>) dst(%arg8 : memref<128xi32, #tpu.memory_space<vmem>>)
        tpu.yield
      }) : () -> ()
      %dma_start3A = arith.constant 0 : i32
      %dma_start3A_22 = arith.constant 0 : i32
      %dma_start3A_23 = tpu.memref_slice %arg2[%dma_start3A, %dma_start3A_22] : memref<10000x128xf32, #tpu.memory_space<hbm>> -> memref<10000x128xf32, #tpu.memory_space<hbm>>
      tpu.enqueue_indirect_dma source(%dma_start3A_23 : memref<10000x128xf32, #tpu.memory_space<hbm>>) target(%arg9 : memref<128x128xf32, #tpu.memory_space<vmem>>) offsets(%arg7 : memref<128xi32, #tpu.memory_space<vmem>>) semaphore(%arg11 : memref<!tpu.dma_semaphore, #tpu.memory_space<semaphore_mem>>)
      %dma_wait3A = arith.constant 0 : i32
      %dma_wait3A_24 = arith.constant 0 : i32
      %dma_wait3A_25 = tpu.memref_slice %arg2[%dma_wait3A, %dma_wait3A_24] : memref<10000x128xf32, #tpu.memory_space<hbm>> -> memref<10000x128xf32, #tpu.memory_space<hbm>>
      tpu.wait_indirect_dma semaphore(%arg11 : memref<!tpu.dma_semaphore, #tpu.memory_space<semaphore_mem>>) src(%dma_wait3A_25 : memref<10000x128xf32, #tpu.memory_space<hbm>>) dst(%arg9 : memref<128x128xf32, #tpu.memory_space<vmem>>)
      "tpu.region"() ({
        %run_scoped3A = tpu.sem_alloc : memref<!tpu.dma_semaphore, #tpu.memory_space<semaphore_mem>>
        %dma_start3A_26 = arith.constant 0 : i32
        %dma_start3A_27 = arith.constant 0 : i32
        %dma_start3A_28 = tpu.memref_slice %arg10[%dma_start3A_26, %dma_start3A_27] : memref<10240x128xf32, #tpu.memory_space<vmem_shared>> -> memref<10240x128xf32, #tpu.memory_space<vmem_shared>>
        tpu.enqueue_indirect_dma source(%arg9 : memref<128x128xf32, #tpu.memory_space<vmem>>) target(%dma_start3A_28 : memref<10240x128xf32, #tpu.memory_space<vmem_shared>>) offsets(%arg8 : memref<128xi32, #tpu.memory_space<vmem>>) semaphore(%run_scoped3A : memref<!tpu.dma_semaphore, #tpu.memory_space<semaphore_mem>>) {add = true}
        %dma_wait3A_29 = arith.constant 0 : i32
        %dma_wait3A_30 = arith.constant 0 : i32
        %dma_wait3A_31 = tpu.memref_slice %arg10[%dma_wait3A_29, %dma_wait3A_30] : memref<10240x128xf32, #tpu.memory_space<vmem_shared>> -> memref<10240x128xf32, #tpu.memory_space<vmem_shared>>
        tpu.wait_indirect_dma semaphore(%run_scoped3A : memref<!tpu.dma_semaphore, #tpu.memory_space<semaphore_mem>>) src(%arg9 : memref<128x128xf32, #tpu.memory_space<vmem>>) dst(%dma_wait3A_31 : memref<10240x128xf32, #tpu.memory_space<vmem_shared>>)
        tpu.yield
      }) : () -> ()
    }
    %scan3A_9 = arith.constant 79 : i32
    %barrier3A_10 = arith.constant 0 : index
    tpu.barrier barrier_id(%barrier3A_10)
    %mul3A_11 = arith.constant 640 : i32
    %mul3A_12 = arith.muli %arg1, %mul3A_11 : i32
    %mul3A_13 = arith.constant 10240 : i32
    %mul3A_14 = arith.muli %arg0, %mul3A_13 : i32
    %mul3A_15 = arith.constant 640 : i32
    %mul3A_16 = arith.muli %arg1, %mul3A_15 : i32
    %add3A_17 = arith.addi %mul3A_14, %mul3A_16 : i32
    "tpu.region"() ({
      %run_scoped3A = tpu.sem_alloc : memref<!tpu.dma_semaphore, #tpu.memory_space<semaphore_mem>>
      %dma_start3A = arith.constant 0 : i32
      %dma_start3A_18 = tpu.memref_slice %arg6[%add3A_17, %dma_start3A] : memref<20480x128xf32, #tpu.memory_space<hbm>> -> memref<640x128xf32, #tpu.memory_space<hbm>>
      %dma_start3A_19 = arith.constant 0 : i32
      %dma_start3A_20 = tpu.memref_slice %arg10[%mul3A_12, %dma_start3A_19] : memref<10240x128xf32, #tpu.memory_space<vmem_shared>> -> memref<640x128xf32, #tpu.memory_space<vmem_shared>>
      tpu.enqueue_dma source(%dma_start3A_20 : memref<640x128xf32, #tpu.memory_space<vmem_shared>>) target(%dma_start3A_18 : memref<640x128xf32, #tpu.memory_space<hbm>>) target_semaphore(%run_scoped3A : memref<!tpu.dma_semaphore, #tpu.memory_space<semaphore_mem>>)
      %dma_wait3A = arith.constant 0 : i32
      %dma_wait3A_21 = tpu.memref_slice %arg6[%add3A_17, %dma_wait3A] : memref<20480x128xf32, #tpu.memory_space<hbm>> -> memref<640x128xf32, #tpu.memory_space<hbm>>
      %dma_wait3A_22 = arith.constant 0 : i32
      %dma_wait3A_23 = tpu.memref_slice %arg10[%mul3A_12, %dma_wait3A_22] : memref<10240x128xf32, #tpu.memory_space<vmem_shared>> -> memref<640x128xf32, #tpu.memory_space<vmem_shared>>
      tpu.wait_dma2 semaphore(%run_scoped3A : memref<!tpu.dma_semaphore, #tpu.memory_space<semaphore_mem>>) src(%dma_wait3A_23 : memref<640x128xf32, #tpu.memory_space<vmem_shared>>) dst(%dma_wait3A_21 : memref<640x128xf32, #tpu.memory_space<hbm>>)
      tpu.yield
    }) : () -> ()
    return
  }
}

#map = affine_map<(d0, d1) -> (0, 0)>
#map1 = affine_map<(d0, d1) -> (0)>
module attributes {stable_mosaic.version = 14 : i64} {
  func.func @seg_sum(%arg0: i32, %arg1: i32, %arg2: memref<10000x128xf32, #tpu.memory_space<hbm>>, %arg3: memref<323584xi32, #tpu.memory_space<hbm>>, %arg4: memref<323584xi32, #tpu.memory_space<hbm>>, %arg5: memref<640x128xf32, #tpu.memory_space<hbm>>, %arg6: memref<20480x128xf32, #tpu.memory_space<hbm>>, %arg7: memref<128xi32, #tpu.memory_space<vmem>>, %arg8: memref<128xi32, #tpu.memory_space<vmem>>, %arg9: memref<128x128xf32, #tpu.memory_space<vmem>>, %arg10: memref<10240x128xf32, #tpu.memory_space<vmem_shared>>, %arg11: memref<!tpu.dma_semaphore, #tpu.memory_space<semaphore_mem>>) attributes {dimension_semantics = [#tpu.dimension_semantics<core_parallel>, #tpu.dimension_semantics<subcore_parallel>], iteration_bounds = array<i64: 2, 16>, scalar_prefetch = 0 : i64, scratch_operands = 5 : i64, tpu.core_type = #tpu.core_type<sc_vector_subcore>, window_params = [{transform_indices = #map}, {transform_indices = #map1}, {transform_indices = #map1}, {transform_indices = #map}, {transform_indices = #map}]} {
    %mul3A = arith.constant 16 : i32
    %mul3A_0 = arith.muli %arg0, %mul3A : i32
    %add3A = arith.addi %mul3A_0, %arg1 : i32
    %mul3A_1 = arith.constant 640 : i32
    %mul3A_2 = arith.muli %arg1, %mul3A_1 : i32
    "tpu.region"() ({
      %run_scoped3A = tpu.sem_alloc : memref<!tpu.dma_semaphore, #tpu.memory_space<semaphore_mem>>
      %dma_start3A = arith.constant 0 : i32
      %dma_start3A_18 = tpu.memref_slice %arg10[%mul3A_2, %dma_start3A] : memref<10240x128xf32, #tpu.memory_space<vmem_shared>> -> memref<640x128xf32, #tpu.memory_space<vmem_shared>>
      tpu.enqueue_dma source(%arg5 : memref<640x128xf32, #tpu.memory_space<hbm>>) target(%dma_start3A_18 : memref<640x128xf32, #tpu.memory_space<vmem_shared>>) target_semaphore(%run_scoped3A : memref<!tpu.dma_semaphore, #tpu.memory_space<semaphore_mem>>)
      %dma_wait3A = arith.constant 0 : i32
      %dma_wait3A_19 = tpu.memref_slice %arg10[%mul3A_2, %dma_wait3A] : memref<10240x128xf32, #tpu.memory_space<vmem_shared>> -> memref<640x128xf32, #tpu.memory_space<vmem_shared>>
      tpu.wait_dma2 semaphore(%run_scoped3A : memref<!tpu.dma_semaphore, #tpu.memory_space<semaphore_mem>>) src(%arg5 : memref<640x128xf32, #tpu.memory_space<hbm>>) dst(%dma_wait3A_19 : memref<640x128xf32, #tpu.memory_space<vmem_shared>>)
      tpu.yield
    }) : () -> ()
    %barrier3A = arith.constant 0 : index
    tpu.barrier barrier_id(%barrier3A)
    %mul3A_3 = arith.constant 10112 : i32
    %mul3A_4 = arith.muli %add3A, %mul3A_3 : i32
    %scan3A = arith.constant 0 : i32
    %scan3A_5 = arith.constant 0 : i32
    %scan3A_6 = arith.constant 79 : i32
    %scan3A_7 = arith.addi %scan3A_5, %scan3A_6 : i32
    %scan3A_8 = arith.constant 1 : i32
    scf.for %scan3A_18 = %scan3A_5 to %scan3A_7 step %scan3A_8  : i32 {
      %mul3A_19 = arith.constant 128 : i32
      %mul3A_20 = arith.muli %scan3A_18, %mul3A_19 : i32
      %add3A_21 = arith.addi %mul3A_4, %mul3A_20 : i32
      "tpu.region"() ({
        %run_scoped3A = tpu.sem_alloc : memref<!tpu.dma_semaphore, #tpu.memory_space<semaphore_mem>>
        %dma_start3A_26 = tpu.memref_slice %arg3[%add3A_21] : memref<323584xi32, #tpu.memory_space<hbm>> -> memref<128xi32, #tpu.memory_space<hbm>>
        %dma_start3A_27 = tpu.memref_slice %arg3[%add3A_21] : memref<323584xi32, #tpu.memory_space<hbm>> -> memref<128xi32, #tpu.memory_space<hbm>>
        tpu.enqueue_dma source(%dma_start3A_27 : memref<128xi32, #tpu.memory_space<hbm>>) target(%arg7 : memref<128xi32, #tpu.memory_space<vmem>>) target_semaphore(%run_scoped3A : memref<!tpu.dma_semaphore, #tpu.memory_space<semaphore_mem>>)
        %dma_wait3A_28 = tpu.memref_slice %arg3[%add3A_21] : memref<323584xi32, #tpu.memory_space<hbm>> -> memref<128xi32, #tpu.memory_space<hbm>>
        %dma_wait3A_29 = tpu.memref_slice %arg3[%add3A_21] : memref<323584xi32, #tpu.memory_space<hbm>> -> memref<128xi32, #tpu.memory_space<hbm>>
        tpu.wait_dma2 semaphore(%run_scoped3A : memref<!tpu.dma_semaphore, #tpu.memory_space<semaphore_mem>>) src(%dma_wait3A_29 : memref<128xi32, #tpu.memory_space<hbm>>) dst(%arg7 : memref<128xi32, #tpu.memory_space<vmem>>)
        tpu.yield
      }) : () -> ()
      "tpu.region"() ({
        %run_scoped3A = tpu.sem_alloc : memref<!tpu.dma_semaphore, #tpu.memory_space<semaphore_mem>>
        %dma_start3A_26 = tpu.memref_slice %arg4[%add3A_21] : memref<323584xi32, #tpu.memory_space<hbm>> -> memref<128xi32, #tpu.memory_space<hbm>>
        %dma_start3A_27 = tpu.memref_slice %arg4[%add3A_21] : memref<323584xi32, #tpu.memory_space<hbm>> -> memref<128xi32, #tpu.memory_space<hbm>>
        tpu.enqueue_dma source(%dma_start3A_27 : memref<128xi32, #tpu.memory_space<hbm>>) target(%arg8 : memref<128xi32, #tpu.memory_space<vmem>>) target_semaphore(%run_scoped3A : memref<!tpu.dma_semaphore, #tpu.memory_space<semaphore_mem>>)
        %dma_wait3A_28 = tpu.memref_slice %arg4[%add3A_21] : memref<323584xi32, #tpu.memory_space<hbm>> -> memref<128xi32, #tpu.memory_space<hbm>>
        %dma_wait3A_29 = tpu.memref_slice %arg4[%add3A_21] : memref<323584xi32, #tpu.memory_space<hbm>> -> memref<128xi32, #tpu.memory_space<hbm>>
        tpu.wait_dma2 semaphore(%run_scoped3A : memref<!tpu.dma_semaphore, #tpu.memory_space<semaphore_mem>>) src(%dma_wait3A_29 : memref<128xi32, #tpu.memory_space<hbm>>) dst(%arg8 : memref<128xi32, #tpu.memory_space<vmem>>)
        tpu.yield
      }) : () -> ()
      %dma_start3A = arith.constant 0 : i32
      %dma_start3A_22 = arith.constant 0 : i32
      %dma_start3A_23 = tpu.memref_slice %arg2[%dma_start3A, %dma_start3A_22] : memref<10000x128xf32, #tpu.memory_space<hbm>> -> memref<10000x128xf32, #tpu.memory_space<hbm>>
      tpu.enqueue_indirect_dma source(%dma_start3A_23 : memref<10000x128xf32, #tpu.memory_space<hbm>>) target(%arg9 : memref<128x128xf32, #tpu.memory_space<vmem>>) offsets(%arg7 : memref<128xi32, #tpu.memory_space<vmem>>) semaphore(%arg11 : memref<!tpu.dma_semaphore, #tpu.memory_space<semaphore_mem>>)
      %dma_wait3A = arith.constant 0 : i32
      %dma_wait3A_24 = arith.constant 0 : i32
      %dma_wait3A_25 = tpu.memref_slice %arg2[%dma_wait3A, %dma_wait3A_24] : memref<10000x128xf32, #tpu.memory_space<hbm>> -> memref<10000x128xf32, #tpu.memory_space<hbm>>
      tpu.wait_indirect_dma semaphore(%arg11 : memref<!tpu.dma_semaphore, #tpu.memory_space<semaphore_mem>>) src(%dma_wait3A_25 : memref<10000x128xf32, #tpu.memory_space<hbm>>) dst(%arg9 : memref<128x128xf32, #tpu.memory_space<vmem>>)
      "tpu.region"() ({
        %run_scoped3A = tpu.sem_alloc : memref<!tpu.dma_semaphore, #tpu.memory_space<semaphore_mem>>
        %dma_start3A_26 = arith.constant 0 : i32
        %dma_start3A_27 = arith.constant 0 : i32
        %dma_start3A_28 = tpu.memref_slice %arg10[%dma_start3A_26, %dma_start3A_27] : memref<10240x128xf32, #tpu.memory_space<vmem_shared>> -> memref<10240x128xf32, #tpu.memory_space<vmem_shared>>
        tpu.enqueue_indirect_dma source(%arg9 : memref<128x128xf32, #tpu.memory_space<vmem>>) target(%dma_start3A_28 : memref<10240x128xf32, #tpu.memory_space<vmem_shared>>) offsets(%arg8 : memref<128xi32, #tpu.memory_space<vmem>>) semaphore(%run_scoped3A : memref<!tpu.dma_semaphore, #tpu.memory_space<semaphore_mem>>) {add = true}
        %dma_wait3A_29 = arith.constant 0 : i32
        %dma_wait3A_30 = arith.constant 0 : i32
        %dma_wait3A_31 = tpu.memref_slice %arg10[%dma_wait3A_29, %dma_wait3A_30] : memref<10240x128xf32, #tpu.memory_space<vmem_shared>> -> memref<10240x128xf32, #tpu.memory_space<vmem_shared>>
        tpu.wait_indirect_dma semaphore(%run_scoped3A : memref<!tpu.dma_semaphore, #tpu.memory_space<semaphore_mem>>) src(%arg9 : memref<128x128xf32, #tpu.memory_space<vmem>>) dst(%dma_wait3A_31 : memref<10240x128xf32, #tpu.memory_space<vmem_shared>>)
        tpu.yield
      }) : () -> ()
    }
    %scan3A_9 = arith.constant 79 : i32
    %barrier3A_10 = arith.constant 0 : index
    tpu.barrier barrier_id(%barrier3A_10)
    %mul3A_11 = arith.constant 640 : i32
    %mul3A_12 = arith.muli %arg1, %mul3A_11 : i32
    %mul3A_13 = arith.constant 10240 : i32
    %mul3A_14 = arith.muli %arg0, %mul3A_13 : i32
    %mul3A_15 = arith.constant 640 : i32
    %mul3A_16 = arith.muli %arg1, %mul3A_15 : i32
    %add3A_17 = arith.addi %mul3A_14, %mul3A_16 : i32
    "tpu.region"() ({
      %run_scoped3A = tpu.sem_alloc : memref<!tpu.dma_semaphore, #tpu.memory_space<semaphore_mem>>
      %dma_start3A = arith.constant 0 : i32
      %dma_start3A_18 = tpu.memref_slice %arg6[%add3A_17, %dma_start3A] : memref<20480x128xf32, #tpu.memory_space<hbm>> -> memref<640x128xf32, #tpu.memory_space<hbm>>
      %dma_start3A_19 = arith.constant 0 : i32
      %dma_start3A_20 = tpu.memref_slice %arg10[%mul3A_12, %dma_start3A_19] : memref<10240x128xf32, #tpu.memory_space<vmem_shared>> -> memref<640x128xf32, #tpu.memory_space<vmem_shared>>
      tpu.enqueue_dma source(%dma_start3A_20 : memref<640x128xf32, #tpu.memory_space<vmem_shared>>) target(%dma_start3A_18 : memref<640x128xf32, #tpu.memory_space<hbm>>) target_semaphore(%run_scoped3A : memref<!tpu.dma_semaphore, #tpu.memory_space<semaphore_mem>>)
      %dma_wait3A = arith.constant 0 : i32
      %dma_wait3A_21 = tpu.memref_slice %arg6[%add3A_17, %dma_wait3A] : memref<20480x128xf32, #tpu.memory_space<hbm>> -> memref<640x128xf32, #tpu.memory_space<hbm>>
      %dma_wait3A_22 = arith.constant 0 : i32
      %dma_wait3A_23 = tpu.memref_slice %arg10[%mul3A_12, %dma_wait3A_22] : memref<10240x128xf32, #tpu.memory_space<vmem_shared>> -> memref<640x128xf32, #tpu.memory_space<vmem_shared>>
      tpu.wait_dma2 semaphore(%run_scoped3A : memref<!tpu.dma_semaphore, #tpu.memory_space<semaphore_mem>>) src(%dma_wait3A_23 : memref<640x128xf32, #tpu.memory_space<vmem_shared>>) dst(%dma_wait3A_21 : memref<640x128xf32, #tpu.memory_space<hbm>>)
      tpu.yield
    }) : () -> ()
    return
  }
}

#map = affine_map<(d0, d1) -> (0, 0)>
#map1 = affine_map<(d0, d1) -> (0)>
module attributes {stable_mosaic.version = 14 : i64} {
  func.func @seg_sum(%arg0: i32, %arg1: i32, %arg2: memref<10000x128xf32, #tpu.memory_space<hbm>>, %arg3: memref<323584xi32, #tpu.memory_space<hbm>>, %arg4: memref<323584xi32, #tpu.memory_space<hbm>>, %arg5: memref<640x128xf32, #tpu.memory_space<hbm>>, %arg6: memref<20480x128xf32, #tpu.memory_space<hbm>>, %arg7: memref<128xi32, #tpu.memory_space<vmem>>, %arg8: memref<128xi32, #tpu.memory_space<vmem>>, %arg9: memref<128x128xf32, #tpu.memory_space<vmem>>, %arg10: memref<10240x128xf32, #tpu.memory_space<vmem_shared>>, %arg11: memref<!tpu.dma_semaphore, #tpu.memory_space<semaphore_mem>>) attributes {dimension_semantics = [#tpu.dimension_semantics<core_parallel>, #tpu.dimension_semantics<subcore_parallel>], iteration_bounds = array<i64: 2, 16>, scalar_prefetch = 0 : i64, scratch_operands = 5 : i64, tpu.core_type = #tpu.core_type<sc_vector_subcore>, window_params = [{transform_indices = #map}, {transform_indices = #map1}, {transform_indices = #map1}, {transform_indices = #map}, {transform_indices = #map}]} {
    %mul3A = arith.constant 16 : i32
    %mul3A_0 = arith.muli %arg0, %mul3A : i32
    %add3A = arith.addi %mul3A_0, %arg1 : i32
    %mul3A_1 = arith.constant 640 : i32
    %mul3A_2 = arith.muli %arg1, %mul3A_1 : i32
    "tpu.region"() ({
      %run_scoped3A = tpu.sem_alloc : memref<!tpu.dma_semaphore, #tpu.memory_space<semaphore_mem>>
      %dma_start3A = arith.constant 0 : i32
      %dma_start3A_18 = tpu.memref_slice %arg10[%mul3A_2, %dma_start3A] : memref<10240x128xf32, #tpu.memory_space<vmem_shared>> -> memref<640x128xf32, #tpu.memory_space<vmem_shared>>
      tpu.enqueue_dma source(%arg5 : memref<640x128xf32, #tpu.memory_space<hbm>>) target(%dma_start3A_18 : memref<640x128xf32, #tpu.memory_space<vmem_shared>>) target_semaphore(%run_scoped3A : memref<!tpu.dma_semaphore, #tpu.memory_space<semaphore_mem>>)
      %dma_wait3A = arith.constant 0 : i32
      %dma_wait3A_19 = tpu.memref_slice %arg10[%mul3A_2, %dma_wait3A] : memref<10240x128xf32, #tpu.memory_space<vmem_shared>> -> memref<640x128xf32, #tpu.memory_space<vmem_shared>>
      tpu.wait_dma2 semaphore(%run_scoped3A : memref<!tpu.dma_semaphore, #tpu.memory_space<semaphore_mem>>) src(%arg5 : memref<640x128xf32, #tpu.memory_space<hbm>>) dst(%dma_wait3A_19 : memref<640x128xf32, #tpu.memory_space<vmem_shared>>)
      tpu.yield
    }) : () -> ()
    %barrier3A = arith.constant 0 : index
    tpu.barrier barrier_id(%barrier3A)
    %mul3A_3 = arith.constant 10112 : i32
    %mul3A_4 = arith.muli %add3A, %mul3A_3 : i32
    %scan3A = arith.constant 0 : i32
    %scan3A_5 = arith.constant 0 : i32
    %scan3A_6 = arith.constant 79 : i32
    %scan3A_7 = arith.addi %scan3A_5, %scan3A_6 : i32
    %scan3A_8 = arith.constant 1 : i32
    scf.for %scan3A_18 = %scan3A_5 to %scan3A_7 step %scan3A_8  : i32 {
      %mul3A_19 = arith.constant 128 : i32
      %mul3A_20 = arith.muli %scan3A_18, %mul3A_19 : i32
      %add3A_21 = arith.addi %mul3A_4, %mul3A_20 : i32
      "tpu.region"() ({
        %run_scoped3A = tpu.sem_alloc : memref<!tpu.dma_semaphore, #tpu.memory_space<semaphore_mem>>
        %dma_start3A_26 = tpu.memref_slice %arg3[%add3A_21] : memref<323584xi32, #tpu.memory_space<hbm>> -> memref<128xi32, #tpu.memory_space<hbm>>
        %dma_start3A_27 = tpu.memref_slice %arg3[%add3A_21] : memref<323584xi32, #tpu.memory_space<hbm>> -> memref<128xi32, #tpu.memory_space<hbm>>
        tpu.enqueue_dma source(%dma_start3A_27 : memref<128xi32, #tpu.memory_space<hbm>>) target(%arg7 : memref<128xi32, #tpu.memory_space<vmem>>) target_semaphore(%run_scoped3A : memref<!tpu.dma_semaphore, #tpu.memory_space<semaphore_mem>>)
        %dma_wait3A_28 = tpu.memref_slice %arg3[%add3A_21] : memref<323584xi32, #tpu.memory_space<hbm>> -> memref<128xi32, #tpu.memory_space<hbm>>
        %dma_wait3A_29 = tpu.memref_slice %arg3[%add3A_21] : memref<323584xi32, #tpu.memory_space<hbm>> -> memref<128xi32, #tpu.memory_space<hbm>>
        tpu.wait_dma2 semaphore(%run_scoped3A : memref<!tpu.dma_semaphore, #tpu.memory_space<semaphore_mem>>) src(%dma_wait3A_29 : memref<128xi32, #tpu.memory_space<hbm>>) dst(%arg7 : memref<128xi32, #tpu.memory_space<vmem>>)
        tpu.yield
      }) : () -> ()
      "tpu.region"() ({
        %run_scoped3A = tpu.sem_alloc : memref<!tpu.dma_semaphore, #tpu.memory_space<semaphore_mem>>
        %dma_start3A_26 = tpu.memref_slice %arg4[%add3A_21] : memref<323584xi32, #tpu.memory_space<hbm>> -> memref<128xi32, #tpu.memory_space<hbm>>
        %dma_start3A_27 = tpu.memref_slice %arg4[%add3A_21] : memref<323584xi32, #tpu.memory_space<hbm>> -> memref<128xi32, #tpu.memory_space<hbm>>
        tpu.enqueue_dma source(%dma_start3A_27 : memref<128xi32, #tpu.memory_space<hbm>>) target(%arg8 : memref<128xi32, #tpu.memory_space<vmem>>) target_semaphore(%run_scoped3A : memref<!tpu.dma_semaphore, #tpu.memory_space<semaphore_mem>>)
        %dma_wait3A_28 = tpu.memref_slice %arg4[%add3A_21] : memref<323584xi32, #tpu.memory_space<hbm>> -> memref<128xi32, #tpu.memory_space<hbm>>
        %dma_wait3A_29 = tpu.memref_slice %arg4[%add3A_21] : memref<323584xi32, #tpu.memory_space<hbm>> -> memref<128xi32, #tpu.memory_space<hbm>>
        tpu.wait_dma2 semaphore(%run_scoped3A : memref<!tpu.dma_semaphore, #tpu.memory_space<semaphore_mem>>) src(%dma_wait3A_29 : memref<128xi32, #tpu.memory_space<hbm>>) dst(%arg8 : memref<128xi32, #tpu.memory_space<vmem>>)
        tpu.yield
      }) : () -> ()
      %dma_start3A = arith.constant 0 : i32
      %dma_start3A_22 = arith.constant 0 : i32
      %dma_start3A_23 = tpu.memref_slice %arg2[%dma_start3A, %dma_start3A_22] : memref<10000x128xf32, #tpu.memory_space<hbm>> -> memref<10000x128xf32, #tpu.memory_space<hbm>>
      tpu.enqueue_indirect_dma source(%dma_start3A_23 : memref<10000x128xf32, #tpu.memory_space<hbm>>) target(%arg9 : memref<128x128xf32, #tpu.memory_space<vmem>>) offsets(%arg7 : memref<128xi32, #tpu.memory_space<vmem>>) semaphore(%arg11 : memref<!tpu.dma_semaphore, #tpu.memory_space<semaphore_mem>>)
      %dma_wait3A = arith.constant 0 : i32
      %dma_wait3A_24 = arith.constant 0 : i32
      %dma_wait3A_25 = tpu.memref_slice %arg2[%dma_wait3A, %dma_wait3A_24] : memref<10000x128xf32, #tpu.memory_space<hbm>> -> memref<10000x128xf32, #tpu.memory_space<hbm>>
      tpu.wait_indirect_dma semaphore(%arg11 : memref<!tpu.dma_semaphore, #tpu.memory_space<semaphore_mem>>) src(%dma_wait3A_25 : memref<10000x128xf32, #tpu.memory_space<hbm>>) dst(%arg9 : memref<128x128xf32, #tpu.memory_space<vmem>>)
      "tpu.region"() ({
        %run_scoped3A = tpu.sem_alloc : memref<!tpu.dma_semaphore, #tpu.memory_space<semaphore_mem>>
        %dma_start3A_26 = arith.constant 0 : i32
        %dma_start3A_27 = arith.constant 0 : i32
        %dma_start3A_28 = tpu.memref_slice %arg10[%dma_start3A_26, %dma_start3A_27] : memref<10240x128xf32, #tpu.memory_space<vmem_shared>> -> memref<10240x128xf32, #tpu.memory_space<vmem_shared>>
        tpu.enqueue_indirect_dma source(%arg9 : memref<128x128xf32, #tpu.memory_space<vmem>>) target(%dma_start3A_28 : memref<10240x128xf32, #tpu.memory_space<vmem_shared>>) offsets(%arg8 : memref<128xi32, #tpu.memory_space<vmem>>) semaphore(%run_scoped3A : memref<!tpu.dma_semaphore, #tpu.memory_space<semaphore_mem>>) {add = true}
        %dma_wait3A_29 = arith.constant 0 : i32
        %dma_wait3A_30 = arith.constant 0 : i32
        %dma_wait3A_31 = tpu.memref_slice %arg10[%dma_wait3A_29, %dma_wait3A_30] : memref<10240x128xf32, #tpu.memory_space<vmem_shared>> -> memref<10240x128xf32, #tpu.memory_space<vmem_shared>>
        tpu.wait_indirect_dma semaphore(%run_scoped3A : memref<!tpu.dma_semaphore, #tpu.memory_space<semaphore_mem>>) src(%arg9 : memref<128x128xf32, #tpu.memory_space<vmem>>) dst(%dma_wait3A_31 : memref<10240x128xf32, #tpu.memory_space<vmem_shared>>)
        tpu.yield
      }) : () -> ()
    }
    %scan3A_9 = arith.constant 79 : i32
    %barrier3A_10 = arith.constant 0 : index
    tpu.barrier barrier_id(%barrier3A_10)
    %mul3A_11 = arith.constant 640 : i32
    %mul3A_12 = arith.muli %arg1, %mul3A_11 : i32
    %mul3A_13 = arith.constant 10240 : i32
    %mul3A_14 = arith.muli %arg0, %mul3A_13 : i32
    %mul3A_15 = arith.constant 640 : i32
    %mul3A_16 = arith.muli %arg1, %mul3A_15 : i32
    %add3A_17 = arith.addi %mul3A_14, %mul3A_16 : i32
    "tpu.region"() ({
      %run_scoped3A = tpu.sem_alloc : memref<!tpu.dma_semaphore, #tpu.memory_space<semaphore_mem>>
      %dma_start3A = arith.constant 0 : i32
      %dma_start3A_18 = tpu.memref_slice %arg6[%add3A_17, %dma_start3A] : memref<20480x128xf32, #tpu.memory_space<hbm>> -> memref<640x128xf32, #tpu.memory_space<hbm>>
      %dma_start3A_19 = arith.constant 0 : i32
      %dma_start3A_20 = tpu.memref_slice %arg10[%mul3A_12, %dma_start3A_19] : memref<10240x128xf32, #tpu.memory_space<vmem_shared>> -> memref<640x128xf32, #tpu.memory_space<vmem_shared>>
      tpu.enqueue_dma source(%dma_start3A_20 : memref<640x128xf32, #tpu.memory_space<vmem_shared>>) target(%dma_start3A_18 : memref<640x128xf32, #tpu.memory_space<hbm>>) target_semaphore(%run_scoped3A : memref<!tpu.dma_semaphore, #tpu.memory_space<semaphore_mem>>)
      %dma_wait3A = arith.constant 0 : i32
      %dma_wait3A_21 = tpu.memref_slice %arg6[%add3A_17, %dma_wait3A] : memref<20480x128xf32, #tpu.memory_space<hbm>> -> memref<640x128xf32, #tpu.memory_space<hbm>>
      %dma_wait3A_22 = arith.constant 0 : i32
      %dma_wait3A_23 = tpu.memref_slice %arg10[%mul3A_12, %dma_wait3A_22] : memref<10240x128xf32, #tpu.memory_space<vmem_shared>> -> memref<640x128xf32, #tpu.memory_space<vmem_shared>>
      tpu.wait_dma2 semaphore(%run_scoped3A : memref<!tpu.dma_semaphore, #tpu.memory_space<semaphore_mem>>) src(%dma_wait3A_23 : memref<640x128xf32, #tpu.memory_space<vmem_shared>>) dst(%dma_wait3A_21 : memref<640x128xf32, #tpu.memory_space<hbm>>)
      tpu.yield
    }) : () -> ()
    return
  }
}

#map = affine_map<(d0, d1) -> (0, 0)>
#map1 = affine_map<(d0, d1) -> (0)>
module attributes {stable_mosaic.version = 14 : i64} {
  func.func @seg_sum(%arg0: i32, %arg1: i32, %arg2: memref<10000x128xf32, #tpu.memory_space<hbm>>, %arg3: memref<323584xi32, #tpu.memory_space<hbm>>, %arg4: memref<323584xi32, #tpu.memory_space<hbm>>, %arg5: memref<640x128xf32, #tpu.memory_space<hbm>>, %arg6: memref<20480x128xf32, #tpu.memory_space<hbm>>, %arg7: memref<128xi32, #tpu.memory_space<vmem>>, %arg8: memref<128xi32, #tpu.memory_space<vmem>>, %arg9: memref<128x128xf32, #tpu.memory_space<vmem>>, %arg10: memref<10240x128xf32, #tpu.memory_space<vmem_shared>>, %arg11: memref<!tpu.dma_semaphore, #tpu.memory_space<semaphore_mem>>) attributes {dimension_semantics = [#tpu.dimension_semantics<core_parallel>, #tpu.dimension_semantics<subcore_parallel>], iteration_bounds = array<i64: 2, 16>, scalar_prefetch = 0 : i64, scratch_operands = 5 : i64, tpu.core_type = #tpu.core_type<sc_vector_subcore>, window_params = [{transform_indices = #map}, {transform_indices = #map1}, {transform_indices = #map1}, {transform_indices = #map}, {transform_indices = #map}]} {
    %mul3A = arith.constant 16 : i32
    %mul3A_0 = arith.muli %arg0, %mul3A : i32
    %add3A = arith.addi %mul3A_0, %arg1 : i32
    %mul3A_1 = arith.constant 640 : i32
    %mul3A_2 = arith.muli %arg1, %mul3A_1 : i32
    "tpu.region"() ({
      %run_scoped3A = tpu.sem_alloc : memref<!tpu.dma_semaphore, #tpu.memory_space<semaphore_mem>>
      %dma_start3A = arith.constant 0 : i32
      %dma_start3A_18 = tpu.memref_slice %arg10[%mul3A_2, %dma_start3A] : memref<10240x128xf32, #tpu.memory_space<vmem_shared>> -> memref<640x128xf32, #tpu.memory_space<vmem_shared>>
      tpu.enqueue_dma source(%arg5 : memref<640x128xf32, #tpu.memory_space<hbm>>) target(%dma_start3A_18 : memref<640x128xf32, #tpu.memory_space<vmem_shared>>) target_semaphore(%run_scoped3A : memref<!tpu.dma_semaphore, #tpu.memory_space<semaphore_mem>>)
      %dma_wait3A = arith.constant 0 : i32
      %dma_wait3A_19 = tpu.memref_slice %arg10[%mul3A_2, %dma_wait3A] : memref<10240x128xf32, #tpu.memory_space<vmem_shared>> -> memref<640x128xf32, #tpu.memory_space<vmem_shared>>
      tpu.wait_dma2 semaphore(%run_scoped3A : memref<!tpu.dma_semaphore, #tpu.memory_space<semaphore_mem>>) src(%arg5 : memref<640x128xf32, #tpu.memory_space<hbm>>) dst(%dma_wait3A_19 : memref<640x128xf32, #tpu.memory_space<vmem_shared>>)
      tpu.yield
    }) : () -> ()
    %barrier3A = arith.constant 0 : index
    tpu.barrier barrier_id(%barrier3A)
    %mul3A_3 = arith.constant 10112 : i32
    %mul3A_4 = arith.muli %add3A, %mul3A_3 : i32
    %scan3A = arith.constant 0 : i32
    %scan3A_5 = arith.constant 0 : i32
    %scan3A_6 = arith.constant 79 : i32
    %scan3A_7 = arith.addi %scan3A_5, %scan3A_6 : i32
    %scan3A_8 = arith.constant 1 : i32
    scf.for %scan3A_18 = %scan3A_5 to %scan3A_7 step %scan3A_8  : i32 {
      %mul3A_19 = arith.constant 128 : i32
      %mul3A_20 = arith.muli %scan3A_18, %mul3A_19 : i32
      %add3A_21 = arith.addi %mul3A_4, %mul3A_20 : i32
      "tpu.region"() ({
        %run_scoped3A = tpu.sem_alloc : memref<!tpu.dma_semaphore, #tpu.memory_space<semaphore_mem>>
        %dma_start3A_26 = tpu.memref_slice %arg3[%add3A_21] : memref<323584xi32, #tpu.memory_space<hbm>> -> memref<128xi32, #tpu.memory_space<hbm>>
        %dma_start3A_27 = tpu.memref_slice %arg3[%add3A_21] : memref<323584xi32, #tpu.memory_space<hbm>> -> memref<128xi32, #tpu.memory_space<hbm>>
        tpu.enqueue_dma source(%dma_start3A_27 : memref<128xi32, #tpu.memory_space<hbm>>) target(%arg7 : memref<128xi32, #tpu.memory_space<vmem>>) target_semaphore(%run_scoped3A : memref<!tpu.dma_semaphore, #tpu.memory_space<semaphore_mem>>)
        %dma_wait3A_28 = tpu.memref_slice %arg3[%add3A_21] : memref<323584xi32, #tpu.memory_space<hbm>> -> memref<128xi32, #tpu.memory_space<hbm>>
        %dma_wait3A_29 = tpu.memref_slice %arg3[%add3A_21] : memref<323584xi32, #tpu.memory_space<hbm>> -> memref<128xi32, #tpu.memory_space<hbm>>
        tpu.wait_dma2 semaphore(%run_scoped3A : memref<!tpu.dma_semaphore, #tpu.memory_space<semaphore_mem>>) src(%dma_wait3A_29 : memref<128xi32, #tpu.memory_space<hbm>>) dst(%arg7 : memref<128xi32, #tpu.memory_space<vmem>>)
        tpu.yield
      }) : () -> ()
      "tpu.region"() ({
        %run_scoped3A = tpu.sem_alloc : memref<!tpu.dma_semaphore, #tpu.memory_space<semaphore_mem>>
        %dma_start3A_26 = tpu.memref_slice %arg4[%add3A_21] : memref<323584xi32, #tpu.memory_space<hbm>> -> memref<128xi32, #tpu.memory_space<hbm>>
        %dma_start3A_27 = tpu.memref_slice %arg4[%add3A_21] : memref<323584xi32, #tpu.memory_space<hbm>> -> memref<128xi32, #tpu.memory_space<hbm>>
        tpu.enqueue_dma source(%dma_start3A_27 : memref<128xi32, #tpu.memory_space<hbm>>) target(%arg8 : memref<128xi32, #tpu.memory_space<vmem>>) target_semaphore(%run_scoped3A : memref<!tpu.dma_semaphore, #tpu.memory_space<semaphore_mem>>)
        %dma_wait3A_28 = tpu.memref_slice %arg4[%add3A_21] : memref<323584xi32, #tpu.memory_space<hbm>> -> memref<128xi32, #tpu.memory_space<hbm>>
        %dma_wait3A_29 = tpu.memref_slice %arg4[%add3A_21] : memref<323584xi32, #tpu.memory_space<hbm>> -> memref<128xi32, #tpu.memory_space<hbm>>
        tpu.wait_dma2 semaphore(%run_scoped3A : memref<!tpu.dma_semaphore, #tpu.memory_space<semaphore_mem>>) src(%dma_wait3A_29 : memref<128xi32, #tpu.memory_space<hbm>>) dst(%arg8 : memref<128xi32, #tpu.memory_space<vmem>>)
        tpu.yield
      }) : () -> ()
      %dma_start3A = arith.constant 0 : i32
      %dma_start3A_22 = arith.constant 0 : i32
      %dma_start3A_23 = tpu.memref_slice %arg2[%dma_start3A, %dma_start3A_22] : memref<10000x128xf32, #tpu.memory_space<hbm>> -> memref<10000x128xf32, #tpu.memory_space<hbm>>
      tpu.enqueue_indirect_dma source(%dma_start3A_23 : memref<10000x128xf32, #tpu.memory_space<hbm>>) target(%arg9 : memref<128x128xf32, #tpu.memory_space<vmem>>) offsets(%arg7 : memref<128xi32, #tpu.memory_space<vmem>>) semaphore(%arg11 : memref<!tpu.dma_semaphore, #tpu.memory_space<semaphore_mem>>)
      %dma_wait3A = arith.constant 0 : i32
      %dma_wait3A_24 = arith.constant 0 : i32
      %dma_wait3A_25 = tpu.memref_slice %arg2[%dma_wait3A, %dma_wait3A_24] : memref<10000x128xf32, #tpu.memory_space<hbm>> -> memref<10000x128xf32, #tpu.memory_space<hbm>>
      tpu.wait_indirect_dma semaphore(%arg11 : memref<!tpu.dma_semaphore, #tpu.memory_space<semaphore_mem>>) src(%dma_wait3A_25 : memref<10000x128xf32, #tpu.memory_space<hbm>>) dst(%arg9 : memref<128x128xf32, #tpu.memory_space<vmem>>)
      "tpu.region"() ({
        %run_scoped3A = tpu.sem_alloc : memref<!tpu.dma_semaphore, #tpu.memory_space<semaphore_mem>>
        %dma_start3A_26 = arith.constant 0 : i32
        %dma_start3A_27 = arith.constant 0 : i32
        %dma_start3A_28 = tpu.memref_slice %arg10[%dma_start3A_26, %dma_start3A_27] : memref<10240x128xf32, #tpu.memory_space<vmem_shared>> -> memref<10240x128xf32, #tpu.memory_space<vmem_shared>>
        tpu.enqueue_indirect_dma source(%arg9 : memref<128x128xf32, #tpu.memory_space<vmem>>) target(%dma_start3A_28 : memref<10240x128xf32, #tpu.memory_space<vmem_shared>>) offsets(%arg8 : memref<128xi32, #tpu.memory_space<vmem>>) semaphore(%run_scoped3A : memref<!tpu.dma_semaphore, #tpu.memory_space<semaphore_mem>>) {add = true}
        %dma_wait3A_29 = arith.constant 0 : i32
        %dma_wait3A_30 = arith.constant 0 : i32
        %dma_wait3A_31 = tpu.memref_slice %arg10[%dma_wait3A_29, %dma_wait3A_30] : memref<10240x128xf32, #tpu.memory_space<vmem_shared>> -> memref<10240x128xf32, #tpu.memory_space<vmem_shared>>
        tpu.wait_indirect_dma semaphore(%run_scoped3A : memref<!tpu.dma_semaphore, #tpu.memory_space<semaphore_mem>>) src(%arg9 : memref<128x128xf32, #tpu.memory_space<vmem>>) dst(%dma_wait3A_31 : memref<10240x128xf32, #tpu.memory_space<vmem_shared>>)
        tpu.yield
      }) : () -> ()
    }
    %scan3A_9 = arith.constant 79 : i32
    %barrier3A_10 = arith.constant 0 : index
    tpu.barrier barrier_id(%barrier3A_10)
    %mul3A_11 = arith.constant 640 : i32
    %mul3A_12 = arith.muli %arg1, %mul3A_11 : i32
    %mul3A_13 = arith.constant 10240 : i32
    %mul3A_14 = arith.muli %arg0, %mul3A_13 : i32
    %mul3A_15 = arith.constant 640 : i32
    %mul3A_16 = arith.muli %arg1, %mul3A_15 : i32
    %add3A_17 = arith.addi %mul3A_14, %mul3A_16 : i32
    "tpu.region"() ({
      %run_scoped3A = tpu.sem_alloc : memref<!tpu.dma_semaphore, #tpu.memory_space<semaphore_mem>>
      %dma_start3A = arith.constant 0 : i32
      %dma_start3A_18 = tpu.memref_slice %arg6[%add3A_17, %dma_start3A] : memref<20480x128xf32, #tpu.memory_space<hbm>> -> memref<640x128xf32, #tpu.memory_space<hbm>>
      %dma_start3A_19 = arith.constant 0 : i32
      %dma_start3A_20 = tpu.memref_slice %arg10[%mul3A_12, %dma_start3A_19] : memref<10240x128xf32, #tpu.memory_space<vmem_shared>> -> memref<640x128xf32, #tpu.memory_space<vmem_shared>>
      tpu.enqueue_dma source(%dma_start3A_20 : memref<640x128xf32, #tpu.memory_space<vmem_shared>>) target(%dma_start3A_18 : memref<640x128xf32, #tpu.memory_space<hbm>>) target_semaphore(%run_scoped3A : memref<!tpu.dma_semaphore, #tpu.memory_space<semaphore_mem>>)
      %dma_wait3A = arith.constant 0 : i32
      %dma_wait3A_21 = tpu.memref_slice %arg6[%add3A_17, %dma_wait3A] : memref<20480x128xf32, #tpu.memory_space<hbm>> -> memref<640x128xf32, #tpu.memory_space<hbm>>
      %dma_wait3A_22 = arith.constant 0 : i32
      %dma_wait3A_23 = tpu.memref_slice %arg10[%mul3A_12, %dma_wait3A_22] : memref<10240x128xf32, #tpu.memory_space<vmem_shared>> -> memref<640x128xf32, #tpu.memory_space<vmem_shared>>
      tpu.wait_dma2 semaphore(%run_scoped3A : memref<!tpu.dma_semaphore, #tpu.memory_space<semaphore_mem>>) src(%dma_wait3A_23 : memref<640x128xf32, #tpu.memory_space<vmem_shared>>) dst(%dma_wait3A_21 : memref<640x128xf32, #tpu.memory_space<hbm>>)
      tpu.yield
    }) : () -> ()
    return
  }
}

#map = affine_map<(d0, d1) -> (0, 0)>
#map1 = affine_map<(d0, d1) -> (0)>
module attributes {stable_mosaic.version = 14 : i64} {
  func.func @seg_sum(%arg0: i32, %arg1: i32, %arg2: memref<10000x128xf32, #tpu.memory_space<hbm>>, %arg3: memref<323584xi32, #tpu.memory_space<hbm>>, %arg4: memref<323584xi32, #tpu.memory_space<hbm>>, %arg5: memref<640x128xf32, #tpu.memory_space<hbm>>, %arg6: memref<20480x128xf32, #tpu.memory_space<hbm>>, %arg7: memref<128xi32, #tpu.memory_space<vmem>>, %arg8: memref<128xi32, #tpu.memory_space<vmem>>, %arg9: memref<128x128xf32, #tpu.memory_space<vmem>>, %arg10: memref<10240x128xf32, #tpu.memory_space<vmem_shared>>, %arg11: memref<!tpu.dma_semaphore, #tpu.memory_space<semaphore_mem>>) attributes {dimension_semantics = [#tpu.dimension_semantics<core_parallel>, #tpu.dimension_semantics<subcore_parallel>], iteration_bounds = array<i64: 2, 16>, scalar_prefetch = 0 : i64, scratch_operands = 5 : i64, tpu.core_type = #tpu.core_type<sc_vector_subcore>, window_params = [{transform_indices = #map}, {transform_indices = #map1}, {transform_indices = #map1}, {transform_indices = #map}, {transform_indices = #map}]} {
    %mul3A = arith.constant 16 : i32
    %mul3A_0 = arith.muli %arg0, %mul3A : i32
    %add3A = arith.addi %mul3A_0, %arg1 : i32
    %mul3A_1 = arith.constant 640 : i32
    %mul3A_2 = arith.muli %arg1, %mul3A_1 : i32
    "tpu.region"() ({
      %run_scoped3A = tpu.sem_alloc : memref<!tpu.dma_semaphore, #tpu.memory_space<semaphore_mem>>
      %dma_start3A = arith.constant 0 : i32
      %dma_start3A_18 = tpu.memref_slice %arg10[%mul3A_2, %dma_start3A] : memref<10240x128xf32, #tpu.memory_space<vmem_shared>> -> memref<640x128xf32, #tpu.memory_space<vmem_shared>>
      tpu.enqueue_dma source(%arg5 : memref<640x128xf32, #tpu.memory_space<hbm>>) target(%dma_start3A_18 : memref<640x128xf32, #tpu.memory_space<vmem_shared>>) target_semaphore(%run_scoped3A : memref<!tpu.dma_semaphore, #tpu.memory_space<semaphore_mem>>)
      %dma_wait3A = arith.constant 0 : i32
      %dma_wait3A_19 = tpu.memref_slice %arg10[%mul3A_2, %dma_wait3A] : memref<10240x128xf32, #tpu.memory_space<vmem_shared>> -> memref<640x128xf32, #tpu.memory_space<vmem_shared>>
      tpu.wait_dma2 semaphore(%run_scoped3A : memref<!tpu.dma_semaphore, #tpu.memory_space<semaphore_mem>>) src(%arg5 : memref<640x128xf32, #tpu.memory_space<hbm>>) dst(%dma_wait3A_19 : memref<640x128xf32, #tpu.memory_space<vmem_shared>>)
      tpu.yield
    }) : () -> ()
    %barrier3A = arith.constant 0 : index
    tpu.barrier barrier_id(%barrier3A)
    %mul3A_3 = arith.constant 10112 : i32
    %mul3A_4 = arith.muli %add3A, %mul3A_3 : i32
    %scan3A = arith.constant 0 : i32
    %scan3A_5 = arith.constant 0 : i32
    %scan3A_6 = arith.constant 79 : i32
    %scan3A_7 = arith.addi %scan3A_5, %scan3A_6 : i32
    %scan3A_8 = arith.constant 1 : i32
    scf.for %scan3A_18 = %scan3A_5 to %scan3A_7 step %scan3A_8  : i32 {
      %mul3A_19 = arith.constant 128 : i32
      %mul3A_20 = arith.muli %scan3A_18, %mul3A_19 : i32
      %add3A_21 = arith.addi %mul3A_4, %mul3A_20 : i32
      "tpu.region"() ({
        %run_scoped3A = tpu.sem_alloc : memref<!tpu.dma_semaphore, #tpu.memory_space<semaphore_mem>>
        %dma_start3A_26 = tpu.memref_slice %arg3[%add3A_21] : memref<323584xi32, #tpu.memory_space<hbm>> -> memref<128xi32, #tpu.memory_space<hbm>>
        %dma_start3A_27 = tpu.memref_slice %arg3[%add3A_21] : memref<323584xi32, #tpu.memory_space<hbm>> -> memref<128xi32, #tpu.memory_space<hbm>>
        tpu.enqueue_dma source(%dma_start3A_27 : memref<128xi32, #tpu.memory_space<hbm>>) target(%arg7 : memref<128xi32, #tpu.memory_space<vmem>>) target_semaphore(%run_scoped3A : memref<!tpu.dma_semaphore, #tpu.memory_space<semaphore_mem>>)
        %dma_wait3A_28 = tpu.memref_slice %arg3[%add3A_21] : memref<323584xi32, #tpu.memory_space<hbm>> -> memref<128xi32, #tpu.memory_space<hbm>>
        %dma_wait3A_29 = tpu.memref_slice %arg3[%add3A_21] : memref<323584xi32, #tpu.memory_space<hbm>> -> memref<128xi32, #tpu.memory_space<hbm>>
        tpu.wait_dma2 semaphore(%run_scoped3A : memref<!tpu.dma_semaphore, #tpu.memory_space<semaphore_mem>>) src(%dma_wait3A_29 : memref<128xi32, #tpu.memory_space<hbm>>) dst(%arg7 : memref<128xi32, #tpu.memory_space<vmem>>)
        tpu.yield
      }) : () -> ()
      "tpu.region"() ({
        %run_scoped3A = tpu.sem_alloc : memref<!tpu.dma_semaphore, #tpu.memory_space<semaphore_mem>>
        %dma_start3A_26 = tpu.memref_slice %arg4[%add3A_21] : memref<323584xi32, #tpu.memory_space<hbm>> -> memref<128xi32, #tpu.memory_space<hbm>>
        %dma_start3A_27 = tpu.memref_slice %arg4[%add3A_21] : memref<323584xi32, #tpu.memory_space<hbm>> -> memref<128xi32, #tpu.memory_space<hbm>>
        tpu.enqueue_dma source(%dma_start3A_27 : memref<128xi32, #tpu.memory_space<hbm>>) target(%arg8 : memref<128xi32, #tpu.memory_space<vmem>>) target_semaphore(%run_scoped3A : memref<!tpu.dma_semaphore, #tpu.memory_space<semaphore_mem>>)
        %dma_wait3A_28 = tpu.memref_slice %arg4[%add3A_21] : memref<323584xi32, #tpu.memory_space<hbm>> -> memref<128xi32, #tpu.memory_space<hbm>>
        %dma_wait3A_29 = tpu.memref_slice %arg4[%add3A_21] : memref<323584xi32, #tpu.memory_space<hbm>> -> memref<128xi32, #tpu.memory_space<hbm>>
        tpu.wait_dma2 semaphore(%run_scoped3A : memref<!tpu.dma_semaphore, #tpu.memory_space<semaphore_mem>>) src(%dma_wait3A_29 : memref<128xi32, #tpu.memory_space<hbm>>) dst(%arg8 : memref<128xi32, #tpu.memory_space<vmem>>)
        tpu.yield
      }) : () -> ()
      %dma_start3A = arith.constant 0 : i32
      %dma_start3A_22 = arith.constant 0 : i32
      %dma_start3A_23 = tpu.memref_slice %arg2[%dma_start3A, %dma_start3A_22] : memref<10000x128xf32, #tpu.memory_space<hbm>> -> memref<10000x128xf32, #tpu.memory_space<hbm>>
      tpu.enqueue_indirect_dma source(%dma_start3A_23 : memref<10000x128xf32, #tpu.memory_space<hbm>>) target(%arg9 : memref<128x128xf32, #tpu.memory_space<vmem>>) offsets(%arg7 : memref<128xi32, #tpu.memory_space<vmem>>) semaphore(%arg11 : memref<!tpu.dma_semaphore, #tpu.memory_space<semaphore_mem>>)
      %dma_wait3A = arith.constant 0 : i32
      %dma_wait3A_24 = arith.constant 0 : i32
      %dma_wait3A_25 = tpu.memref_slice %arg2[%dma_wait3A, %dma_wait3A_24] : memref<10000x128xf32, #tpu.memory_space<hbm>> -> memref<10000x128xf32, #tpu.memory_space<hbm>>
      tpu.wait_indirect_dma semaphore(%arg11 : memref<!tpu.dma_semaphore, #tpu.memory_space<semaphore_mem>>) src(%dma_wait3A_25 : memref<10000x128xf32, #tpu.memory_space<hbm>>) dst(%arg9 : memref<128x128xf32, #tpu.memory_space<vmem>>)
      "tpu.region"() ({
        %run_scoped3A = tpu.sem_alloc : memref<!tpu.dma_semaphore, #tpu.memory_space<semaphore_mem>>
        %dma_start3A_26 = arith.constant 0 : i32
        %dma_start3A_27 = arith.constant 0 : i32
        %dma_start3A_28 = tpu.memref_slice %arg10[%dma_start3A_26, %dma_start3A_27] : memref<10240x128xf32, #tpu.memory_space<vmem_shared>> -> memref<10240x128xf32, #tpu.memory_space<vmem_shared>>
        tpu.enqueue_indirect_dma source(%arg9 : memref<128x128xf32, #tpu.memory_space<vmem>>) target(%dma_start3A_28 : memref<10240x128xf32, #tpu.memory_space<vmem_shared>>) offsets(%arg8 : memref<128xi32, #tpu.memory_space<vmem>>) semaphore(%run_scoped3A : memref<!tpu.dma_semaphore, #tpu.memory_space<semaphore_mem>>) {add = true}
        %dma_wait3A_29 = arith.constant 0 : i32
        %dma_wait3A_30 = arith.constant 0 : i32
        %dma_wait3A_31 = tpu.memref_slice %arg10[%dma_wait3A_29, %dma_wait3A_30] : memref<10240x128xf32, #tpu.memory_space<vmem_shared>> -> memref<10240x128xf32, #tpu.memory_space<vmem_shared>>
        tpu.wait_indirect_dma semaphore(%run_scoped3A : memref<!tpu.dma_semaphore, #tpu.memory_space<semaphore_mem>>) src(%arg9 : memref<128x128xf32, #tpu.memory_space<vmem>>) dst(%dma_wait3A_31 : memref<10240x128xf32, #tpu.memory_space<vmem_shared>>)
        tpu.yield
      }) : () -> ()
    }
    %scan3A_9 = arith.constant 79 : i32
    %barrier3A_10 = arith.constant 0 : index
    tpu.barrier barrier_id(%barrier3A_10)
    %mul3A_11 = arith.constant 640 : i32
    %mul3A_12 = arith.muli %arg1, %mul3A_11 : i32
    %mul3A_13 = arith.constant 10240 : i32
    %mul3A_14 = arith.muli %arg0, %mul3A_13 : i32
    %mul3A_15 = arith.constant 640 : i32
    %mul3A_16 = arith.muli %arg1, %mul3A_15 : i32
    %add3A_17 = arith.addi %mul3A_14, %mul3A_16 : i32
    "tpu.region"() ({
      %run_scoped3A = tpu.sem_alloc : memref<!tpu.dma_semaphore, #tpu.memory_space<semaphore_mem>>
      %dma_start3A = arith.constant 0 : i32
      %dma_start3A_18 = tpu.memref_slice %arg6[%add3A_17, %dma_start3A] : memref<20480x128xf32, #tpu.memory_space<hbm>> -> memref<640x128xf32, #tpu.memory_space<hbm>>
      %dma_start3A_19 = arith.constant 0 : i32
      %dma_start3A_20 = tpu.memref_slice %arg10[%mul3A_12, %dma_start3A_19] : memref<10240x128xf32, #tpu.memory_space<vmem_shared>> -> memref<640x128xf32, #tpu.memory_space<vmem_shared>>
      tpu.enqueue_dma source(%dma_start3A_20 : memref<640x128xf32, #tpu.memory_space<vmem_shared>>) target(%dma_start3A_18 : memref<640x128xf32, #tpu.memory_space<hbm>>) target_semaphore(%run_scoped3A : memref<!tpu.dma_semaphore, #tpu.memory_space<semaphore_mem>>)
      %dma_wait3A = arith.constant 0 : i32
      %dma_wait3A_21 = tpu.memref_slice %arg6[%add3A_17, %dma_wait3A] : memref<20480x128xf32, #tpu.memory_space<hbm>> -> memref<640x128xf32, #tpu.memory_space<hbm>>
      %dma_wait3A_22 = arith.constant 0 : i32
      %dma_wait3A_23 = tpu.memref_slice %arg10[%mul3A_12, %dma_wait3A_22] : memref<10240x128xf32, #tpu.memory_space<vmem_shared>> -> memref<640x128xf32, #tpu.memory_space<vmem_shared>>
      tpu.wait_dma2 semaphore(%run_scoped3A : memref<!tpu.dma_semaphore, #tpu.memory_space<semaphore_mem>>) src(%dma_wait3A_23 : memref<640x128xf32, #tpu.memory_space<vmem_shared>>) dst(%dma_wait3A_21 : memref<640x128xf32, #tpu.memory_space<hbm>>)
      tpu.yield
    }) : () -> ()
    return
  }
}

#map = affine_map<(d0, d1) -> (0, 0)>
#map1 = affine_map<(d0, d1) -> (0)>
module attributes {stable_mosaic.version = 14 : i64} {
  func.func @seg_sum(%arg0: i32, %arg1: i32, %arg2: memref<10000x128xf32, #tpu.memory_space<hbm>>, %arg3: memref<323584xi32, #tpu.memory_space<hbm>>, %arg4: memref<323584xi32, #tpu.memory_space<hbm>>, %arg5: memref<640x128xf32, #tpu.memory_space<hbm>>, %arg6: memref<20480x128xf32, #tpu.memory_space<hbm>>, %arg7: memref<128xi32, #tpu.memory_space<vmem>>, %arg8: memref<128xi32, #tpu.memory_space<vmem>>, %arg9: memref<128x128xf32, #tpu.memory_space<vmem>>, %arg10: memref<10240x128xf32, #tpu.memory_space<vmem_shared>>, %arg11: memref<!tpu.dma_semaphore, #tpu.memory_space<semaphore_mem>>) attributes {dimension_semantics = [#tpu.dimension_semantics<core_parallel>, #tpu.dimension_semantics<subcore_parallel>], iteration_bounds = array<i64: 2, 16>, scalar_prefetch = 0 : i64, scratch_operands = 5 : i64, tpu.core_type = #tpu.core_type<sc_vector_subcore>, window_params = [{transform_indices = #map}, {transform_indices = #map1}, {transform_indices = #map1}, {transform_indices = #map}, {transform_indices = #map}]} {
    %mul3A = arith.constant 16 : i32
    %mul3A_0 = arith.muli %arg0, %mul3A : i32
    %add3A = arith.addi %mul3A_0, %arg1 : i32
    %mul3A_1 = arith.constant 640 : i32
    %mul3A_2 = arith.muli %arg1, %mul3A_1 : i32
    "tpu.region"() ({
      %run_scoped3A = tpu.sem_alloc : memref<!tpu.dma_semaphore, #tpu.memory_space<semaphore_mem>>
      %dma_start3A = arith.constant 0 : i32
      %dma_start3A_18 = tpu.memref_slice %arg10[%mul3A_2, %dma_start3A] : memref<10240x128xf32, #tpu.memory_space<vmem_shared>> -> memref<640x128xf32, #tpu.memory_space<vmem_shared>>
      tpu.enqueue_dma source(%arg5 : memref<640x128xf32, #tpu.memory_space<hbm>>) target(%dma_start3A_18 : memref<640x128xf32, #tpu.memory_space<vmem_shared>>) target_semaphore(%run_scoped3A : memref<!tpu.dma_semaphore, #tpu.memory_space<semaphore_mem>>)
      %dma_wait3A = arith.constant 0 : i32
      %dma_wait3A_19 = tpu.memref_slice %arg10[%mul3A_2, %dma_wait3A] : memref<10240x128xf32, #tpu.memory_space<vmem_shared>> -> memref<640x128xf32, #tpu.memory_space<vmem_shared>>
      tpu.wait_dma2 semaphore(%run_scoped3A : memref<!tpu.dma_semaphore, #tpu.memory_space<semaphore_mem>>) src(%arg5 : memref<640x128xf32, #tpu.memory_space<hbm>>) dst(%dma_wait3A_19 : memref<640x128xf32, #tpu.memory_space<vmem_shared>>)
      tpu.yield
    }) : () -> ()
    %barrier3A = arith.constant 0 : index
    tpu.barrier barrier_id(%barrier3A)
    %mul3A_3 = arith.constant 10112 : i32
    %mul3A_4 = arith.muli %add3A, %mul3A_3 : i32
    %scan3A = arith.constant 0 : i32
    %scan3A_5 = arith.constant 0 : i32
    %scan3A_6 = arith.constant 79 : i32
    %scan3A_7 = arith.addi %scan3A_5, %scan3A_6 : i32
    %scan3A_8 = arith.constant 1 : i32
    scf.for %scan3A_18 = %scan3A_5 to %scan3A_7 step %scan3A_8  : i32 {
      %mul3A_19 = arith.constant 128 : i32
      %mul3A_20 = arith.muli %scan3A_18, %mul3A_19 : i32
      %add3A_21 = arith.addi %mul3A_4, %mul3A_20 : i32
      "tpu.region"() ({
        %run_scoped3A = tpu.sem_alloc : memref<!tpu.dma_semaphore, #tpu.memory_space<semaphore_mem>>
        %dma_start3A_26 = tpu.memref_slice %arg3[%add3A_21] : memref<323584xi32, #tpu.memory_space<hbm>> -> memref<128xi32, #tpu.memory_space<hbm>>
        %dma_start3A_27 = tpu.memref_slice %arg3[%add3A_21] : memref<323584xi32, #tpu.memory_space<hbm>> -> memref<128xi32, #tpu.memory_space<hbm>>
        tpu.enqueue_dma source(%dma_start3A_27 : memref<128xi32, #tpu.memory_space<hbm>>) target(%arg7 : memref<128xi32, #tpu.memory_space<vmem>>) target_semaphore(%run_scoped3A : memref<!tpu.dma_semaphore, #tpu.memory_space<semaphore_mem>>)
        %dma_wait3A_28 = tpu.memref_slice %arg3[%add3A_21] : memref<323584xi32, #tpu.memory_space<hbm>> -> memref<128xi32, #tpu.memory_space<hbm>>
        %dma_wait3A_29 = tpu.memref_slice %arg3[%add3A_21] : memref<323584xi32, #tpu.memory_space<hbm>> -> memref<128xi32, #tpu.memory_space<hbm>>
        tpu.wait_dma2 semaphore(%run_scoped3A : memref<!tpu.dma_semaphore, #tpu.memory_space<semaphore_mem>>) src(%dma_wait3A_29 : memref<128xi32, #tpu.memory_space<hbm>>) dst(%arg7 : memref<128xi32, #tpu.memory_space<vmem>>)
        tpu.yield
      }) : () -> ()
      "tpu.region"() ({
        %run_scoped3A = tpu.sem_alloc : memref<!tpu.dma_semaphore, #tpu.memory_space<semaphore_mem>>
        %dma_start3A_26 = tpu.memref_slice %arg4[%add3A_21] : memref<323584xi32, #tpu.memory_space<hbm>> -> memref<128xi32, #tpu.memory_space<hbm>>
        %dma_start3A_27 = tpu.memref_slice %arg4[%add3A_21] : memref<323584xi32, #tpu.memory_space<hbm>> -> memref<128xi32, #tpu.memory_space<hbm>>
        tpu.enqueue_dma source(%dma_start3A_27 : memref<128xi32, #tpu.memory_space<hbm>>) target(%arg8 : memref<128xi32, #tpu.memory_space<vmem>>) target_semaphore(%run_scoped3A : memref<!tpu.dma_semaphore, #tpu.memory_space<semaphore_mem>>)
        %dma_wait3A_28 = tpu.memref_slice %arg4[%add3A_21] : memref<323584xi32, #tpu.memory_space<hbm>> -> memref<128xi32, #tpu.memory_space<hbm>>
        %dma_wait3A_29 = tpu.memref_slice %arg4[%add3A_21] : memref<323584xi32, #tpu.memory_space<hbm>> -> memref<128xi32, #tpu.memory_space<hbm>>
        tpu.wait_dma2 semaphore(%run_scoped3A : memref<!tpu.dma_semaphore, #tpu.memory_space<semaphore_mem>>) src(%dma_wait3A_29 : memref<128xi32, #tpu.memory_space<hbm>>) dst(%arg8 : memref<128xi32, #tpu.memory_space<vmem>>)
        tpu.yield
      }) : () -> ()
      %dma_start3A = arith.constant 0 : i32
      %dma_start3A_22 = arith.constant 0 : i32
      %dma_start3A_23 = tpu.memref_slice %arg2[%dma_start3A, %dma_start3A_22] : memref<10000x128xf32, #tpu.memory_space<hbm>> -> memref<10000x128xf32, #tpu.memory_space<hbm>>
      tpu.enqueue_indirect_dma source(%dma_start3A_23 : memref<10000x128xf32, #tpu.memory_space<hbm>>) target(%arg9 : memref<128x128xf32, #tpu.memory_space<vmem>>) offsets(%arg7 : memref<128xi32, #tpu.memory_space<vmem>>) semaphore(%arg11 : memref<!tpu.dma_semaphore, #tpu.memory_space<semaphore_mem>>)
      %dma_wait3A = arith.constant 0 : i32
      %dma_wait3A_24 = arith.constant 0 : i32
      %dma_wait3A_25 = tpu.memref_slice %arg2[%dma_wait3A, %dma_wait3A_24] : memref<10000x128xf32, #tpu.memory_space<hbm>> -> memref<10000x128xf32, #tpu.memory_space<hbm>>
      tpu.wait_indirect_dma semaphore(%arg11 : memref<!tpu.dma_semaphore, #tpu.memory_space<semaphore_mem>>) src(%dma_wait3A_25 : memref<10000x128xf32, #tpu.memory_space<hbm>>) dst(%arg9 : memref<128x128xf32, #tpu.memory_space<vmem>>)
      "tpu.region"() ({
        %run_scoped3A = tpu.sem_alloc : memref<!tpu.dma_semaphore, #tpu.memory_space<semaphore_mem>>
        %dma_start3A_26 = arith.constant 0 : i32
        %dma_start3A_27 = arith.constant 0 : i32
        %dma_start3A_28 = tpu.memref_slice %arg10[%dma_start3A_26, %dma_start3A_27] : memref<10240x128xf32, #tpu.memory_space<vmem_shared>> -> memref<10240x128xf32, #tpu.memory_space<vmem_shared>>
        tpu.enqueue_indirect_dma source(%arg9 : memref<128x128xf32, #tpu.memory_space<vmem>>) target(%dma_start3A_28 : memref<10240x128xf32, #tpu.memory_space<vmem_shared>>) offsets(%arg8 : memref<128xi32, #tpu.memory_space<vmem>>) semaphore(%run_scoped3A : memref<!tpu.dma_semaphore, #tpu.memory_space<semaphore_mem>>) {add = true}
        %dma_wait3A_29 = arith.constant 0 : i32
        %dma_wait3A_30 = arith.constant 0 : i32
        %dma_wait3A_31 = tpu.memref_slice %arg10[%dma_wait3A_29, %dma_wait3A_30] : memref<10240x128xf32, #tpu.memory_space<vmem_shared>> -> memref<10240x128xf32, #tpu.memory_space<vmem_shared>>
        tpu.wait_indirect_dma semaphore(%run_scoped3A : memref<!tpu.dma_semaphore, #tpu.memory_space<semaphore_mem>>) src(%arg9 : memref<128x128xf32, #tpu.memory_space<vmem>>) dst(%dma_wait3A_31 : memref<10240x128xf32, #tpu.memory_space<vmem_shared>>)
        tpu.yield
      }) : () -> ()
    }
    %scan3A_9 = arith.constant 79 : i32
    %barrier3A_10 = arith.constant 0 : index
    tpu.barrier barrier_id(%barrier3A_10)
    %mul3A_11 = arith.constant 640 : i32
    %mul3A_12 = arith.muli %arg1, %mul3A_11 : i32
    %mul3A_13 = arith.constant 10240 : i32
    %mul3A_14 = arith.muli %arg0, %mul3A_13 : i32
    %mul3A_15 = arith.constant 640 : i32
    %mul3A_16 = arith.muli %arg1, %mul3A_15 : i32
    %add3A_17 = arith.addi %mul3A_14, %mul3A_16 : i32
    "tpu.region"() ({
      %run_scoped3A = tpu.sem_alloc : memref<!tpu.dma_semaphore, #tpu.memory_space<semaphore_mem>>
      %dma_start3A = arith.constant 0 : i32
      %dma_start3A_18 = tpu.memref_slice %arg6[%add3A_17, %dma_start3A] : memref<20480x128xf32, #tpu.memory_space<hbm>> -> memref<640x128xf32, #tpu.memory_space<hbm>>
      %dma_start3A_19 = arith.constant 0 : i32
      %dma_start3A_20 = tpu.memref_slice %arg10[%mul3A_12, %dma_start3A_19] : memref<10240x128xf32, #tpu.memory_space<vmem_shared>> -> memref<640x128xf32, #tpu.memory_space<vmem_shared>>
      tpu.enqueue_dma source(%dma_start3A_20 : memref<640x128xf32, #tpu.memory_space<vmem_shared>>) target(%dma_start3A_18 : memref<640x128xf32, #tpu.memory_space<hbm>>) target_semaphore(%run_scoped3A : memref<!tpu.dma_semaphore, #tpu.memory_space<semaphore_mem>>)
      %dma_wait3A = arith.constant 0 : i32
      %dma_wait3A_21 = tpu.memref_slice %arg6[%add3A_17, %dma_wait3A] : memref<20480x128xf32, #tpu.memory_space<hbm>> -> memref<640x128xf32, #tpu.memory_space<hbm>>
      %dma_wait3A_22 = arith.constant 0 : i32
      %dma_wait3A_23 = tpu.memref_slice %arg10[%mul3A_12, %dma_wait3A_22] : memref<10240x128xf32, #tpu.memory_space<vmem_shared>> -> memref<640x128xf32, #tpu.memory_space<vmem_shared>>
      tpu.wait_dma2 semaphore(%run_scoped3A : memref<!tpu.dma_semaphore, #tpu.memory_space<semaphore_mem>>) src(%dma_wait3A_23 : memref<640x128xf32, #tpu.memory_space<vmem_shared>>) dst(%dma_wait3A_21 : memref<640x128xf32, #tpu.memory_space<hbm>>)
      tpu.yield
    }) : () -> ()
    return
  }
}

module attributes {stable_mosaic.version = 14 : i64} {
  func.func @_dense_body(%arg0: memref<10000x128xf32, #tpu.memory_space<vmem>>, %arg1: memref<10000x128xf32, #tpu.memory_space<vmem>>, %arg2: memref<10000x128xf32, #tpu.memory_space<vmem>>, %arg3: memref<128x128xf32, #tpu.memory_space<vmem>>, %arg4: memref<1x128xf32, #tpu.memory_space<vmem>>, %arg5: memref<128x128xf32, #tpu.memory_space<vmem>>, %arg6: memref<1x128xf32, #tpu.memory_space<vmem>>, %arg7: memref<1x128xf32, #tpu.memory_space<vmem>>, %arg8: memref<1x128xf32, #tpu.memory_space<vmem>>, %arg9: memref<10000x128xf32, #tpu.memory_space<vmem>>) attributes {dimension_semantics = [], scalar_prefetch = 0 : i64, scratch_operands = 0 : i64, tpu.core_type = #tpu.core_type<tc>} {
    %get3A = arith.constant 0 : index
    %get3A_0 = arith.constant 0 : index
    %get3A_1 = vector.load %arg0[%get3A, %get3A_0] : memref<10000x128xf32, #tpu.memory_space<vmem>>, vector<10000x128xf32>
    %get3A_2 = arith.constant 0 : index
    %get3A_3 = arith.constant 0 : index
    %get3A_4 = vector.load %arg1[%get3A_2, %get3A_3] : memref<10000x128xf32, #tpu.memory_space<vmem>>, vector<10000x128xf32>
    %add3A = arith.addf %get3A_1, %get3A_4 : vector<10000x128xf32>
    %get3A_5 = arith.constant 0 : index
    %get3A_6 = arith.constant 0 : index
    %get3A_7 = vector.load %arg2[%get3A_5, %get3A_6] : memref<10000x128xf32, #tpu.memory_space<vmem>>, vector<10000x128xf32>
    %add3A_8 = arith.addf %add3A, %get3A_7 : vector<10000x128xf32>
    %get3A_9 = arith.constant 0 : index
    %get3A_10 = arith.constant 0 : index
    %get3A_11 = vector.load %arg3[%get3A_9, %get3A_10] : memref<128x128xf32, #tpu.memory_space<vmem>>, vector<128x128xf32>
    %dot_general3A = arith.constant dense<0.000000e+00> : vector<10000x128xf32>
    %dot_general3A_12 = tpu.matmul %add3A_8, %get3A_11, %dot_general3A {dimension_numbers = #tpu.dot_dimension_numbers<[1], [0], [0], [1], [0, 0, 1, 1], [], []>, precision = #tpu.contract_precision<fp32>, transpose_lhs_hint = false} : vector<10000x128xf32>, vector<128x128xf32>, vector<10000x128xf32> -> vector<10000x128xf32>
    %get3A_13 = arith.constant 0 : index
    %get3A_14 = arith.constant 0 : index
    %get3A_15 = vector.load %arg4[%get3A_13, %get3A_14] : memref<1x128xf32, #tpu.memory_space<vmem>>, vector<1x128xf32>
    %add3A_16 = vector.broadcast %get3A_15 : vector<1x128xf32> to vector<10000x128xf32>
    %add3A_17 = arith.addf %dot_general3A_12, %add3A_16 : vector<10000x128xf32>
    %gt3A = arith.constant 0.000000e+00 : f32
    %gt3A_18 = vector.broadcast %gt3A : f32 to vector<10000x128xf32>
    %gt3A_19 = arith.cmpf ogt, %add3A_17, %gt3A_18 : vector<10000x128xf32>
    %mul3A = arith.constant 0.00999999977 : f32
    %mul3A_20 = vector.broadcast %mul3A : f32 to vector<10000x128xf32>
    %mul3A_21 = arith.mulf %mul3A_20, %add3A_17 : vector<10000x128xf32>
    %select_n3A = arith.select %gt3A_19, %add3A_17, %mul3A_21 : vector<10000x128xi1>, vector<10000x128xf32>
    %get3A_22 = arith.constant 0 : index
    %get3A_23 = arith.constant 0 : index
    %get3A_24 = vector.load %arg5[%get3A_22, %get3A_23] : memref<128x128xf32, #tpu.memory_space<vmem>>, vector<128x128xf32>
    %dot_general3A_25 = arith.constant dense<0.000000e+00> : vector<10000x128xf32>
    %dot_general3A_26 = tpu.matmul %select_n3A, %get3A_24, %dot_general3A_25 {dimension_numbers = #tpu.dot_dimension_numbers<[1], [0], [0], [1], [0, 0, 1, 1], [], []>, precision = #tpu.contract_precision<fp32>, transpose_lhs_hint = false} : vector<10000x128xf32>, vector<128x128xf32>, vector<10000x128xf32> -> vector<10000x128xf32>
    %get3A_27 = arith.constant 0 : index
    %get3A_28 = arith.constant 0 : index
    %get3A_29 = vector.load %arg6[%get3A_27, %get3A_28] : memref<1x128xf32, #tpu.memory_space<vmem>>, vector<1x128xf32>
    %add3A_30 = vector.broadcast %get3A_29 : vector<1x128xf32> to vector<10000x128xf32>
    %add3A_31 = arith.addf %dot_general3A_26, %add3A_30 : vector<10000x128xf32>
    %reduce_sum3A = arith.constant dense<0.000000e+00> : vector<128xf32>
    %reduce_sum3A_32 = vector.multi_reduction <add>, %add3A_31, %reduce_sum3A [0] : vector<10000x128xf32> to vector<128xf32>
    %broadcast_in_dim3A = vector.shape_cast %reduce_sum3A_32 : vector<128xf32> to vector<1x128xf32>
    %div3A = arith.constant 1.000000e+04 : f32
    %div3A_33 = vector.broadcast %div3A : f32 to vector<1x128xf32>
    %div3A_34 = arith.divf %broadcast_in_dim3A, %div3A_33 : vector<1x128xf32>
    %sub3A = vector.broadcast %div3A_34 : vector<1x128xf32> to vector<10000x128xf32>
    %sub3A_35 = arith.subf %add3A_31, %sub3A : vector<10000x128xf32>
    %mul3A_36 = arith.mulf %sub3A_35, %sub3A_35 : vector<10000x128xf32>
    %reduce_sum3A_37 = arith.constant dense<0.000000e+00> : vector<128xf32>
    %reduce_sum3A_38 = vector.multi_reduction <add>, %mul3A_36, %reduce_sum3A_37 [0] : vector<10000x128xf32> to vector<128xf32>
    %broadcast_in_dim3A_39 = vector.shape_cast %reduce_sum3A_38 : vector<128xf32> to vector<1x128xf32>
    %div3A_40 = arith.constant 1.000000e+04 : f32
    %div3A_41 = vector.broadcast %div3A_40 : f32 to vector<1x128xf32>
    %div3A_42 = arith.divf %broadcast_in_dim3A_39, %div3A_41 : vector<1x128xf32>
    %add3A_43 = arith.constant 9.99999974E-6 : f32
    %add3A_44 = vector.broadcast %add3A_43 : f32 to vector<1x128xf32>
    %add3A_45 = arith.addf %div3A_42, %add3A_44 : vector<1x128xf32>
    %rsqrt3A = math.rsqrt %add3A_45 : vector<1x128xf32>
    %mul3A_46 = vector.broadcast %rsqrt3A : vector<1x128xf32> to vector<10000x128xf32>
    %mul3A_47 = arith.mulf %sub3A_35, %mul3A_46 : vector<10000x128xf32>
    %get3A_48 = arith.constant 0 : index
    %get3A_49 = arith.constant 0 : index
    %get3A_50 = vector.load %arg7[%get3A_48, %get3A_49] : memref<1x128xf32, #tpu.memory_space<vmem>>, vector<1x128xf32>
    %mul3A_51 = vector.broadcast %get3A_50 : vector<1x128xf32> to vector<10000x128xf32>
    %mul3A_52 = arith.mulf %mul3A_47, %mul3A_51 : vector<10000x128xf32>
    %get3A_53 = arith.constant 0 : index
    %get3A_54 = arith.constant 0 : index
    %get3A_55 = vector.load %arg8[%get3A_53, %get3A_54] : memref<1x128xf32, #tpu.memory_space<vmem>>, vector<1x128xf32>
    %add3A_56 = vector.broadcast %get3A_55 : vector<1x128xf32> to vector<10000x128xf32>
    %add3A_57 = arith.addf %mul3A_52, %add3A_56 : vector<10000x128xf32>
    %gt3A_58 = arith.constant 0.000000e+00 : f32
    %gt3A_59 = vector.broadcast %gt3A_58 : f32 to vector<10000x128xf32>
    %gt3A_60 = arith.cmpf ogt, %add3A_57, %gt3A_59 : vector<10000x128xf32>
    %mul3A_61 = arith.constant 0.00999999977 : f32
    %mul3A_62 = vector.broadcast %mul3A_61 : f32 to vector<10000x128xf32>
    %mul3A_63 = arith.mulf %mul3A_62, %add3A_57 : vector<10000x128xf32>
    %select_n3A_64 = arith.select %gt3A_60, %add3A_57, %mul3A_63 : vector<10000x128xi1>, vector<10000x128xf32>
    %swap3A = arith.constant 0 : index
    %swap3A_65 = arith.constant 0 : index
    %swap3A_66 = vector.load %arg9[%swap3A, %swap3A_65] : memref<10000x128xf32, #tpu.memory_space<vmem>>, vector<10000x128xf32>
    tpu.vector_store %arg9[%swap3A, %swap3A_65], %select_n3A_64 {strides = array<i32>} : memref<10000x128xf32, #tpu.memory_space<vmem>>, vector<10000x128xf32>,
    return
  }
}

module attributes {stable_mosaic.version = 14 : i64} {
  func.func @_dense_body(%arg0: memref<10000x128xf32, #tpu.memory_space<vmem>>, %arg1: memref<10000x128xf32, #tpu.memory_space<vmem>>, %arg2: memref<10000x128xf32, #tpu.memory_space<vmem>>, %arg3: memref<128x128xf32, #tpu.memory_space<vmem>>, %arg4: memref<1x128xf32, #tpu.memory_space<vmem>>, %arg5: memref<128x128xf32, #tpu.memory_space<vmem>>, %arg6: memref<1x128xf32, #tpu.memory_space<vmem>>, %arg7: memref<1x128xf32, #tpu.memory_space<vmem>>, %arg8: memref<1x128xf32, #tpu.memory_space<vmem>>, %arg9: memref<10000x128xf32, #tpu.memory_space<vmem>>) attributes {dimension_semantics = [], scalar_prefetch = 0 : i64, scratch_operands = 0 : i64, tpu.core_type = #tpu.core_type<tc>} {
    %get3A = arith.constant 0 : index
    %get3A_0 = arith.constant 0 : index
    %get3A_1 = vector.load %arg0[%get3A, %get3A_0] : memref<10000x128xf32, #tpu.memory_space<vmem>>, vector<10000x128xf32>
    %get3A_2 = arith.constant 0 : index
    %get3A_3 = arith.constant 0 : index
    %get3A_4 = vector.load %arg1[%get3A_2, %get3A_3] : memref<10000x128xf32, #tpu.memory_space<vmem>>, vector<10000x128xf32>
    %add3A = arith.addf %get3A_1, %get3A_4 : vector<10000x128xf32>
    %get3A_5 = arith.constant 0 : index
    %get3A_6 = arith.constant 0 : index
    %get3A_7 = vector.load %arg2[%get3A_5, %get3A_6] : memref<10000x128xf32, #tpu.memory_space<vmem>>, vector<10000x128xf32>
    %add3A_8 = arith.addf %add3A, %get3A_7 : vector<10000x128xf32>
    %get3A_9 = arith.constant 0 : index
    %get3A_10 = arith.constant 0 : index
    %get3A_11 = vector.load %arg3[%get3A_9, %get3A_10] : memref<128x128xf32, #tpu.memory_space<vmem>>, vector<128x128xf32>
    %dot_general3A = arith.constant dense<0.000000e+00> : vector<10000x128xf32>
    %dot_general3A_12 = tpu.matmul %add3A_8, %get3A_11, %dot_general3A {dimension_numbers = #tpu.dot_dimension_numbers<[1], [0], [0], [1], [0, 0, 1, 1], [], []>, precision = #tpu.contract_precision<fp32>, transpose_lhs_hint = false} : vector<10000x128xf32>, vector<128x128xf32>, vector<10000x128xf32> -> vector<10000x128xf32>
    %get3A_13 = arith.constant 0 : index
    %get3A_14 = arith.constant 0 : index
    %get3A_15 = vector.load %arg4[%get3A_13, %get3A_14] : memref<1x128xf32, #tpu.memory_space<vmem>>, vector<1x128xf32>
    %add3A_16 = vector.broadcast %get3A_15 : vector<1x128xf32> to vector<10000x128xf32>
    %add3A_17 = arith.addf %dot_general3A_12, %add3A_16 : vector<10000x128xf32>
    %gt3A = arith.constant 0.000000e+00 : f32
    %gt3A_18 = vector.broadcast %gt3A : f32 to vector<10000x128xf32>
    %gt3A_19 = arith.cmpf ogt, %add3A_17, %gt3A_18 : vector<10000x128xf32>
    %mul3A = arith.constant 0.00999999977 : f32
    %mul3A_20 = vector.broadcast %mul3A : f32 to vector<10000x128xf32>
    %mul3A_21 = arith.mulf %mul3A_20, %add3A_17 : vector<10000x128xf32>
    %select_n3A = arith.select %gt3A_19, %add3A_17, %mul3A_21 : vector<10000x128xi1>, vector<10000x128xf32>
    %get3A_22 = arith.constant 0 : index
    %get3A_23 = arith.constant 0 : index
    %get3A_24 = vector.load %arg5[%get3A_22, %get3A_23] : memref<128x128xf32, #tpu.memory_space<vmem>>, vector<128x128xf32>
    %dot_general3A_25 = arith.constant dense<0.000000e+00> : vector<10000x128xf32>
    %dot_general3A_26 = tpu.matmul %select_n3A, %get3A_24, %dot_general3A_25 {dimension_numbers = #tpu.dot_dimension_numbers<[1], [0], [0], [1], [0, 0, 1, 1], [], []>, precision = #tpu.contract_precision<fp32>, transpose_lhs_hint = false} : vector<10000x128xf32>, vector<128x128xf32>, vector<10000x128xf32> -> vector<10000x128xf32>
    %get3A_27 = arith.constant 0 : index
    %get3A_28 = arith.constant 0 : index
    %get3A_29 = vector.load %arg6[%get3A_27, %get3A_28] : memref<1x128xf32, #tpu.memory_space<vmem>>, vector<1x128xf32>
    %add3A_30 = vector.broadcast %get3A_29 : vector<1x128xf32> to vector<10000x128xf32>
    %add3A_31 = arith.addf %dot_general3A_26, %add3A_30 : vector<10000x128xf32>
    %reduce_sum3A = arith.constant dense<0.000000e+00> : vector<128xf32>
    %reduce_sum3A_32 = vector.multi_reduction <add>, %add3A_31, %reduce_sum3A [0] : vector<10000x128xf32> to vector<128xf32>
    %broadcast_in_dim3A = vector.shape_cast %reduce_sum3A_32 : vector<128xf32> to vector<1x128xf32>
    %div3A = arith.constant 1.000000e+04 : f32
    %div3A_33 = vector.broadcast %div3A : f32 to vector<1x128xf32>
    %div3A_34 = arith.divf %broadcast_in_dim3A, %div3A_33 : vector<1x128xf32>
    %sub3A = vector.broadcast %div3A_34 : vector<1x128xf32> to vector<10000x128xf32>
    %sub3A_35 = arith.subf %add3A_31, %sub3A : vector<10000x128xf32>
    %mul3A_36 = arith.mulf %sub3A_35, %sub3A_35 : vector<10000x128xf32>
    %reduce_sum3A_37 = arith.constant dense<0.000000e+00> : vector<128xf32>
    %reduce_sum3A_38 = vector.multi_reduction <add>, %mul3A_36, %reduce_sum3A_37 [0] : vector<10000x128xf32> to vector<128xf32>
    %broadcast_in_dim3A_39 = vector.shape_cast %reduce_sum3A_38 : vector<128xf32> to vector<1x128xf32>
    %div3A_40 = arith.constant 1.000000e+04 : f32
    %div3A_41 = vector.broadcast %div3A_40 : f32 to vector<1x128xf32>
    %div3A_42 = arith.divf %broadcast_in_dim3A_39, %div3A_41 : vector<1x128xf32>
    %add3A_43 = arith.constant 9.99999974E-6 : f32
    %add3A_44 = vector.broadcast %add3A_43 : f32 to vector<1x128xf32>
    %add3A_45 = arith.addf %div3A_42, %add3A_44 : vector<1x128xf32>
    %rsqrt3A = math.rsqrt %add3A_45 : vector<1x128xf32>
    %mul3A_46 = vector.broadcast %rsqrt3A : vector<1x128xf32> to vector<10000x128xf32>
    %mul3A_47 = arith.mulf %sub3A_35, %mul3A_46 : vector<10000x128xf32>
    %get3A_48 = arith.constant 0 : index
    %get3A_49 = arith.constant 0 : index
    %get3A_50 = vector.load %arg7[%get3A_48, %get3A_49] : memref<1x128xf32, #tpu.memory_space<vmem>>, vector<1x128xf32>
    %mul3A_51 = vector.broadcast %get3A_50 : vector<1x128xf32> to vector<10000x128xf32>
    %mul3A_52 = arith.mulf %mul3A_47, %mul3A_51 : vector<10000x128xf32>
    %get3A_53 = arith.constant 0 : index
    %get3A_54 = arith.constant 0 : index
    %get3A_55 = vector.load %arg8[%get3A_53, %get3A_54] : memref<1x128xf32, #tpu.memory_space<vmem>>, vector<1x128xf32>
    %add3A_56 = vector.broadcast %get3A_55 : vector<1x128xf32> to vector<10000x128xf32>
    %add3A_57 = arith.addf %mul3A_52, %add3A_56 : vector<10000x128xf32>
    %swap3A = arith.constant 0 : index
    %swap3A_58 = arith.constant 0 : index
    %swap3A_59 = vector.load %arg9[%swap3A, %swap3A_58] : memref<10000x128xf32, #tpu.memory_space<vmem>>, vector<10000x128xf32>
    tpu.vector_store %arg9[%swap3A, %swap3A_58], %add3A_57 {strides = array<i32>} : memref<10000x128xf32, #tpu.memory_space<vmem>>, vector<10000x128xf32>,
    return
  }
}

module attributes {stable_mosaic.version = 14 : i64} {
  func.func @_final_body(%arg0: memref<10000x128xf32, #tpu.memory_space<vmem>>, %arg1: memref<10000x128xf32, #tpu.memory_space<vmem>>, %arg2: memref<1x10000xi32, #tpu.memory_space<vmem>>, %arg3: memref<128x128xf32, #tpu.memory_space<vmem>>, %arg4: memref<1x128xf32, #tpu.memory_space<vmem>>, %arg5: memref<128x10xf32, #tpu.memory_space<vmem>>, %arg6: memref<1x10xf32, #tpu.memory_space<vmem>>, %arg7: memref<64x10xf32, #tpu.memory_space<vmem>>, %arg8: memref<10000x128xf32, #tpu.memory_space<vmem>>) attributes {dimension_semantics = [], scalar_prefetch = 0 : i64, scratch_operands = 0 : i64, tpu.core_type = #tpu.core_type<tc>} {
    %get3A = arith.constant 0 : index
    %get3A_0 = arith.constant 0 : index
    %get3A_1 = vector.load %arg1[%get3A, %get3A_0] : memref<10000x128xf32, #tpu.memory_space<vmem>>, vector<10000x128xf32>
    %get3A_2 = arith.constant 0 : index
    %get3A_3 = arith.constant 0 : index
    %get3A_4 = vector.load %arg0[%get3A_2, %get3A_3] : memref<10000x128xf32, #tpu.memory_space<vmem>>, vector<10000x128xf32>
    %log3A = math.log %get3A_1 : vector<10000x128xf32>
    %neg3A = arith.constant 0.000000e+00 : f32
    %neg3A_5 = vector.broadcast %neg3A : f32 to vector<10000x128xf32>
    %neg3A_6 = arith.subf %neg3A_5, %log3A : vector<10000x128xf32>
    %log3A_7 = math.log %neg3A_6 : vector<10000x128xf32>
    %neg3A_8 = arith.constant 0.000000e+00 : f32
    %neg3A_9 = vector.broadcast %neg3A_8 : f32 to vector<10000x128xf32>
    %neg3A_10 = arith.subf %neg3A_9, %log3A_7 : vector<10000x128xf32>
    %add3A = arith.addf %get3A_4, %neg3A_10 : vector<10000x128xf32>
    %reduce_max3A = arith.constant dense<0xFF800000> : vector<10000xf32>
    %reduce_max3A_11 = vector.multi_reduction <maximumf>, %add3A, %reduce_max3A [1] : vector<10000x128xf32> to vector<10000xf32>
    %broadcast_in_dim3A = vector.shape_cast %reduce_max3A_11 : vector<10000xf32> to vector<10000x1xf32>
    %sub3A = vector.broadcast %broadcast_in_dim3A : vector<10000x1xf32> to vector<10000x128xf32>
    %sub3A_12 = arith.subf %add3A, %sub3A : vector<10000x128xf32>
    %exp3A = math.exp %sub3A_12 : vector<10000x128xf32>
    %reduce_sum3A = arith.constant dense<0.000000e+00> : vector<10000xf32>
    %reduce_sum3A_13 = vector.multi_reduction <add>, %exp3A, %reduce_sum3A [1] : vector<10000x128xf32> to vector<10000xf32>
    %broadcast_in_dim3A_14 = vector.shape_cast %reduce_sum3A_13 : vector<10000xf32> to vector<10000x1xf32>
    %div3A = vector.broadcast %broadcast_in_dim3A_14 : vector<10000x1xf32> to vector<10000x128xf32>
    %div3A_15 = arith.divf %exp3A, %div3A : vector<10000x128xf32>
    %swap3A = arith.constant 0 : index
    %swap3A_16 = arith.constant 0 : index
    %swap3A_17 = vector.load %arg8[%swap3A, %swap3A_16] : memref<10000x128xf32, #tpu.memory_space<vmem>>, vector<10000x128xf32>
    tpu.vector_store %arg8[%swap3A, %swap3A_16], %div3A_15 {strides = array<i32>} : memref<10000x128xf32, #tpu.memory_space<vmem>>, vector<10000x128xf32>,
    %iota3A = tpu.iota {dimensions = array<i32: 0>} : vector<64x10000xi32>
    %get3A_18 = arith.constant 0 : index
    %get3A_19 = arith.constant 0 : index
    %get3A_20 = vector.load %arg2[%get3A_18, %get3A_19] : memref<1x10000xi32, #tpu.memory_space<vmem>>, vector<1x10000xi32>
    %eq3A = vector.broadcast %get3A_20 : vector<1x10000xi32> to vector<64x10000xi32>
    %eq3A_21 = arith.cmpi eq, %iota3A, %eq3A : vector<64x10000xi32>
    %convert_element_type3A = arith.extui %eq3A_21 : vector<64x10000xi1> to vector<64x10000xi32>
    %convert_element_type3A_22 = arith.sitofp %convert_element_type3A : vector<64x10000xi32> to vector<64x10000xf32>
    %dot_general3A = arith.constant dense<0.000000e+00> : vector<64x128xf32>
    %dot_general3A_23 = tpu.matmul %convert_element_type3A_22, %div3A_15, %dot_general3A {dimension_numbers = #tpu.dot_dimension_numbers<[1], [0], [0], [1], [0, 0, 1, 1], [], []>, precision = #tpu.contract_precision<fp32>, transpose_lhs_hint = false} : vector<64x10000xf32>, vector<10000x128xf32>, vector<64x128xf32> -> vector<64x128xf32>
    %get3A_24 = arith.constant 0 : index
    %get3A_25 = arith.constant 0 : index
    %get3A_26 = vector.load %arg3[%get3A_24, %get3A_25] : memref<128x128xf32, #tpu.memory_space<vmem>>, vector<128x128xf32>
    %dot_general3A_27 = arith.constant dense<0.000000e+00> : vector<64x128xf32>
    %dot_general3A_28 = tpu.matmul %dot_general3A_23, %get3A_26, %dot_general3A_27 {dimension_numbers = #tpu.dot_dimension_numbers<[1], [0], [0], [1], [0, 0, 1, 1], [], []>, precision = #tpu.contract_precision<fp32>, transpose_lhs_hint = false} : vector<64x128xf32>, vector<128x128xf32>, vector<64x128xf32> -> vector<64x128xf32>
    %get3A_29 = arith.constant 0 : index
    %get3A_30 = arith.constant 0 : index
    %get3A_31 = vector.load %arg4[%get3A_29, %get3A_30] : memref<1x128xf32, #tpu.memory_space<vmem>>, vector<1x128xf32>
    %add3A_32 = vector.broadcast %get3A_31 : vector<1x128xf32> to vector<64x128xf32>
    %add3A_33 = arith.addf %dot_general3A_28, %add3A_32 : vector<64x128xf32>
    %gt3A = arith.constant 0.000000e+00 : f32
    %gt3A_34 = vector.broadcast %gt3A : f32 to vector<64x128xf32>
    %gt3A_35 = arith.cmpf ogt, %add3A_33, %gt3A_34 : vector<64x128xf32>
    %mul3A = arith.constant 0.00999999977 : f32
    %mul3A_36 = vector.broadcast %mul3A : f32 to vector<64x128xf32>
    %mul3A_37 = arith.mulf %mul3A_36, %add3A_33 : vector<64x128xf32>
    %select_n3A = arith.select %gt3A_35, %add3A_33, %mul3A_37 : vector<64x128xi1>, vector<64x128xf32>
    %get3A_38 = arith.constant 0 : index
    %get3A_39 = arith.constant 0 : index
    %get3A_40 = vector.load %arg5[%get3A_38, %get3A_39] : memref<128x10xf32, #tpu.memory_space<vmem>>, vector<128x10xf32>
    %dot_general3A_41 = arith.constant dense<0.000000e+00> : vector<64x10xf32>
    %dot_general3A_42 = tpu.matmul %select_n3A, %get3A_40, %dot_general3A_41 {dimension_numbers = #tpu.dot_dimension_numbers<[1], [0], [0], [1], [0, 0, 1, 1], [], []>, precision = #tpu.contract_precision<fp32>, transpose_lhs_hint = false} : vector<64x128xf32>, vector<128x10xf32>, vector<64x10xf32> -> vector<64x10xf32>
    %get3A_43 = arith.constant 0 : index
    %get3A_44 = arith.constant 0 : index
    %get3A_45 = vector.load %arg6[%get3A_43, %get3A_44] : memref<1x10xf32, #tpu.memory_space<vmem>>, vector<1x10xf32>
    %add3A_46 = vector.broadcast %get3A_45 : vector<1x10xf32> to vector<64x10xf32>
    %add3A_47 = arith.addf %dot_general3A_42, %add3A_46 : vector<64x10xf32>
    %reduce_max3A_48 = arith.constant dense<0xFF800000> : vector<64xf32>
    %reduce_max3A_49 = vector.multi_reduction <maximumf>, %add3A_47, %reduce_max3A_48 [1] : vector<64x10xf32> to vector<64xf32>
    %broadcast_in_dim3A_50 = vector.shape_cast %reduce_max3A_49 : vector<64xf32> to vector<64x1xf32>
    %sub3A_51 = vector.broadcast %broadcast_in_dim3A_50 : vector<64x1xf32> to vector<64x10xf32>
    %sub3A_52 = arith.subf %add3A_47, %sub3A_51 : vector<64x10xf32>
    %exp3A_53 = math.exp %sub3A_52 : vector<64x10xf32>
    %reduce_sum3A_54 = arith.constant dense<0.000000e+00> : vector<64xf32>
    %reduce_sum3A_55 = vector.multi_reduction <add>, %exp3A_53, %reduce_sum3A_54 [1] : vector<64x10xf32> to vector<64xf32>
    %broadcast_in_dim3A_56 = vector.shape_cast %reduce_sum3A_55 : vector<64xf32> to vector<64x1xf32>
    %div3A_57 = vector.broadcast %broadcast_in_dim3A_56 : vector<64x1xf32> to vector<64x10xf32>
    %div3A_58 = arith.divf %exp3A_53, %div3A_57 : vector<64x10xf32>
    %swap3A_59 = arith.constant 0 : index
    %swap3A_60 = arith.constant 0 : index
    %swap3A_61 = vector.load %arg7[%swap3A_59, %swap3A_60] : memref<64x10xf32, #tpu.memory_space<vmem>>, vector<64x10xf32>
    tpu.vector_store %arg7[%swap3A_59, %swap3A_60], %div3A_58 {strides = array<i32>} : memref<64x10xf32, #tpu.memory_space<vmem>>, vector<64x10xf32>,
    return
  }
}

</mosaic_0001>

<sc_bundles>
// kernel: kernel.19.cloned.1.call-start
scs
__scs_entry_jumppad:
0x0: {  	(pc) =	sbr.rel $0x88, $3  }
0x1: {  	(tag) =	ssettag $0x0;
	lr =	simm.s32 $0x1  }
0x2: {  	[smem:$0x3F94] =	sst lr;
	_ =	strace $0xD0000000  }
0x3: {  	_ = 	snop  }
0x4: {  	_ = 	snop  }
0x5: {  	_ = 	snop  }
0x6: {  	_ = 	snop  }
0x7: {  	_ = 	snop  }
__scs_overlays_trampoline_lowered:
0x8: {  	[smem:$0x3FA3] =	sst s0  }
0x9: {  	[smem:$0x3FA4] =	sst s1  }
0xa: {  	[smem:$0x3FA5] =	sst s2  }
0xb: {  	[smem:$0x3FA6] =	sst s3  }
0xc: {  	[smem:$0x3FA7] =	sst s4  }
0xd: {  	[smem:$0x3FA8] =	sst s5  }
0xe: {  	[smem:$0x3FA9] =	sst s6  }
0xf: {  	[smem:$0x3FAA] =	sst s7  }
0x10: {  	[smem:$0x3FAB] =	sst s8  }
0x11: {  	[smem:$0x3FAC] =	sst s9;
	s0 =	simm.s32 @!p0 $0x0  }
0x12: {  	s1 =	sld [smem:$0x3F92];
	s0 =	simm.s32 @p0 $0x1  }
0x13: {  	[smem:$0x3FAD] =	sst s0;
	s0 =	simm.s32 @!p1 $0x0  }
0x14: {  	s2 =	sld [smem:$0x3F91];
	s0 =	simm.s32 @p1 $0x1  }
0x15: {  	[smem:$0x3FAE] =	sst s0;
	s0 =	simm.s32 @!p2 $0x0  }
0x16: {  	s3 =	sld [smem:$0x3FDB];
	s0 =	simm.s32 @p2 $0x1  }
0x17: {  	s4 =	simm.s32 $0x1BF5;
	[smem:$0x3FB0] =	sst s0  }
0x18: {  	s0 =	sld [smem:$0x3F93];
	_ =	swait.ge [sflag:s4], $0x0  }
0x19: {  	s7 =	sld [smem:$0x3F94]  }
0x1a: {  	s8 =	sadd.s32 $0xFFFFE003, lr  }
0x1b: {  	s9 =	sadd.s32 $0xFFFFFEF7, lr;
	s5 =	simm.s32 $0xFFFFFFFF;
	p2 =	slt.u32 s8, $0xFFFFF086  }
0x1c: {  	p1 =	slt.u32 s9, $0xF7A;
	s5 =	simm.s32 @!p2 $0x0  }
0x1d: {  	s5 =	simm.s32 @p1 $0x1;
	p0 =	seq.s32 s7, s2  }
0x1e: {  	s7 =	smul.u32 @!p0 $0xF7A, s2;
	p2 =	seq.s32 @!p0 s5, $0x0  }
0x1f: {  	s9 =	smul.u32 $0xF7A, s1;
	s8 =	simm.s32 @!p0 $0x1BF5;
	p2 =	por !p2, p0  }
0x20: {  	[sflag:s8] =	ssyncset.s32 @!p0 $0xFFFFF086;
	s6 =	sadd.s32 @!p0 s3, s7;
	s7 =	simm.s32 @!p0 $0x108  }
0x21: {  	s3 =	sadd.s32 s3, s9;
	s6 =	sadd.s32 @!p0 $0x88, s6;
	s7 =	simm.s32 @p2 $0x1082  }
0x22: {  	[simem:s7], [sflag:s8] =	dma.local @!p0 [hbm:s6], $0xF7A  }
0x23: {  	s9 =	sor.u32 $0xD0000000, s2;
	s6 =	simm.s32 $0x108;
	_ =	swait.ge @!p0 [sflag:s8], $0x0  }
0x24: {  	s3 =	sadd.s32 $0x88, s3;
	s6 =	simm.s32 @!p1 $0x1082;
	[sflag:s4] =	ssyncset.s32 $0xFFFFF086  }
0x25: {  	[simem:s6], [sflag:s4] =	dma.local [hbm:s3], $0xF7A  }
0x26: {  	[smem:$0x3F94] =	sst s1;
	(tag) =	ssettag s2;
	_ =	strace s9  }
0x27: {  	s1 =	sld [smem:$0x3FA4]  }
0x28: {  	s2 =	sld [smem:$0x3FA5]  }
0x29: {  	s4 =	sld [smem:$0x3FA7]  }
0x2a: {  	p0 =	seq.s32 s5, $0x0;
	s5 =	sld [smem:$0x3FA8]  }
0x2b: {  	s6 =	sld [smem:$0x3FA9]  }
0x2c: {  	s7 =	sld [smem:$0x3FAA]  }
0x2d: {  	s3 =	simm.s32 $0x108;
	s8 =	sld [smem:$0x3FAB]  }
0x2e: {  	s3 =	simm.s32 @!p0 $0x1082;
	s9 =	sld [smem:$0x3FAC]  }
0x2f: {  	lr =	sadd.s32 s0, s3;
	s0 =	sld [smem:$0x3FA3]  }
0x30: {  	s3 =	sld [smem:$0x3FA6]  }
0x31: {  	[smem:$0x3FAF] =	sst s10  }
0x32: {  	s10 =	sld [smem:$0x3FAD];
	_ =	sdelay $0x3  }
0x33: {  	p0 =	seq.s32 s10, $0x1;
	s10 =	sld [smem:$0x3FAF];
	_ =	sdelay $0x3  }
0x34: {  	[smem:$0x3FAF] =	sst s10  }
0x35: {  	s10 =	sld [smem:$0x3FAE];
	_ =	sdelay $0x3  }
0x36: {  	p1 =	seq.s32 s10, $0x1;
	s10 =	sld [smem:$0x3FAF];
	_ =	sdelay $0x3  }
0x37: {  	[smem:$0x3FAF] =	sst s10  }
0x38: {  	s10 =	sld [smem:$0x3FB0]  }
0x39: {  	_ = 	snop;
	(pc) =	sbr.ind lr, $3  }
0x3a: {  	_ = 	snop  }
0x3b: {  	_ = 	snop  }
0x3c: {  	p2 =	seq.s32 s10, $0x1;
	s10 =	sld [smem:$0x3FAF]  }
0x3d: {  	_ =	shalt  }
0x3e: {  	_ =	shalt  }
0x3f: {  	_ =	shalt  }
0x40: {  	_ =	shalt  }
0x41: {  	_ =	shalt  }
0x42: {  	_ =	shalt  }
0x43: {  	_ =	shalt  }
0x44: {  	_ =	shalt  }
0x45: {  	_ =	shalt  }
0x46: {  	_ =	shalt  }
0x47: {  	_ =	shalt  }
0x48: {  	_ =	shalt  }
0x49: {  	_ =	shalt  }
0x4a: {  	_ =	shalt  }
0x4b: {  	_ =	shalt  }
0x4c: {  	_ =	shalt  }
0x4d: {  	_ =	shalt  }
0x4e: {  	_ =	shalt  }
0x4f: {  	_ =	shalt  }
0x50: {  	_ =	shalt  }
0x51: {  	_ =	shalt  }
0x52: {  	_ =	shalt  }
0x53: {  	_ =	shalt  }
0x54: {  	_ =	shalt  }
0x55: {  	_ =	shalt  }
0x56: {  	_ =	shalt  }
0x57: {  	_ =	shalt  }
0x58: {  	_ =	shalt  }
0x59: {  	_ =	shalt  }
0x5a: {  	_ =	shalt  }
0x5b: {  	_ =	shalt  }
0x5c: {  	_ =	shalt  }
0x5d: {  	_ =	shalt  }
0x5e: {  	_ =	shalt  }
0x5f: {  	_ =	shalt  }
0x60: {  	_ =	shalt  }
0x61: {  	_ =	shalt  }
0x62: {  	_ =	shalt  }
0x63: {  	_ =	shalt  }
0x64: {  	_ =	shalt  }
0x65: {  	_ =	shalt  }
0x66: {  	_ =	shalt  }
0x67: {  	_ =	shalt  }
0x68: {  	_ =	shalt  }
0x69: {  	_ =	shalt  }
0x6a: {  	_ =	shalt  }
0x6b: {  	_ =	shalt  }
0x6c: {  	_ =	shalt  }
0x6d: {  	_ =	shalt  }
0x6e: {  	_ =	shalt  }
0x6f: {  	_ =	shalt  }
0x70: {  	_ =	shalt  }
0x71: {  	_ =	shalt  }
0x72: {  	_ =	shalt  }
0x73: {  	_ =	shalt  }
0x74: {  	_ =	shalt  }
0x75: {  	_ =	shalt  }
0x76: {  	_ =	shalt  }
0x77: {  	_ =	shalt  }
0x78: {  	_ =	shalt  }
0x79: {  	_ =	shalt  }
0x7a: {  	_ =	shalt  }
0x7b: {  	_ =	shalt  }
0x7c: {  	_ =	shalt  }
0x7d: {  	_ =	shalt  }
0x7e: {  	_ =	shalt  }
0x7f: {  	_ =	shalt  }
0x80: {  	_ =	shalt  }
0x81: {  	_ =	shalt  }
0x82: {  	_ =	shalt  }
0x83: {  	_ =	shalt  }
0x84: {  	_ =	shalt  }
0x85: {  	_ =	shalt  }
0x86: {  	_ =	shalt  }
0x87: {  	_ =	shalt  }
.Lfunc_end0:
.L_simem_size_0:
called_computation_lowered:
.L_overlay_start_0:
0x88: {  	s2 =	sld [smem:$0x3FD9]  }
0x89: {  	s3 =	sld [smem:$0x3FFE];
	_ =	sdelay $0x1  }
0x8a: {  	s1 =	srdreg.scid  }
0x8b: {  	s0 =	sand.u32 $0x1, s1  }
0x8c: {  	s17 =	sshll.u32 s0, $0xA;
	s2 =	sadd.s32 s3, s2  }
0x8d: {  	s2 =	sadd.s32 s2, s17  }
0x8e: {  	[smem:$0x3FBB] =	sst s2  }
0x8f: {  	_ = 	snop  }
0x90: {  	s2 =	sld [smem:$0x3FC9];
	(tm) =	ssettm $0x1  }
0x91: {  	s18 =	sld [smem:$0x3FFB];
	_ =	sdelay $0x3  }
0x92: {  	_ =	strace s18  }
0x93: {  	s3 =	sld [smem:$0x3FFC];
	_ =	sdelay $0x3  }
0x94: {  	_ =	strace s3  }
0x95: {  	s3 =	sld [smem:$0x3FFD];
	_ =	sdelay $0x3  }
0x96: {  	_ =	strace s3  }
0x97: {  	_ =	strace $0x8FFFFFFF  }
0x98: {  	s19 =	sld [smem:$0x3FDB];
	_ =	sdelay $0x1  }
0x99: {  	s4 =	simm.s32 $_scs_section_size  }
0x9a: {  	s5 =	simm.s32 $_size__tile_overlayer_lowered;
	s6 =	simm.s32 $_tile_overlayer_lowered  }
0x9b: {  	s22 =	simm.s32 $0x1BFF;
	s21 =	sshll.u32 s6, $0x1;
	s3 =	sadd.s32 s4, s19  }
0x9c: {  	s7 =	simm.s32 $0x0;
	s20 =	sshll.u32 s5, $0x1;
	s5 =	sadd.s32 s21, s3  }
0x9d: {  	[timem:s7], [sflag:s22] =	dma.local [hbm:s5], s20  }
0x9e: {  	_ =	swait.ge [sflag:s22], s20  }
0x9f: {  	s4 =	ssub.s32 $0x0, s20;
	[sflag:s22] =	ssyncset.done $0x0  }
0xa0: {  	[sflag:s22] =	ssyncadd.s32 s4;
	_ =	sdelay $0x1  }
0xa1: {  	s23 =	simm.s32 $0x1B8B  }
0xa2: {  	_ =	swait.ge [sflag:s23], $0x1  }
0xa3: {  	[sflag:s23] =	ssyncset.done $0x0  }
0xa4: {  	s25 =	simm.s32 $0x1B8E;
	s24 =	sld [smem:$0x3FFE];
	[sflag:s23] =	ssyncadd.s32 $0xFFFFFFFF  }
0xa5: {  	s26 =	simm.s32 $execute0_lowered;
	[smem:$0x3FD2] =	sst s25  }
0xa6: {  	s5 =	sshll.u32 s26, $0x1;
	_ =	strace $0x80000046;
	[dreg:$0x1] =	wrdreg $0xFFFFFFFF  }
0xa7: {  	s28 =	simm.s32 $_size_execute0_lowered;
	s3 =	sadd.s32 s3, s5;
	[dreg:$0x0] =	wrdreg $0x0  }
0xa8: {  	s5 =	sshll.u32 s28, $0x1;
	[dreg:$0x2] =	wrdreg s3  }
0xa9: {  	[dreg:$0x3] =	wrdreg s5  }
0xaa: {  	[dreg:$0x4] =	wrdreg $0xC0  }
0xab: {  	_ =	task [dreg:s7], $0x5FFFF  }
0xac: {  	[dreg:$0x1] =	wrdreg $0xFFFFFFFF  }
0xad: {  	[dreg:$0x0] =	wrdreg $0x60  }
0xae: {  	[dreg:$0x2] =	wrdreg s2  }
0xaf: {  	[dreg:$0x3] =	wrdreg s24  }
0xb0: {  	[dreg:$0x4] =	wrdreg $0x41000  }
0xb1: {  	[dreg:$0x5] =	wrdreg $0x9  }
0xb2: {  	_ =	task.clear_ibuf [dreg:s7], $0x6FFFF;
	_ =	strace $0x90000046  }
0xb3: {  	s29 =	simm.s32 $0x9;
	_ =	strace $0x80000048  }
0xb4: {  	_ =	swait.ge [sflag:s29], $0x1  }
0xb5: {  	[sflag:s29] =	ssyncadd.s32 $0xFFFFFFFF  }
0xb6: {  	_ =	strace $0x90000048  }
0xb7: {  	_ =	sfence  }
0xb8: {  	s30 =	sld [smem:$0x0];
	_ =	sdelay $0x2  }
0xb9: {  	s31 =	sshll.u32 s1, $0xD;
	s1 =	sshrl.u32 s1, $0x2  }
0xba: {  	s3 =	sand.u32 $0x4000, s31;
	s1 =	sadd.s32 s1, s30  }
0xbb: {  	s0 =	sor.u32 s3, s0;
	s1 =	sshll.u32 s1, $0x11  }
0xbc: {  	s0 =	sor.u32 s1, s0  }
0xbd: {  	s0 =	sadd.s32 $0x8F2B, s0  }
0xbe: {  	[sflag:s0] =	ssyncadd.remote.s32 $0x1  }
0xbf: {  	_ =	sfence.sel $0xFFFF  }
0xc0: {  	[dreg:$0x0] =	wrdreg $0xFFFFFFFF;
	(pc) =	sbr.abs _section_cstart, $3  }
0xc1: {  	[dreg:$0x1] =	wrdreg $0xFFFFFFFF  }
0xc2: {  	_ =	task.clear_ibuf [dreg:s7], $0x2FFFF;
	_ =	strace $0x9FFFFFFF  }
0xc3: {  	(tm) =	ssettm $0x7FFFFFFF  }
tec
execute0_lowered:
.L_overlay_start_1:
0x0: {  	(tag) =	ssettag $0x1  }
0x1: {  	s0 =	rddreg [dreg:$0x0]  }
0x2: {  	s6 =	rddreg [dreg:$0x1]  }
0x3: {  	s1 =	srdreg.scid;
	s2 =	stileid.u32  }
0x4: {  	s3 =	rddreg [dreg:$0x2];
	s4 =	simm.s32 $0x0;
	s8 =	smul.u32 $0x2800, s2  }
0x5: {  	s14 =	simm.s32 $0x100;
	s15 =	simm.s32 $0x1;
	s29 =	smul.u32 $0x50000, s2  }
0x6: {  	s7 =	sand.u32 $0x1, s1;
	s1 =	rddreg [dreg:$0x3];
	s11 =	smul.u32 $0x4F0, s2  }
0x7: {  	s16 =	simm.s32 $0x0;
	[smem:$0x7FF] =	sst s4;
	s5 =	smul.u32 $0x4F00, s7  }
0x8: {  	s31 =	sshll.u32 s2, $0x6;
	s9 =	smul.u32 $0x28000, s7;
	s30 =	ssub.s32 $0x2, s7  }
0x9: {  	_ =	strace $0x80000047;
	s7 =	sshrl.u32 s30, $0x1;
	s10 =	sadd.s32 s5, s6  }
0xa: {  	s8 =	sadd.s32 s8, s9;
	s5 =	sadd.s32 $0x1F800, s6;
	s9 =	sshrl.u32 s29, $0x2  }
0xb: {  	s12 =	ssub.s32 s30, s7;
	s8 =	sadd.s32 s8, s6;
	s13 =	sadd.s32 s9, s3  }
0xc: {  	s6 =	sor.u32 $0x1C02, s31;
	s10 =	sadd.s32 s11, s10;
	s7 =	sadd.s32 $0x22000, s8  }
0xd: {  	s8 =	smax.u32 s12, $0x1;
	s9 =	sadd.s32 $0x15A00, s10;
	s10 =	sadd.s32 $0xBC00, s10  }
0xe: {  	s11 =	sshrl.u32 s13, $0x3;
	s12 =	simm.s32 $0x2;
	s13 =	simm.s32 $0x80  }
.LBB2_1:
0xf: {  	[spmem:s11], [sflag:s6] =	dma.local [hbm:s5], $0x2800  }
0x10: {  	_ =	swait.ge [sflag:s12], $0x2800  }
0x11: {  	[sflag:s12] =	ssyncset.done $0x0  }
0x12: {  	[sflag:s12] =	ssyncadd.s32 $0xFFFFD800  }
0x13: {  	s17 =	sadd.s32 $0x0, s10;
	[bflag:$0x0] =	sbarrier.arrive $0xFFFF  }
0x14: {  	[tilespmem:s4], [sflag:$0x2] =	stream.linear.gather [hbm4b:s17+s4], $0x80, $0x38;
	[tilespmem:$0x18100] =	vst v63  }
0x15: {  	_ =	swait.ge [sflag:s12], $0x80  }
0x16: {  	[sflag:s12] =	ssyncset.done $0x0  }
0x17: {  	s31 =	sadd.s32 $0x0, s9;
	[sflag:s12] =	ssyncadd.s32 $0xFFFFFF80  }
0x18: {  	[tilespmem:s13], [sflag:$0x2] =	stream.linear.gather [hbm4b:s31+s4], $0x80, $0x38;
	[tilespmem:$0x18100] =	vst v63  }
0x19: {  	_ =	swait.ge [sflag:s12], $0x80  }
0x1a: {  	[sflag:s12] =	ssyncset.done $0x0  }
0x1b: {  	[sflag:s12] =	ssyncadd.s32 $0xFFFFFF80  }
0x1c: {  	[tilespmem:s14], [sflag:$0x1] =	stream.indirect.gather [hbm4b:s0+s13], $0x80, s4, s13, $0xb8;
	[tilespmem:$0x18100] =	vst v63  }
0x1d: {  	_ =	swait.ge [sflag:s15], $0x4000  }
0x1e: {  	[sflag:s15] =	ssyncset.done $0x0  }
0x1f: {  	[sflag:s15] =	ssyncadd.s32 $0xFFFFC000  }
0x20: {  	[spmem:s3] =	stream.indirect.scatter.add.f32 [tilespmem:s14], [sflag:$0x2], $0x80, s13, s13, $0xb8;
	[tilespmem:$0x18100] =	vst v63  }
0x21: {  	_ =	swait.ge [sflag:s12], $0x4000  }
0x22: {  	s18 =	simm.s32 $0x20;
	s17 =	simm.s32 $0x10;
	[sflag:s12] =	ssyncset.done $0x0  }
.LBB2_2:
0x23: {  	s19 =	sadd.s32 s17, s10  }
0x24: {  	[sflag:s12] =	ssyncadd.s32 $0xFFFFC000;
	s20 =	smov.u32 s18;
	s21 =	sadd.s32 $0x10, s18  }
0x25: {  	[tilespmem:s4], [sflag:$0x2] =	stream.linear.gather [hbm4b:s19+s4], $0x80, $0x38;
	[tilespmem:$0x18100] =	vst v63  }
0x26: {  	p0 =	sne.s32 s18, $0x4E0;
	_ =	swait.ge [sflag:s12], $0x80  }
0x27: {  	[sflag:s12] =	ssyncset.done $0x0  }
0x28: {  	s18 =	sadd.s32 s17, s9;
	s17 =	smov.u32 s20;
	[sflag:s12] =	ssyncadd.s32 $0xFFFFFF80  }
0x29: {  	[tilespmem:s13], [sflag:$0x2] =	stream.linear.gather [hbm4b:s18+s4], $0x80, $0x38;
	[tilespmem:$0x18100] =	vst v63  }
0x2a: {  	_ =	swait.ge [sflag:s12], $0x80  }
0x2b: {  	[sflag:s12] =	ssyncset.done $0x0  }
0x2c: {  	[sflag:s12] =	ssyncadd.s32 $0xFFFFFF80  }
0x2d: {  	[tilespmem:s14], [sflag:$0x1] =	stream.indirect.gather [hbm4b:s0+s13], $0x80, s4, s13, $0xb8;
	[tilespmem:$0x18100] =	vst v63  }
0x2e: {  	_ =	swait.ge [sflag:s15], $0x4000  }
.Ltmp0:
0x2f: {  	[sflag:s15] =	ssyncset.done $0x0;
	(pc) =	sbr.rel @p0 .LBB2_2-.Ltmp0, $4  }
0x30: {  	[sflag:s15] =	ssyncadd.s32 $0xFFFFC000  }
0x31: {  	[spmem:s3] =	stream.indirect.scatter.add.f32 [tilespmem:s14], [sflag:$0x2], $0x80, s13, s13, $0xb8;
	[tilespmem:$0x18100] =	vst v63  }
0x32: {  	_ =	swait.ge [sflag:s12], $0x4000  }
0x33: {  	s18 =	smov.u32 s21;
	[sflag:s12] =	ssyncset.done $0x0  }
0x34: {  	s18 =	sadd.s32 s17, s10;
	[sflag:s12] =	ssyncadd.s32 $0xFFFFC000  }
0x35: {  	[tilespmem:s4], [sflag:$0x2] =	stream.linear.gather [hbm4b:s18+s4], $0x80, $0x38;
	[tilespmem:$0x18100] =	vst v63  }
0x36: {  	_ =	swait.ge [sflag:s12], $0x80  }
0x37: {  	[sflag:s12] =	ssyncset.done $0x0  }
0x38: {  	s31 =	sadd.s32 s17, s9;
	[sflag:s12] =	ssyncadd.s32 $0xFFFFFF80  }
0x39: {  	[tilespmem:s13], [sflag:$0x2] =	stream.linear.gather [hbm4b:s31+s4], $0x80, $0x38;
	[tilespmem:$0x18100] =	vst v63  }
0x3a: {  	_ =	swait.ge [sflag:s12], $0x80  }
0x3b: {  	[sflag:s12] =	ssyncset.done $0x0  }
0x3c: {  	[sflag:s12] =	ssyncadd.s32 $0xFFFFFF80  }
0x3d: {  	[tilespmem:s14], [sflag:$0x1] =	stream.indirect.gather [hbm4b:s0+s13], $0x80, s4, s13, $0xb8;
	[tilespmem:$0x18100] =	vst v63  }
0x3e: {  	_ =	swait.ge [sflag:s15], $0x4000  }
0x3f: {  	[sflag:s15] =	ssyncset.done $0x0  }
0x40: {  	[sflag:s15] =	ssyncadd.s32 $0xFFFFC000  }
0x41: {  	[spmem:s3] =	stream.indirect.scatter.add.f32 [tilespmem:s14], [sflag:$0x2], $0x80, s13, s13, $0xb8;
	[tilespmem:$0x18100] =	vst v63  }
0x42: {  	_ =	swait.ge [sflag:s12], $0x4000  }
0x43: {  	s16 =	sadd.s32 $0x1, s16;
	[sflag:s12] =	ssyncset.done $0x0  }
0x44: {  	p0 =	sne.s32 s16, s8;
	[sflag:s12] =	ssyncadd.s32 $0xFFFFC000  }
.Ltmp1:
0x45: {  	[bflag:$0x0] =	sbarrier.arrive $0xFFFF;
	(pc) =	sbr.rel @p0 .LBB2_1-.Ltmp1, $4  }
0x46: {  	[hbm:s7], [sflag:s6] =	dma.local [spmem:s11], $0x2800  }
0x47: {  	_ =	swait.ge [sflag:s12], $0x2800  }
0x48: {  	[sflag:s12] =	ssyncset.done $0x0  }
0x49: {  	[sflag:s12] =	ssyncadd.s32 $0xFFFFD800  }
0x4a: {  	_ =	sfence.sel $0x180000  }
0x4b: {  	[bflag:$0x0] =	sbarrier.arrive $0xFFFF  }
0x4c: {  	p0 =	sne.s32 s2, $0x0;
	_ =	strace $0x90000047  }
0x4d: {  	s0 =	sadd.s32 @!p0 $0x100000, s1;
	[bflag:$0x2] =	sbarrier.arrive $0xFFFF  }
0x4e: {  	[sflag:s0] =	ssyncadd.tile.s32 @!p0 $0x1;
	_ =	shalt  }
.Lfunc_end2:
_tile_overlayer_lowered:
.L_overlay_start_2:
0x4f: {  	(tag) =	ssettag $0x2  }
0x50: {  	s0 =	rddreg [dreg:$0x0];
	s2 =	stileid.u32  }
0x51: {  	s1 =	rddreg [dreg:$0x1];
	p0 =	sne.s32 s2, $0x0  }
0x52: {  	s3 =	rddreg [dreg:$0x2];
	[bflag:$0x3] =	sbarrier.arrive $0xFFFF;
	s2 =	simm.s32 @!p0 $0x1C02  }
0x53: {  	[timem:s3], [sflag:s2] =	dma.local @!p0 [hbm:s0], s1  }
0x54: {  	s0 =	simm.s32 @!p0 $0x2  }
0x55: {  	_ =	swait.ge @!p0 [sflag:s0], s1  }
0x56: {  	s1 =	ssub.s32 @!p0 $0x0, s1;
	[sflag:s0] =	ssyncset.done @!p0 $0x0  }
0x57: {  	[sflag:s0] =	ssyncadd.s32 @!p0 s1  }
0x58: {  	[bflag:$0x3] =	sbarrier.arrive $0xFFFF  }
0x59: {  	_ =	shalt  }

// kernel: kernel.22.cloned.1.call-start
scs
__scs_entry_jumppad:
0x0: {  	(pc) =	sbr.rel $0x88, $3  }
0x1: {  	(tag) =	ssettag $0x0;
	lr =	simm.s32 $0x1  }
0x2: {  	[smem:$0x3F94] =	sst lr;
	_ =	strace $0xD0000000  }
0x3: {  	_ = 	snop  }
0x4: {  	_ = 	snop  }
0x5: {  	_ = 	snop  }
0x6: {  	_ = 	snop  }
0x7: {  	_ = 	snop  }
__scs_overlays_trampoline_lowered:
0x8: {  	[smem:$0x3FA3] =	sst s0  }
0x9: {  	[smem:$0x3FA4] =	sst s1  }
0xa: {  	[smem:$0x3FA5] =	sst s2  }
0xb: {  	[smem:$0x3FA6] =	sst s3  }
0xc: {  	[smem:$0x3FA7] =	sst s4  }
0xd: {  	[smem:$0x3FA8] =	sst s5  }
0xe: {  	[smem:$0x3FA9] =	sst s6  }
0xf: {  	[smem:$0x3FAA] =	sst s7  }
0x10: {  	[smem:$0x3FAB] =	sst s8  }
0x11: {  	[smem:$0x3FAC] =	sst s9;
	s0 =	simm.s32 @!p0 $0x0  }
0x12: {  	s1 =	sld [smem:$0x3F92];
	s0 =	simm.s32 @p0 $0x1  }
0x13: {  	[smem:$0x3FAD] =	sst s0;
	s0 =	simm.s32 @!p1 $0x0  }
0x14: {  	s2 =	sld [smem:$0x3F91];
	s0 =	simm.s32 @p1 $0x1  }
0x15: {  	[smem:$0x3FAE] =	sst s0;
	s0 =	simm.s32 @!p2 $0x0  }
0x16: {  	s3 =	sld [smem:$0x3FDB];
	s0 =	simm.s32 @p2 $0x1  }
0x17: {  	s4 =	simm.s32 $0x1BF5;
	[smem:$0x3FB0] =	sst s0  }
0x18: {  	s0 =	sld [smem:$0x3F93];
	_ =	swait.ge [sflag:s4], $0x0  }
0x19: {  	s7 =	sld [smem:$0x3F94]  }
0x1a: {  	s8 =	sadd.s32 $0xFFFFE003, lr  }
0x1b: {  	s9 =	sadd.s32 $0xFFFFFEF7, lr;
	s5 =	simm.s32 $0xFFFFFFFF;
	p2 =	slt.u32 s8, $0xFFFFF086  }
0x1c: {  	p1 =	slt.u32 s9, $0xF7A;
	s5 =	simm.s32 @!p2 $0x0  }
0x1d: {  	s5 =	simm.s32 @p1 $0x1;
	p0 =	seq.s32 s7, s2  }
0x1e: {  	s7 =	smul.u32 @!p0 $0xF7A, s2;
	p2 =	seq.s32 @!p0 s5, $0x0  }
0x1f: {  	s9 =	smul.u32 $0xF7A, s1;
	s8 =	simm.s32 @!p0 $0x1BF5;
	p2 =	por !p2, p0  }
0x20: {  	[sflag:s8] =	ssyncset.s32 @!p0 $0xFFFFF086;
	s6 =	sadd.s32 @!p0 s3, s7;
	s7 =	simm.s32 @!p0 $0x108  }
0x21: {  	s3 =	sadd.s32 s3, s9;
	s6 =	sadd.s32 @!p0 $0x88, s6;
	s7 =	simm.s32 @p2 $0x1082  }
0x22: {  	[simem:s7], [sflag:s8] =	dma.local @!p0 [hbm:s6], $0xF7A  }
0x23: {  	s9 =	sor.u32 $0xD0000000, s2;
	s6 =	simm.s32 $0x108;
	_ =	swait.ge @!p0 [sflag:s8], $0x0  }
0x24: {  	s3 =	sadd.s32 $0x88, s3;
	s6 =	simm.s32 @!p1 $0x1082;
	[sflag:s4] =	ssyncset.s32 $0xFFFFF086  }
0x25: {  	[simem:s6], [sflag:s4] =	dma.local [hbm:s3], $0xF7A  }
0x26: {  	[smem:$0x3F94] =	sst s1;
	(tag) =	ssettag s2;
	_ =	strace s9  }
0x27: {  	s1 =	sld [smem:$0x3FA4]  }
0x28: {  	s2 =	sld [smem:$0x3FA5]  }
0x29: {  	s4 =	sld [smem:$0x3FA7]  }
0x2a: {  	p0 =	seq.s32 s5, $0x0;
	s5 =	sld [smem:$0x3FA8]  }
0x2b: {  	s6 =	sld [smem:$0x3FA9]  }
0x2c: {  	s7 =	sld [smem:$0x3FAA]  }
0x2d: {  	s3 =	simm.s32 $0x108;
	s8 =	sld [smem:$0x3FAB]  }
0x2e: {  	s3 =	simm.s32 @!p0 $0x1082;
	s9 =	sld [smem:$0x3FAC]  }
0x2f: {  	lr =	sadd.s32 s0, s3;
	s0 =	sld [smem:$0x3FA3]  }
0x30: {  	s3 =	sld [smem:$0x3FA6]  }
0x31: {  	[smem:$0x3FAF] =	sst s10  }
0x32: {  	s10 =	sld [smem:$0x3FAD];
	_ =	sdelay $0x3  }
0x33: {  	p0 =	seq.s32 s10, $0x1;
	s10 =	sld [smem:$0x3FAF];
	_ =	sdelay $0x3  }
0x34: {  	[smem:$0x3FAF] =	sst s10  }
0x35: {  	s10 =	sld [smem:$0x3FAE];
	_ =	sdelay $0x3  }
0x36: {  	p1 =	seq.s32 s10, $0x1;
	s10 =	sld [smem:$0x3FAF];
	_ =	sdelay $0x3  }
0x37: {  	[smem:$0x3FAF] =	sst s10  }
0x38: {  	s10 =	sld [smem:$0x3FB0]  }
0x39: {  	_ = 	snop;
	(pc) =	sbr.ind lr, $3  }
0x3a: {  	_ = 	snop  }
0x3b: {  	_ = 	snop  }
0x3c: {  	p2 =	seq.s32 s10, $0x1;
	s10 =	sld [smem:$0x3FAF]  }
0x3d: {  	_ =	shalt  }
0x3e: {  	_ =	shalt  }
0x3f: {  	_ =	shalt  }
0x40: {  	_ =	shalt  }
0x41: {  	_ =	shalt  }
0x42: {  	_ =	shalt  }
0x43: {  	_ =	shalt  }
0x44: {  	_ =	shalt  }
0x45: {  	_ =	shalt  }
0x46: {  	_ =	shalt  }
0x47: {  	_ =	shalt  }
0x48: {  	_ =	shalt  }
0x49: {  	_ =	shalt  }
0x4a: {  	_ =	shalt  }
0x4b: {  	_ =	shalt  }
0x4c: {  	_ =	shalt  }
0x4d: {  	_ =	shalt  }
0x4e: {  	_ =	shalt  }
0x4f: {  	_ =	shalt  }
0x50: {  	_ =	shalt  }
0x51: {  	_ =	shalt  }
0x52: {  	_ =	shalt  }
0x53: {  	_ =	shalt  }
0x54: {  	_ =	shalt  }
0x55: {  	_ =	shalt  }
0x56: {  	_ =	shalt  }
0x57: {  	_ =	shalt  }
0x58: {  	_ =	shalt  }
0x59: {  	_ =	shalt  }
0x5a: {  	_ =	shalt  }
0x5b: {  	_ =	shalt  }
0x5c: {  	_ =	shalt  }
0x5d: {  	_ =	shalt  }
0x5e: {  	_ =	shalt  }
0x5f: {  	_ =	shalt  }
0x60: {  	_ =	shalt  }
0x61: {  	_ =	shalt  }
0x62: {  	_ =	shalt  }
0x63: {  	_ =	shalt  }
0x64: {  	_ =	shalt  }
0x65: {  	_ =	shalt  }
0x66: {  	_ =	shalt  }
0x67: {  	_ =	shalt  }
0x68: {  	_ =	shalt  }
0x69: {  	_ =	shalt  }
0x6a: {  	_ =	shalt  }
0x6b: {  	_ =	shalt  }
0x6c: {  	_ =	shalt  }
0x6d: {  	_ =	shalt  }
0x6e: {  	_ =	shalt  }
0x6f: {  	_ =	shalt  }
0x70: {  	_ =	shalt  }
0x71: {  	_ =	shalt  }
0x72: {  	_ =	shalt  }
0x73: {  	_ =	shalt  }
0x74: {  	_ =	shalt  }
0x75: {  	_ =	shalt  }
0x76: {  	_ =	shalt  }
0x77: {  	_ =	shalt  }
0x78: {  	_ =	shalt  }
0x79: {  	_ =	shalt  }
0x7a: {  	_ =	shalt  }
0x7b: {  	_ =	shalt  }
0x7c: {  	_ =	shalt  }
0x7d: {  	_ =	shalt  }
0x7e: {  	_ =	shalt  }
0x7f: {  	_ =	shalt  }
0x80: {  	_ =	shalt  }
0x81: {  	_ =	shalt  }
0x82: {  	_ =	shalt  }
0x83: {  	_ =	shalt  }
0x84: {  	_ =	shalt  }
0x85: {  	_ =	shalt  }
0x86: {  	_ =	shalt  }
0x87: {  	_ =	shalt  }
.Lfunc_end0:
.L_simem_size_0:
called_computation.1_lowered:
.L_overlay_start_0:
0x88: {  	s2 =	sld [smem:$0x3FD9]  }
0x89: {  	s3 =	sld [smem:$0x3FFE];
	_ =	sdelay $0x1  }
0x8a: {  	s1 =	srdreg.scid  }
0x8b: {  	s0 =	sand.u32 $0x1, s1  }
0x8c: {  	s14 =	sshll.u32 s0, $0xA;
	s2 =	sadd.s32 s3, s2  }
0x8d: {  	s2 =	sadd.s32 s2, s14  }
0x8e: {  	[smem:$0x3FBB] =	sst s2  }
0x8f: {  	_ = 	snop  }
0x90: {  	s2 =	sld [smem:$0x3FD0];
	_ =	sdelay $0x2  }
0x91: {  	s15 =	simm.s32 $0xA;
	s4 =	simm.s32 $0x10  }
0x92: {  	[smem:s4], [sflag:s15] =	dma.local [hbm:s2], $0x1  }
0x93: {  	_ =	swait.eq [sflag:s15], $0x1  }
0x94: {  	[sflag:s15] =	ssyncset.done $0x0  }
0x95: {  	[sflag:s15] =	ssyncadd.s32 $0xFFFFFFFF  }
0x96: {  	s16 =	sld [smem:$0x11];
	(tm) =	ssettm $0x1  }
0x97: {  	s17 =	sld [smem:$0x3FFB];
	_ =	sdelay $0x3  }
0x98: {  	_ =	strace s17  }
0x99: {  	s3 =	sld [smem:$0x3FFC];
	_ =	sdelay $0x3  }
0x9a: {  	_ =	strace s3  }
0x9b: {  	s3 =	sld [smem:$0x3FFD];
	_ =	sdelay $0x3  }
0x9c: {  	_ =	strace s3  }
0x9d: {  	_ =	strace $0x8FFFFFFF  }
0x9e: {  	s18 =	sld [smem:$0x3FDB];
	_ =	sdelay $0x1  }
0x9f: {  	s19 =	simm.s32 $_scs_section_size  }
0xa0: {  	s5 =	simm.s32 $_size__tile_overlayer_lowered;
	s6 =	simm.s32 $_tile_overlayer_lowered  }
0xa1: {  	s22 =	simm.s32 $0x1BFF;
	s21 =	sshll.u32 s6, $0x1;
	s3 =	sadd.s32 s19, s18  }
0xa2: {  	s7 =	simm.s32 $0x0;
	s20 =	sshll.u32 s5, $0x1;
	s5 =	sadd.s32 s21, s3  }
0xa3: {  	[timem:s7], [sflag:s22] =	dma.local [hbm:s5], s20  }
0xa4: {  	_ =	swait.ge [sflag:s22], s20  }
0xa5: {  	s4 =	ssub.s32 $0x0, s20;
	[sflag:s22] =	ssyncset.done $0x0  }
0xa6: {  	[sflag:s22] =	ssyncadd.s32 s4;
	_ =	sdelay $0x1  }
0xa7: {  	s23 =	simm.s32 $0x1B8B  }
0xa8: {  	_ =	swait.ge [sflag:s23], $0x1  }
0xa9: {  	[sflag:s23] =	ssyncset.done $0x0  }
0xaa: {  	s25 =	simm.s32 $0x1B8E;
	s24 =	sld [smem:$0x3FFE];
	[sflag:s23] =	ssyncadd.s32 $0xFFFFFFFF  }
0xab: {  	s26 =	simm.s32 $execute0_lowered;
	[smem:$0x3FD2] =	sst s25  }
0xac: {  	s5 =	sshll.u32 s26, $0x1;
	_ =	strace $0x80000049;
	[dreg:$0x1] =	wrdreg $0xFFFFFFFF  }
0xad: {  	s28 =	simm.s32 $_size_execute0_lowered;
	s3 =	sadd.s32 s3, s5;
	[dreg:$0x0] =	wrdreg $0x0  }
0xae: {  	s5 =	sshll.u32 s28, $0x1;
	[dreg:$0x2] =	wrdreg s3  }
0xaf: {  	[dreg:$0x3] =	wrdreg s5  }
0xb0: {  	[dreg:$0x4] =	wrdreg $0xC0  }
0xb1: {  	_ =	task [dreg:s7], $0x5FFFF  }
0xb2: {  	[dreg:$0x1] =	wrdreg $0xFFFFFFFF  }
0xb3: {  	[dreg:$0x0] =	wrdreg $0x60  }
0xb4: {  	[dreg:$0x2] =	wrdreg s16  }
0xb5: {  	[dreg:$0x3] =	wrdreg s24  }
0xb6: {  	[dreg:$0x4] =	wrdreg $0x41000  }
0xb7: {  	[dreg:$0x5] =	wrdreg $0x9  }
0xb8: {  	_ =	task.clear_ibuf [dreg:s7], $0x6FFFF;
	_ =	strace $0x90000049  }
0xb9: {  	s29 =	simm.s32 $0x9;
	_ =	strace $0x8000004B  }
0xba: {  	_ =	swait.ge [sflag:s29], $0x1  }
0xbb: {  	[sflag:s29] =	ssyncadd.s32 $0xFFFFFFFF  }
0xbc: {  	_ =	strace $0x9000004B  }
0xbd: {  	_ =	sfence  }
0xbe: {  	s30 =	sld [smem:$0x0];
	_ =	sdelay $0x2  }
0xbf: {  	s31 =	sshll.u32 s1, $0xD;
	s1 =	sshrl.u32 s1, $0x2  }
0xc0: {  	s3 =	sand.u32 $0x4000, s31;
	s1 =	sadd.s32 s1, s30  }
0xc1: {  	s0 =	sor.u32 s3, s0;
	s1 =	sshll.u32 s1, $0x11  }
0xc2: {  	s0 =	sor.u32 s1, s0  }
0xc3: {  	s0 =	sadd.s32 $0x8F2B, s0  }
0xc4: {  	[sflag:s0] =	ssyncadd.remote.s32 $0x1  }
0xc5: {  	_ =	sfence.sel $0xFFFF  }
0xc6: {  	[dreg:$0x0] =	wrdreg $0xFFFFFFFF;
	(pc) =	sbr.abs _section_cstart, $3  }
0xc7: {  	[dreg:$0x1] =	wrdreg $0xFFFFFFFF  }
0xc8: {  	_ =	task.clear_ibuf [dreg:s7], $0x2FFFF;
	_ =	strace $0x9FFFFFFF  }
0xc9: {  	(tm) =	ssettm $0x7FFFFFFF  }
tec
execute0_lowered:
.L_overlay_start_1:
0x0: {  	(tag) =	ssettag $0x1  }
0x1: {  	s0 =	rddreg [dreg:$0x0]  }
0x2: {  	s6 =	rddreg [dreg:$0x1]  }
0x3: {  	s1 =	srdreg.scid;
	s2 =	stileid.u32  }
0x4: {  	s3 =	rddreg [dreg:$0x2];
	s4 =	simm.s32 $0x0;
	s8 =	smul.u32 $0x2800, s2  }
0x5: {  	s14 =	simm.s32 $0x100;
	s15 =	simm.s32 $0x1;
	s29 =	smul.u32 $0x50000, s2  }
0x6: {  	s7 =	sand.u32 $0x1, s1;
	s1 =	rddreg [dreg:$0x3];
	s11 =	smul.u32 $0x4F0, s2  }
0x7: {  	s16 =	simm.s32 $0x0;
	[smem:$0x7FF] =	sst s4;
	s5 =	smul.u32 $0x4F00, s7  }
0x8: {  	s31 =	sshll.u32 s2, $0x6;
	s9 =	smul.u32 $0x28000, s7;
	s30 =	ssub.s32 $0x2, s7  }
0x9: {  	_ =	strace $0x8000004A;
	s7 =	sshrl.u32 s30, $0x1;
	s10 =	sadd.s32 s5, s6  }
0xa: {  	s8 =	sadd.s32 s8, s9;
	s5 =	sadd.s32 $0x1F800, s6;
	s9 =	sshrl.u32 s29, $0x2  }
0xb: {  	s12 =	ssub.s32 s30, s7;
	s8 =	sadd.s32 s8, s6;
	s13 =	sadd.s32 s9, s3  }
0xc: {  	s6 =	sor.u32 $0x1C02, s31;
	s10 =	sadd.s32 s11, s10;
	s7 =	sadd.s32 $0x22000, s8  }
0xd: {  	s8 =	smax.u32 s12, $0x1;
	s9 =	sadd.s32 $0x15A00, s10;
	s10 =	sadd.s32 $0xBC00, s10  }
0xe: {  	s11 =	sshrl.u32 s13, $0x3;
	s12 =	simm.s32 $0x2;
	s13 =	simm.s32 $0x80  }
.LBB2_1:
0xf: {  	[spmem:s11], [sflag:s6] =	dma.local [hbm:s5], $0x2800  }
0x10: {  	_ =	swait.ge [sflag:s12], $0x2800  }
0x11: {  	[sflag:s12] =	ssyncset.done $0x0  }
0x12: {  	[sflag:s12] =	ssyncadd.s32 $0xFFFFD800  }
0x13: {  	s17 =	sadd.s32 $0x0, s10;
	[bflag:$0x0] =	sbarrier.arrive $0xFFFF  }
0x14: {  	[tilespmem:s4], [sflag:$0x2] =	stream.linear.gather [hbm4b:s17+s4], $0x80, $0x38;
	[tilespmem:$0x18100] =	vst v63  }
0x15: {  	_ =	swait.ge [sflag:s12], $0x80  }
0x16: {  	[sflag:s12] =	ssyncset.done $0x0  }
0x17: {  	s31 =	sadd.s32 $0x0, s9;
	[sflag:s12] =	ssyncadd.s32 $0xFFFFFF80  }
0x18: {  	[tilespmem:s13], [sflag:$0x2] =	stream.linear.gather [hbm4b:s31+s4], $0x80, $0x38;
	[tilespmem:$0x18100] =	vst v63  }
0x19: {  	_ =	swait.ge [sflag:s12], $0x80  }
0x1a: {  	[sflag:s12] =	ssyncset.done $0x0  }
0x1b: {  	[sflag:s12] =	ssyncadd.s32 $0xFFFFFF80  }
0x1c: {  	[tilespmem:s14], [sflag:$0x1] =	stream.indirect.gather [hbm4b:s0+s13], $0x80, s4, s13, $0xb8;
	[tilespmem:$0x18100] =	vst v63  }
0x1d: {  	_ =	swait.ge [sflag:s15], $0x4000  }
0x1e: {  	[sflag:s15] =	ssyncset.done $0x0  }
0x1f: {  	[sflag:s15] =	ssyncadd.s32 $0xFFFFC000  }
0x20: {  	[spmem:s3] =	stream.indirect.scatter.add.f32 [tilespmem:s14], [sflag:$0x2], $0x80, s13, s13, $0xb8;
	[tilespmem:$0x18100] =	vst v63  }
0x21: {  	_ =	swait.ge [sflag:s12], $0x4000  }
0x22: {  	s18 =	simm.s32 $0x20;
	s17 =	simm.s32 $0x10;
	[sflag:s12] =	ssyncset.done $0x0  }
.LBB2_2:
0x23: {  	s19 =	sadd.s32 s17, s10  }
0x24: {  	[sflag:s12] =	ssyncadd.s32 $0xFFFFC000;
	s20 =	smov.u32 s18;
	s21 =	sadd.s32 $0x10, s18  }
0x25: {  	[tilespmem:s4], [sflag:$0x2] =	stream.linear.gather [hbm4b:s19+s4], $0x80, $0x38;
	[tilespmem:$0x18100] =	vst v63  }
0x26: {  	p0 =	sne.s32 s18, $0x4E0;
	_ =	swait.ge [sflag:s12], $0x80  }
0x27: {  	[sflag:s12] =	ssyncset.done $0x0  }
0x28: {  	s18 =	sadd.s32 s17, s9;
	s17 =	smov.u32 s20;
	[sflag:s12] =	ssyncadd.s32 $0xFFFFFF80  }
0x29: {  	[tilespmem:s13], [sflag:$0x2] =	stream.linear.gather [hbm4b:s18+s4], $0x80, $0x38;
	[tilespmem:$0x18100] =	vst v63  }
0x2a: {  	_ =	swait.ge [sflag:s12], $0x80  }
0x2b: {  	[sflag:s12] =	ssyncset.done $0x0  }
0x2c: {  	[sflag:s12] =	ssyncadd.s32 $0xFFFFFF80  }
0x2d: {  	[tilespmem:s14], [sflag:$0x1] =	stream.indirect.gather [hbm4b:s0+s13], $0x80, s4, s13, $0xb8;
	[tilespmem:$0x18100] =	vst v63  }
0x2e: {  	_ =	swait.ge [sflag:s15], $0x4000  }
.Ltmp0:
0x2f: {  	[sflag:s15] =	ssyncset.done $0x0;
	(pc) =	sbr.rel @p0 .LBB2_2-.Ltmp0, $4  }
0x30: {  	[sflag:s15] =	ssyncadd.s32 $0xFFFFC000  }
0x31: {  	[spmem:s3] =	stream.indirect.scatter.add.f32 [tilespmem:s14], [sflag:$0x2], $0x80, s13, s13, $0xb8;
	[tilespmem:$0x18100] =	vst v63  }
0x32: {  	_ =	swait.ge [sflag:s12], $0x4000  }
0x33: {  	s18 =	smov.u32 s21;
	[sflag:s12] =	ssyncset.done $0x0  }
0x34: {  	s18 =	sadd.s32 s17, s10;
	[sflag:s12] =	ssyncadd.s32 $0xFFFFC000  }
0x35: {  	[tilespmem:s4], [sflag:$0x2] =	stream.linear.gather [hbm4b:s18+s4], $0x80, $0x38;
	[tilespmem:$0x18100] =	vst v63  }
0x36: {  	_ =	swait.ge [sflag:s12], $0x80  }
0x37: {  	[sflag:s12] =	ssyncset.done $0x0  }
0x38: {  	s31 =	sadd.s32 s17, s9;
	[sflag:s12] =	ssyncadd.s32 $0xFFFFFF80  }
0x39: {  	[tilespmem:s13], [sflag:$0x2] =	stream.linear.gather [hbm4b:s31+s4], $0x80, $0x38;
	[tilespmem:$0x18100] =	vst v63  }
0x3a: {  	_ =	swait.ge [sflag:s12], $0x80  }
0x3b: {  	[sflag:s12] =	ssyncset.done $0x0  }
0x3c: {  	[sflag:s12] =	ssyncadd.s32 $0xFFFFFF80  }
0x3d: {  	[tilespmem:s14], [sflag:$0x1] =	stream.indirect.gather [hbm4b:s0+s13], $0x80, s4, s13, $0xb8;
	[tilespmem:$0x18100] =	vst v63  }
0x3e: {  	_ =	swait.ge [sflag:s15], $0x4000  }
0x3f: {  	[sflag:s15] =	ssyncset.done $0x0  }
0x40: {  	[sflag:s15] =	ssyncadd.s32 $0xFFFFC000  }
0x41: {  	[spmem:s3] =	stream.indirect.scatter.add.f32 [tilespmem:s14], [sflag:$0x2], $0x80, s13, s13, $0xb8;
	[tilespmem:$0x18100] =	vst v63  }
0x42: {  	_ =	swait.ge [sflag:s12], $0x4000  }
0x43: {  	s16 =	sadd.s32 $0x1, s16;
	[sflag:s12] =	ssyncset.done $0x0  }
0x44: {  	p0 =	sne.s32 s16, s8;
	[sflag:s12] =	ssyncadd.s32 $0xFFFFC000  }
.Ltmp1:
0x45: {  	[bflag:$0x0] =	sbarrier.arrive $0xFFFF;
	(pc) =	sbr.rel @p0 .LBB2_1-.Ltmp1, $4  }
0x46: {  	[hbm:s7], [sflag:s6] =	dma.local [spmem:s11], $0x2800  }
0x47: {  	_ =	swait.ge [sflag:s12], $0x2800  }
0x48: {  	[sflag:s12] =	ssyncset.done $0x0  }
0x49: {  	[sflag:s12] =	ssyncadd.s32 $0xFFFFD800  }
0x4a: {  	_ =	sfence.sel $0x180000  }
0x4b: {  	[bflag:$0x0] =	sbarrier.arrive $0xFFFF  }
0x4c: {  	p0 =	sne.s32 s2, $0x0;
	_ =	strace $0x9000004A  }
0x4d: {  	s0 =	sadd.s32 @!p0 $0x100000, s1;
	[bflag:$0x2] =	sbarrier.arrive $0xFFFF  }
0x4e: {  	[sflag:s0] =	ssyncadd.tile.s32 @!p0 $0x1;
	_ =	shalt  }
.Lfunc_end2:
_tile_overlayer_lowered:
.L_overlay_start_2:
0x4f: {  	(tag) =	ssettag $0x2  }
0x50: {  	s0 =	rddreg [dreg:$0x0];
	s2 =	stileid.u32  }
0x51: {  	s1 =	rddreg [dreg:$0x1];
	p0 =	sne.s32 s2, $0x0  }
0x52: {  	s3 =	rddreg [dreg:$0x2];
	[bflag:$0x3] =	sbarrier.arrive $0xFFFF;
	s2 =	simm.s32 @!p0 $0x1C02  }
0x53: {  	[timem:s3], [sflag:s2] =	dma.local @!p0 [hbm:s0], s1  }
0x54: {  	s0 =	simm.s32 @!p0 $0x2  }
0x55: {  	_ =	swait.ge @!p0 [sflag:s0], s1  }
0x56: {  	s1 =	ssub.s32 @!p0 $0x0, s1;
	[sflag:s0] =	ssyncset.done @!p0 $0x0  }
0x57: {  	[sflag:s0] =	ssyncadd.s32 @!p0 s1  }
0x58: {  	[bflag:$0x3] =	sbarrier.arrive $0xFFFF  }
0x59: {  	_ =	shalt  }

// kernel: kernel.25.cloned.1.call-start
scs
__scs_entry_jumppad:
0x0: {  	(pc) =	sbr.rel $0x88, $3  }
0x1: {  	(tag) =	ssettag $0x0;
	lr =	simm.s32 $0x1  }
0x2: {  	[smem:$0x3F94] =	sst lr;
	_ =	strace $0xD0000000  }
0x3: {  	_ = 	snop  }
0x4: {  	_ = 	snop  }
0x5: {  	_ = 	snop  }
0x6: {  	_ = 	snop  }
0x7: {  	_ = 	snop  }
__scs_overlays_trampoline_lowered:
0x8: {  	[smem:$0x3FA3] =	sst s0  }
0x9: {  	[smem:$0x3FA4] =	sst s1  }
0xa: {  	[smem:$0x3FA5] =	sst s2  }
0xb: {  	[smem:$0x3FA6] =	sst s3  }
0xc: {  	[smem:$0x3FA7] =	sst s4  }
0xd: {  	[smem:$0x3FA8] =	sst s5  }
0xe: {  	[smem:$0x3FA9] =	sst s6  }
0xf: {  	[smem:$0x3FAA] =	sst s7  }
0x10: {  	[smem:$0x3FAB] =	sst s8  }
0x11: {  	[smem:$0x3FAC] =	sst s9;
	s0 =	simm.s32 @!p0 $0x0  }
0x12: {  	s1 =	sld [smem:$0x3F92];
	s0 =	simm.s32 @p0 $0x1  }
0x13: {  	[smem:$0x3FAD] =	sst s0;
	s0 =	simm.s32 @!p1 $0x0  }
0x14: {  	s2 =	sld [smem:$0x3F91];
	s0 =	simm.s32 @p1 $0x1  }
0x15: {  	[smem:$0x3FAE] =	sst s0;
	s0 =	simm.s32 @!p2 $0x0  }
0x16: {  	s3 =	sld [smem:$0x3FDB];
	s0 =	simm.s32 @p2 $0x1  }
0x17: {  	s4 =	simm.s32 $0x1BF5;
	[smem:$0x3FB0] =	sst s0  }
0x18: {  	s0 =	sld [smem:$0x3F93];
	_ =	swait.ge [sflag:s4], $0x0  }
0x19: {  	s7 =	sld [smem:$0x3F94]  }
0x1a: {  	s8 =	sadd.s32 $0xFFFFE003, lr  }
0x1b: {  	s9 =	sadd.s32 $0xFFFFFEF7, lr;
	s5 =	simm.s32 $0xFFFFFFFF;
	p2 =	slt.u32 s8, $0xFFFFF086  }
0x1c: {  	p1 =	slt.u32 s9, $0xF7A;
	s5 =	simm.s32 @!p2 $0x0  }
0x1d: {  	s5 =	simm.s32 @p1 $0x1;
	p0 =	seq.s32 s7, s2  }
0x1e: {  	s7 =	smul.u32 @!p0 $0xF7A, s2;
	p2 =	seq.s32 @!p0 s5, $0x0  }
0x1f: {  	s9 =	smul.u32 $0xF7A, s1;
	s8 =	simm.s32 @!p0 $0x1BF5;
	p2 =	por !p2, p0  }
0x20: {  	[sflag:s8] =	ssyncset.s32 @!p0 $0xFFFFF086;
	s6 =	sadd.s32 @!p0 s3, s7;
	s7 =	simm.s32 @!p0 $0x108  }
0x21: {  	s3 =	sadd.s32 s3, s9;
	s6 =	sadd.s32 @!p0 $0x88, s6;
	s7 =	simm.s32 @p2 $0x1082  }
0x22: {  	[simem:s7], [sflag:s8] =	dma.local @!p0 [hbm:s6], $0xF7A  }
0x23: {  	s9 =	sor.u32 $0xD0000000, s2;
	s6 =	simm.s32 $0x108;
	_ =	swait.ge @!p0 [sflag:s8], $0x0  }
0x24: {  	s3 =	sadd.s32 $0x88, s3;
	s6 =	simm.s32 @!p1 $0x1082;
	[sflag:s4] =	ssyncset.s32 $0xFFFFF086  }
0x25: {  	[simem:s6], [sflag:s4] =	dma.local [hbm:s3], $0xF7A  }
0x26: {  	[smem:$0x3F94] =	sst s1;
	(tag) =	ssettag s2;
	_ =	strace s9  }
0x27: {  	s1 =	sld [smem:$0x3FA4]  }
0x28: {  	s2 =	sld [smem:$0x3FA5]  }
0x29: {  	s4 =	sld [smem:$0x3FA7]  }
0x2a: {  	p0 =	seq.s32 s5, $0x0;
	s5 =	sld [smem:$0x3FA8]  }
0x2b: {  	s6 =	sld [smem:$0x3FA9]  }
0x2c: {  	s7 =	sld [smem:$0x3FAA]  }
0x2d: {  	s3 =	simm.s32 $0x108;
	s8 =	sld [smem:$0x3FAB]  }
0x2e: {  	s3 =	simm.s32 @!p0 $0x1082;
	s9 =	sld [smem:$0x3FAC]  }
0x2f: {  	lr =	sadd.s32 s0, s3;
	s0 =	sld [smem:$0x3FA3]  }
0x30: {  	s3 =	sld [smem:$0x3FA6]  }
0x31: {  	[smem:$0x3FAF] =	sst s10  }
0x32: {  	s10 =	sld [smem:$0x3FAD];
	_ =	sdelay $0x3  }
0x33: {  	p0 =	seq.s32 s10, $0x1;
	s10 =	sld [smem:$0x3FAF];
	_ =	sdelay $0x3  }
0x34: {  	[smem:$0x3FAF] =	sst s10  }
0x35: {  	s10 =	sld [smem:$0x3FAE];
	_ =	sdelay $0x3  }
0x36: {  	p1 =	seq.s32 s10, $0x1;
	s10 =	sld [smem:$0x3FAF];
	_ =	sdelay $0x3  }
0x37: {  	[smem:$0x3FAF] =	sst s10  }
0x38: {  	s10 =	sld [smem:$0x3FB0]  }
0x39: {  	_ = 	snop;
	(pc) =	sbr.ind lr, $3  }
0x3a: {  	_ = 	snop  }
0x3b: {  	_ = 	snop  }
0x3c: {  	p2 =	seq.s32 s10, $0x1;
	s10 =	sld [smem:$0x3FAF]  }
0x3d: {  	_ =	shalt  }
0x3e: {  	_ =	shalt  }
0x3f: {  	_ =	shalt  }
0x40: {  	_ =	shalt  }
0x41: {  	_ =	shalt  }
0x42: {  	_ =	shalt  }
0x43: {  	_ =	shalt  }
0x44: {  	_ =	shalt  }
0x45: {  	_ =	shalt  }
0x46: {  	_ =	shalt  }
0x47: {  	_ =	shalt  }
0x48: {  	_ =	shalt  }
0x49: {  	_ =	shalt  }
0x4a: {  	_ =	shalt  }
0x4b: {  	_ =	shalt  }
0x4c: {  	_ =	shalt  }
0x4d: {  	_ =	shalt  }
0x4e: {  	_ =	shalt  }
0x4f: {  	_ =	shalt  }
0x50: {  	_ =	shalt  }
0x51: {  	_ =	shalt  }
0x52: {  	_ =	shalt  }
0x53: {  	_ =	shalt  }
0x54: {  	_ =	shalt  }
0x55: {  	_ =	shalt  }
0x56: {  	_ =	shalt  }
0x57: {  	_ =	shalt  }
0x58: {  	_ =	shalt  }
0x59: {  	_ =	shalt  }
0x5a: {  	_ =	shalt  }
0x5b: {  	_ =	shalt  }
0x5c: {  	_ =	shalt  }
0x5d: {  	_ =	shalt  }
0x5e: {  	_ =	shalt  }
0x5f: {  	_ =	shalt  }
0x60: {  	_ =	shalt  }
0x61: {  	_ =	shalt  }
0x62: {  	_ =	shalt  }
0x63: {  	_ =	shalt  }
0x64: {  	_ =	shalt  }
0x65: {  	_ =	shalt  }
0x66: {  	_ =	shalt  }
0x67: {  	_ =	shalt  }
0x68: {  	_ =	shalt  }
0x69: {  	_ =	shalt  }
0x6a: {  	_ =	shalt  }
0x6b: {  	_ =	shalt  }
0x6c: {  	_ =	shalt  }
0x6d: {  	_ =	shalt  }
0x6e: {  	_ =	shalt  }
0x6f: {  	_ =	shalt  }
0x70: {  	_ =	shalt  }
0x71: {  	_ =	shalt  }
0x72: {  	_ =	shalt  }
0x73: {  	_ =	shalt  }
0x74: {  	_ =	shalt  }
0x75: {  	_ =	shalt  }
0x76: {  	_ =	shalt  }
0x77: {  	_ =	shalt  }
0x78: {  	_ =	shalt  }
0x79: {  	_ =	shalt  }
0x7a: {  	_ =	shalt  }
0x7b: {  	_ =	shalt  }
0x7c: {  	_ =	shalt  }
0x7d: {  	_ =	shalt  }
0x7e: {  	_ =	shalt  }
0x7f: {  	_ =	shalt  }
0x80: {  	_ =	shalt  }
0x81: {  	_ =	shalt  }
0x82: {  	_ =	shalt  }
0x83: {  	_ =	shalt  }
0x84: {  	_ =	shalt  }
0x85: {  	_ =	shalt  }
0x86: {  	_ =	shalt  }
0x87: {  	_ =	shalt  }
.Lfunc_end0:
.L_simem_size_0:
called_computation.2_lowered:
.L_overlay_start_0:
0x88: {  	s2 =	sld [smem:$0x3FD9]  }
0x89: {  	s3 =	sld [smem:$0x3FFE];
	_ =	sdelay $0x1  }
0x8a: {  	s1 =	srdreg.scid  }
0x8b: {  	s0 =	sand.u32 $0x1, s1  }
0x8c: {  	s14 =	sshll.u32 s0, $0xA;
	s2 =	sadd.s32 s3, s2  }
0x8d: {  	s2 =	sadd.s32 s2, s14  }
0x8e: {  	[smem:$0x3FBB] =	sst s2  }
0x8f: {  	_ = 	snop  }
0x90: {  	s2 =	sld [smem:$0x3FD0];
	_ =	sdelay $0x2  }
0x91: {  	s15 =	simm.s32 $0xA;
	s4 =	simm.s32 $0x10  }
0x92: {  	[smem:s4], [sflag:s15] =	dma.local [hbm:s2], $0x1  }
0x93: {  	_ =	swait.eq [sflag:s15], $0x1  }
0x94: {  	[sflag:s15] =	ssyncset.done $0x0  }
0x95: {  	[sflag:s15] =	ssyncadd.s32 $0xFFFFFFFF  }
0x96: {  	s16 =	sld [smem:$0x11];
	(tm) =	ssettm $0x1  }
0x97: {  	s17 =	sld [smem:$0x3FFB];
	_ =	sdelay $0x3  }
0x98: {  	_ =	strace s17  }
0x99: {  	s3 =	sld [smem:$0x3FFC];
	_ =	sdelay $0x3  }
0x9a: {  	_ =	strace s3  }
0x9b: {  	s3 =	sld [smem:$0x3FFD];
	_ =	sdelay $0x3  }
0x9c: {  	_ =	strace s3  }
0x9d: {  	_ =	strace $0x8FFFFFFF  }
0x9e: {  	s18 =	sld [smem:$0x3FDB];
	_ =	sdelay $0x1  }
0x9f: {  	s19 =	simm.s32 $_scs_section_size  }
0xa0: {  	s5 =	simm.s32 $_size__tile_overlayer_lowered;
	s6 =	simm.s32 $_tile_overlayer_lowered  }
0xa1: {  	s22 =	simm.s32 $0x1BFF;
	s21 =	sshll.u32 s6, $0x1;
	s3 =	sadd.s32 s19, s18  }
0xa2: {  	s7 =	simm.s32 $0x0;
	s20 =	sshll.u32 s5, $0x1;
	s5 =	sadd.s32 s21, s3  }
0xa3: {  	[timem:s7], [sflag:s22] =	dma.local [hbm:s5], s20  }
0xa4: {  	_ =	swait.ge [sflag:s22], s20  }
0xa5: {  	s4 =	ssub.s32 $0x0, s20;
	[sflag:s22] =	ssyncset.done $0x0  }
0xa6: {  	[sflag:s22] =	ssyncadd.s32 s4;
	_ =	sdelay $0x1  }
0xa7: {  	s23 =	simm.s32 $0x1B8B  }
0xa8: {  	_ =	swait.ge [sflag:s23], $0x1  }
0xa9: {  	[sflag:s23] =	ssyncset.done $0x0  }
0xaa: {  	s25 =	simm.s32 $0x1B8E;
	s24 =	sld [smem:$0x3FFE];
	[sflag:s23] =	ssyncadd.s32 $0xFFFFFFFF  }
0xab: {  	s26 =	simm.s32 $execute0_lowered;
	[smem:$0x3FD2] =	sst s25  }
0xac: {  	s5 =	sshll.u32 s26, $0x1;
	_ =	strace $0x8000004C;
	[dreg:$0x1] =	wrdreg $0xFFFFFFFF  }
0xad: {  	s28 =	simm.s32 $_size_execute0_lowered;
	s3 =	sadd.s32 s3, s5;
	[dreg:$0x0] =	wrdreg $0x0  }
0xae: {  	s5 =	sshll.u32 s28, $0x1;
	[dreg:$0x2] =	wrdreg s3  }
0xaf: {  	[dreg:$0x3] =	wrdreg s5  }
0xb0: {  	[dreg:$0x4] =	wrdreg $0xC0  }
0xb1: {  	_ =	task [dreg:s7], $0x5FFFF  }
0xb2: {  	[dreg:$0x1] =	wrdreg $0xFFFFFFFF  }
0xb3: {  	[dreg:$0x0] =	wrdreg $0x60  }
0xb4: {  	[dreg:$0x2] =	wrdreg s16  }
0xb5: {  	[dreg:$0x3] =	wrdreg s24  }
0xb6: {  	[dreg:$0x4] =	wrdreg $0x41000  }
0xb7: {  	[dreg:$0x5] =	wrdreg $0x9  }
0xb8: {  	_ =	task.clear_ibuf [dreg:s7], $0x6FFFF;
	_ =	strace $0x9000004C  }
0xb9: {  	s29 =	simm.s32 $0x9;
	_ =	strace $0x8000004E  }
0xba: {  	_ =	swait.ge [sflag:s29], $0x1  }
0xbb: {  	[sflag:s29] =	ssyncadd.s32 $0xFFFFFFFF  }
0xbc: {  	_ =	strace $0x9000004E  }
0xbd: {  	_ =	sfence  }
0xbe: {  	s30 =	sld [smem:$0x0];
	_ =	sdelay $0x2  }
0xbf: {  	s31 =	sshll.u32 s1, $0xD;
	s1 =	sshrl.u32 s1, $0x2  }
0xc0: {  	s3 =	sand.u32 $0x4000, s31;
	s1 =	sadd.s32 s1, s30  }
0xc1: {  	s0 =	sor.u32 s3, s0;
	s1 =	sshll.u32 s1, $0x11  }
0xc2: {  	s0 =	sor.u32 s1, s0  }
0xc3: {  	s0 =	sadd.s32 $0x8F2B, s0  }
0xc4: {  	[sflag:s0] =	ssyncadd.remote.s32 $0x1  }
0xc5: {  	_ =	sfence.sel $0xFFFF  }
0xc6: {  	[dreg:$0x0] =	wrdreg $0xFFFFFFFF;
	(pc) =	sbr.abs _section_cstart, $3  }
0xc7: {  	[dreg:$0x1] =	wrdreg $0xFFFFFFFF  }
0xc8: {  	_ =	task.clear_ibuf [dreg:s7], $0x2FFFF;
	_ =	strace $0x9FFFFFFF  }
0xc9: {  	(tm) =	ssettm $0x7FFFFFFF  }
tec
execute0_lowered:
.L_overlay_start_1:
0x0: {  	(tag) =	ssettag $0x1  }
0x1: {  	s0 =	rddreg [dreg:$0x0]  }
0x2: {  	s6 =	rddreg [dreg:$0x1]  }
0x3: {  	s1 =	srdreg.scid;
	s2 =	stileid.u32  }
0x4: {  	s3 =	rddreg [dreg:$0x2];
	s4 =	simm.s32 $0x0;
	s8 =	smul.u32 $0x2800, s2  }
0x5: {  	s14 =	simm.s32 $0x100;
	s15 =	simm.s32 $0x1;
	s29 =	smul.u32 $0x50000, s2  }
0x6: {  	s7 =	sand.u32 $0x1, s1;
	s1 =	rddreg [dreg:$0x3];
	s11 =	smul.u32 $0x4F0, s2  }
0x7: {  	s16 =	simm.s32 $0x0;
	[smem:$0x7FF] =	sst s4;
	s5 =	smul.u32 $0x4F00, s7  }
0x8: {  	s31 =	sshll.u32 s2, $0x6;
	s9 =	smul.u32 $0x28000, s7;
	s30 =	ssub.s32 $0x2, s7  }
0x9: {  	_ =	strace $0x8000004D;
	s7 =	sshrl.u32 s30, $0x1;
	s10 =	sadd.s32 s5, s6  }
0xa: {  	s8 =	sadd.s32 s8, s9;
	s5 =	sadd.s32 $0x1F800, s6;
	s9 =	sshrl.u32 s29, $0x2  }
0xb: {  	s12 =	ssub.s32 s30, s7;
	s8 =	sadd.s32 s8, s6;
	s13 =	sadd.s32 s9, s3  }
0xc: {  	s6 =	sor.u32 $0x1C02, s31;
	s10 =	sadd.s32 s11, s10;
	s7 =	sadd.s32 $0x22000, s8  }
0xd: {  	s8 =	smax.u32 s12, $0x1;
	s9 =	sadd.s32 $0x15A00, s10;
	s10 =	sadd.s32 $0xBC00, s10  }
0xe: {  	s11 =	sshrl.u32 s13, $0x3;
	s12 =	simm.s32 $0x2;
	s13 =	simm.s32 $0x80  }
.LBB2_1:
0xf: {  	[spmem:s11], [sflag:s6] =	dma.local [hbm:s5], $0x2800  }
0x10: {  	_ =	swait.ge [sflag:s12], $0x2800  }
0x11: {  	[sflag:s12] =	ssyncset.done $0x0  }
0x12: {  	[sflag:s12] =	ssyncadd.s32 $0xFFFFD800  }
0x13: {  	s17 =	sadd.s32 $0x0, s10;
	[bflag:$0x0] =	sbarrier.arrive $0xFFFF  }
0x14: {  	[tilespmem:s4], [sflag:$0x2] =	stream.linear.gather [hbm4b:s17+s4], $0x80, $0x38;
	[tilespmem:$0x18100] =	vst v63  }
0x15: {  	_ =	swait.ge [sflag:s12], $0x80  }
0x16: {  	[sflag:s12] =	ssyncset.done $0x0  }
0x17: {  	s31 =	sadd.s32 $0x0, s9;
	[sflag:s12] =	ssyncadd.s32 $0xFFFFFF80  }
0x18: {  	[tilespmem:s13], [sflag:$0x2] =	stream.linear.gather [hbm4b:s31+s4], $0x80, $0x38;
	[tilespmem:$0x18100] =	vst v63  }
0x19: {  	_ =	swait.ge [sflag:s12], $0x80  }
0x1a: {  	[sflag:s12] =	ssyncset.done $0x0  }
0x1b: {  	[sflag:s12] =	ssyncadd.s32 $0xFFFFFF80  }
0x1c: {  	[tilespmem:s14], [sflag:$0x1] =	stream.indirect.gather [hbm4b:s0+s13], $0x80, s4, s13, $0xb8;
	[tilespmem:$0x18100] =	vst v63  }
0x1d: {  	_ =	swait.ge [sflag:s15], $0x4000  }
0x1e: {  	[sflag:s15] =	ssyncset.done $0x0  }
0x1f: {  	[sflag:s15] =	ssyncadd.s32 $0xFFFFC000  }
0x20: {  	[spmem:s3] =	stream.indirect.scatter.add.f32 [tilespmem:s14], [sflag:$0x2], $0x80, s13, s13, $0xb8;
	[tilespmem:$0x18100] =	vst v63  }
0x21: {  	_ =	swait.ge [sflag:s12], $0x4000  }
0x22: {  	s18 =	simm.s32 $0x20;
	s17 =	simm.s32 $0x10;
	[sflag:s12] =	ssyncset.done $0x0  }
.LBB2_2:
0x23: {  	s19 =	sadd.s32 s17, s10  }
0x24: {  	[sflag:s12] =	ssyncadd.s32 $0xFFFFC000;
	s20 =	smov.u32 s18;
	s21 =	sadd.s32 $0x10, s18  }
0x25: {  	[tilespmem:s4], [sflag:$0x2] =	stream.linear.gather [hbm4b:s19+s4], $0x80, $0x38;
	[tilespmem:$0x18100] =	vst v63  }
0x26: {  	p0 =	sne.s32 s18, $0x4E0;
	_ =	swait.ge [sflag:s12], $0x80  }
0x27: {  	[sflag:s12] =	ssyncset.done $0x0  }
0x28: {  	s18 =	sadd.s32 s17, s9;
	s17 =	smov.u32 s20;
	[sflag:s12] =	ssyncadd.s32 $0xFFFFFF80  }
0x29: {  	[tilespmem:s13], [sflag:$0x2] =	stream.linear.gather [hbm4b:s18+s4], $0x80, $0x38;
	[tilespmem:$0x18100] =	vst v63  }
0x2a: {  	_ =	swait.ge [sflag:s12], $0x80  }
0x2b: {  	[sflag:s12] =	ssyncset.done $0x0  }
0x2c: {  	[sflag:s12] =	ssyncadd.s32 $0xFFFFFF80  }
0x2d: {  	[tilespmem:s14], [sflag:$0x1] =	stream.indirect.gather [hbm4b:s0+s13], $0x80, s4, s13, $0xb8;
	[tilespmem:$0x18100] =	vst v63  }
0x2e: {  	_ =	swait.ge [sflag:s15], $0x4000  }
.Ltmp0:
0x2f: {  	[sflag:s15] =	ssyncset.done $0x0;
	(pc) =	sbr.rel @p0 .LBB2_2-.Ltmp0, $4  }
0x30: {  	[sflag:s15] =	ssyncadd.s32 $0xFFFFC000  }
0x31: {  	[spmem:s3] =	stream.indirect.scatter.add.f32 [tilespmem:s14], [sflag:$0x2], $0x80, s13, s13, $0xb8;
	[tilespmem:$0x18100] =	vst v63  }
0x32: {  	_ =	swait.ge [sflag:s12], $0x4000  }
0x33: {  	s18 =	smov.u32 s21;
	[sflag:s12] =	ssyncset.done $0x0  }
0x34: {  	s18 =	sadd.s32 s17, s10;
	[sflag:s12] =	ssyncadd.s32 $0xFFFFC000  }
0x35: {  	[tilespmem:s4], [sflag:$0x2] =	stream.linear.gather [hbm4b:s18+s4], $0x80, $0x38;
	[tilespmem:$0x18100] =	vst v63  }
0x36: {  	_ =	swait.ge [sflag:s12], $0x80  }
0x37: {  	[sflag:s12] =	ssyncset.done $0x0  }
0x38: {  	s31 =	sadd.s32 s17, s9;
	[sflag:s12] =	ssyncadd.s32 $0xFFFFFF80  }
0x39: {  	[tilespmem:s13], [sflag:$0x2] =	stream.linear.gather [hbm4b:s31+s4], $0x80, $0x38;
	[tilespmem:$0x18100] =	vst v63  }
0x3a: {  	_ =	swait.ge [sflag:s12], $0x80  }
0x3b: {  	[sflag:s12] =	ssyncset.done $0x0  }
0x3c: {  	[sflag:s12] =	ssyncadd.s32 $0xFFFFFF80  }
0x3d: {  	[tilespmem:s14], [sflag:$0x1] =	stream.indirect.gather [hbm4b:s0+s13], $0x80, s4, s13, $0xb8;
	[tilespmem:$0x18100] =	vst v63  }
0x3e: {  	_ =	swait.ge [sflag:s15], $0x4000  }
0x3f: {  	[sflag:s15] =	ssyncset.done $0x0  }
0x40: {  	[sflag:s15] =	ssyncadd.s32 $0xFFFFC000  }
0x41: {  	[spmem:s3] =	stream.indirect.scatter.add.f32 [tilespmem:s14], [sflag:$0x2], $0x80, s13, s13, $0xb8;
	[tilespmem:$0x18100] =	vst v63  }
0x42: {  	_ =	swait.ge [sflag:s12], $0x4000  }
0x43: {  	s16 =	sadd.s32 $0x1, s16;
	[sflag:s12] =	ssyncset.done $0x0  }
0x44: {  	p0 =	sne.s32 s16, s8;
	[sflag:s12] =	ssyncadd.s32 $0xFFFFC000  }
.Ltmp1:
0x45: {  	[bflag:$0x0] =	sbarrier.arrive $0xFFFF;
	(pc) =	sbr.rel @p0 .LBB2_1-.Ltmp1, $4  }
0x46: {  	[hbm:s7], [sflag:s6] =	dma.local [spmem:s11], $0x2800  }
0x47: {  	_ =	swait.ge [sflag:s12], $0x2800  }
0x48: {  	[sflag:s12] =	ssyncset.done $0x0  }
0x49: {  	[sflag:s12] =	ssyncadd.s32 $0xFFFFD800  }
0x4a: {  	_ =	sfence.sel $0x180000  }
0x4b: {  	[bflag:$0x0] =	sbarrier.arrive $0xFFFF  }
0x4c: {  	p0 =	sne.s32 s2, $0x0;
	_ =	strace $0x9000004D  }
0x4d: {  	s0 =	sadd.s32 @!p0 $0x100000, s1;
	[bflag:$0x2] =	sbarrier.arrive $0xFFFF  }
0x4e: {  	[sflag:s0] =	ssyncadd.tile.s32 @!p0 $0x1;
	_ =	shalt  }
.Lfunc_end2:
_tile_overlayer_lowered:
.L_overlay_start_2:
0x4f: {  	(tag) =	ssettag $0x2  }
0x50: {  	s0 =	rddreg [dreg:$0x0];
	s2 =	stileid.u32  }
0x51: {  	s1 =	rddreg [dreg:$0x1];
	p0 =	sne.s32 s2, $0x0  }
0x52: {  	s3 =	rddreg [dreg:$0x2];
	[bflag:$0x3] =	sbarrier.arrive $0xFFFF;
	s2 =	simm.s32 @!p0 $0x1C02  }
0x53: {  	[timem:s3], [sflag:s2] =	dma.local @!p0 [hbm:s0], s1  }
0x54: {  	s0 =	simm.s32 @!p0 $0x2  }
0x55: {  	_ =	swait.ge @!p0 [sflag:s0], s1  }
0x56: {  	s1 =	ssub.s32 @!p0 $0x0, s1;
	[sflag:s0] =	ssyncset.done @!p0 $0x0  }
0x57: {  	[sflag:s0] =	ssyncadd.s32 @!p0 s1  }
0x58: {  	[bflag:$0x3] =	sbarrier.arrive $0xFFFF  }
0x59: {  	_ =	shalt  }

// kernel: kernel.28.cloned.1.call-start
scs
__scs_entry_jumppad:
0x0: {  	(pc) =	sbr.rel $0x88, $3  }
0x1: {  	(tag) =	ssettag $0x0;
	lr =	simm.s32 $0x1  }
0x2: {  	[smem:$0x3F94] =	sst lr;
	_ =	strace $0xD0000000  }
0x3: {  	_ = 	snop  }
0x4: {  	_ = 	snop  }
0x5: {  	_ = 	snop  }
0x6: {  	_ = 	snop  }
0x7: {  	_ = 	snop  }
__scs_overlays_trampoline_lowered:
0x8: {  	[smem:$0x3FA3] =	sst s0  }
0x9: {  	[smem:$0x3FA4] =	sst s1  }
0xa: {  	[smem:$0x3FA5] =	sst s2  }
0xb: {  	[smem:$0x3FA6] =	sst s3  }
0xc: {  	[smem:$0x3FA7] =	sst s4  }
0xd: {  	[smem:$0x3FA8] =	sst s5  }
0xe: {  	[smem:$0x3FA9] =	sst s6  }
0xf: {  	[smem:$0x3FAA] =	sst s7  }
0x10: {  	[smem:$0x3FAB] =	sst s8  }
0x11: {  	[smem:$0x3FAC] =	sst s9;
	s0 =	simm.s32 @!p0 $0x0  }
0x12: {  	s1 =	sld [smem:$0x3F92];
	s0 =	simm.s32 @p0 $0x1  }
0x13: {  	[smem:$0x3FAD] =	sst s0;
	s0 =	simm.s32 @!p1 $0x0  }
0x14: {  	s2 =	sld [smem:$0x3F91];
	s0 =	simm.s32 @p1 $0x1  }
0x15: {  	[smem:$0x3FAE] =	sst s0;
	s0 =	simm.s32 @!p2 $0x0  }
0x16: {  	s3 =	sld [smem:$0x3FDB];
	s0 =	simm.s32 @p2 $0x1  }
0x17: {  	s4 =	simm.s32 $0x1BF5;
	[smem:$0x3FB0] =	sst s0  }
0x18: {  	s0 =	sld [smem:$0x3F93];
	_ =	swait.ge [sflag:s4], $0x0  }
0x19: {  	s7 =	sld [smem:$0x3F94]  }
0x1a: {  	s8 =	sadd.s32 $0xFFFFE003, lr  }
0x1b: {  	s9 =	sadd.s32 $0xFFFFFEF7, lr;
	s5 =	simm.s32 $0xFFFFFFFF;
	p2 =	slt.u32 s8, $0xFFFFF086  }
0x1c: {  	p1 =	slt.u32 s9, $0xF7A;
	s5 =	simm.s32 @!p2 $0x0  }
0x1d: {  	s5 =	simm.s32 @p1 $0x1;
	p0 =	seq.s32 s7, s2  }
0x1e: {  	s7 =	smul.u32 @!p0 $0xF7A, s2;
	p2 =	seq.s32 @!p0 s5, $0x0  }
0x1f: {  	s9 =	smul.u32 $0xF7A, s1;
	s8 =	simm.s32 @!p0 $0x1BF5;
	p2 =	por !p2, p0  }
0x20: {  	[sflag:s8] =	ssyncset.s32 @!p0 $0xFFFFF086;
	s6 =	sadd.s32 @!p0 s3, s7;
	s7 =	simm.s32 @!p0 $0x108  }
0x21: {  	s3 =	sadd.s32 s3, s9;
	s6 =	sadd.s32 @!p0 $0x88, s6;
	s7 =	simm.s32 @p2 $0x1082  }
0x22: {  	[simem:s7], [sflag:s8] =	dma.local @!p0 [hbm:s6], $0xF7A  }
0x23: {  	s9 =	sor.u32 $0xD0000000, s2;
	s6 =	simm.s32 $0x108;
	_ =	swait.ge @!p0 [sflag:s8], $0x0  }
0x24: {  	s3 =	sadd.s32 $0x88, s3;
	s6 =	simm.s32 @!p1 $0x1082;
	[sflag:s4] =	ssyncset.s32 $0xFFFFF086  }
0x25: {  	[simem:s6], [sflag:s4] =	dma.local [hbm:s3], $0xF7A  }
0x26: {  	[smem:$0x3F94] =	sst s1;
	(tag) =	ssettag s2;
	_ =	strace s9  }
0x27: {  	s1 =	sld [smem:$0x3FA4]  }
0x28: {  	s2 =	sld [smem:$0x3FA5]  }
0x29: {  	s4 =	sld [smem:$0x3FA7]  }
0x2a: {  	p0 =	seq.s32 s5, $0x0;
	s5 =	sld [smem:$0x3FA8]  }
0x2b: {  	s6 =	sld [smem:$0x3FA9]  }
0x2c: {  	s7 =	sld [smem:$0x3FAA]  }
0x2d: {  	s3 =	simm.s32 $0x108;
	s8 =	sld [smem:$0x3FAB]  }
0x2e: {  	s3 =	simm.s32 @!p0 $0x1082;
	s9 =	sld [smem:$0x3FAC]  }
0x2f: {  	lr =	sadd.s32 s0, s3;
	s0 =	sld [smem:$0x3FA3]  }
0x30: {  	s3 =	sld [smem:$0x3FA6]  }
0x31: {  	[smem:$0x3FAF] =	sst s10  }
0x32: {  	s10 =	sld [smem:$0x3FAD];
	_ =	sdelay $0x3  }
0x33: {  	p0 =	seq.s32 s10, $0x1;
	s10 =	sld [smem:$0x3FAF];
	_ =	sdelay $0x3  }
0x34: {  	[smem:$0x3FAF] =	sst s10  }
0x35: {  	s10 =	sld [smem:$0x3FAE];
	_ =	sdelay $0x3  }
0x36: {  	p1 =	seq.s32 s10, $0x1;
	s10 =	sld [smem:$0x3FAF];
	_ =	sdelay $0x3  }
0x37: {  	[smem:$0x3FAF] =	sst s10  }
0x38: {  	s10 =	sld [smem:$0x3FB0]  }
0x39: {  	_ = 	snop;
	(pc) =	sbr.ind lr, $3  }
0x3a: {  	_ = 	snop  }
0x3b: {  	_ = 	snop  }
0x3c: {  	p2 =	seq.s32 s10, $0x1;
	s10 =	sld [smem:$0x3FAF]  }
0x3d: {  	_ =	shalt  }
0x3e: {  	_ =	shalt  }
0x3f: {  	_ =	shalt  }
0x40: {  	_ =	shalt  }
0x41: {  	_ =	shalt  }
0x42: {  	_ =	shalt  }
0x43: {  	_ =	shalt  }
0x44: {  	_ =	shalt  }
0x45: {  	_ =	shalt  }
0x46: {  	_ =	shalt  }
0x47: {  	_ =	shalt  }
0x48: {  	_ =	shalt  }
0x49: {  	_ =	shalt  }
0x4a: {  	_ =	shalt  }
0x4b: {  	_ =	shalt  }
0x4c: {  	_ =	shalt  }
0x4d: {  	_ =	shalt  }
0x4e: {  	_ =	shalt  }
0x4f: {  	_ =	shalt  }
0x50: {  	_ =	shalt  }
0x51: {  	_ =	shalt  }
0x52: {  	_ =	shalt  }
0x53: {  	_ =	shalt  }
0x54: {  	_ =	shalt  }
0x55: {  	_ =	shalt  }
0x56: {  	_ =	shalt  }
0x57: {  	_ =	shalt  }
0x58: {  	_ =	shalt  }
0x59: {  	_ =	shalt  }
0x5a: {  	_ =	shalt  }
0x5b: {  	_ =	shalt  }
0x5c: {  	_ =	shalt  }
0x5d: {  	_ =	shalt  }
0x5e: {  	_ =	shalt  }
0x5f: {  	_ =	shalt  }
0x60: {  	_ =	shalt  }
0x61: {  	_ =	shalt  }
0x62: {  	_ =	shalt  }
0x63: {  	_ =	shalt  }
0x64: {  	_ =	shalt  }
0x65: {  	_ =	shalt  }
0x66: {  	_ =	shalt  }
0x67: {  	_ =	shalt  }
0x68: {  	_ =	shalt  }
0x69: {  	_ =	shalt  }
0x6a: {  	_ =	shalt  }
0x6b: {  	_ =	shalt  }
0x6c: {  	_ =	shalt  }
0x6d: {  	_ =	shalt  }
0x6e: {  	_ =	shalt  }
0x6f: {  	_ =	shalt  }
0x70: {  	_ =	shalt  }
0x71: {  	_ =	shalt  }
0x72: {  	_ =	shalt  }
0x73: {  	_ =	shalt  }
0x74: {  	_ =	shalt  }
0x75: {  	_ =	shalt  }
0x76: {  	_ =	shalt  }
0x77: {  	_ =	shalt  }
0x78: {  	_ =	shalt  }
0x79: {  	_ =	shalt  }
0x7a: {  	_ =	shalt  }
0x7b: {  	_ =	shalt  }
0x7c: {  	_ =	shalt  }
0x7d: {  	_ =	shalt  }
0x7e: {  	_ =	shalt  }
0x7f: {  	_ =	shalt  }
0x80: {  	_ =	shalt  }
0x81: {  	_ =	shalt  }
0x82: {  	_ =	shalt  }
0x83: {  	_ =	shalt  }
0x84: {  	_ =	shalt  }
0x85: {  	_ =	shalt  }
0x86: {  	_ =	shalt  }
0x87: {  	_ =	shalt  }
.Lfunc_end0:
.L_simem_size_0:
called_computation.3_lowered:
.L_overlay_start_0:
0x88: {  	s2 =	sld [smem:$0x3FD9]  }
0x89: {  	s3 =	sld [smem:$0x3FFE];
	_ =	sdelay $0x1  }
0x8a: {  	s1 =	srdreg.scid  }
0x8b: {  	s0 =	sand.u32 $0x1, s1  }
0x8c: {  	s14 =	sshll.u32 s0, $0xA;
	s2 =	sadd.s32 s3, s2  }
0x8d: {  	s2 =	sadd.s32 s2, s14  }
0x8e: {  	[smem:$0x3FBB] =	sst s2  }
0x8f: {  	_ = 	snop  }
0x90: {  	s2 =	sld [smem:$0x3FD0];
	_ =	sdelay $0x2  }
0x91: {  	s15 =	simm.s32 $0xA;
	s4 =	simm.s32 $0x10  }
0x92: {  	[smem:s4], [sflag:s15] =	dma.local [hbm:s2], $0x1  }
0x93: {  	_ =	swait.eq [sflag:s15], $0x1  }
0x94: {  	[sflag:s15] =	ssyncset.done $0x0  }
0x95: {  	[sflag:s15] =	ssyncadd.s32 $0xFFFFFFFF  }
0x96: {  	s16 =	sld [smem:$0x11];
	(tm) =	ssettm $0x1  }
0x97: {  	s17 =	sld [smem:$0x3FFB];
	_ =	sdelay $0x3  }
0x98: {  	_ =	strace s17  }
0x99: {  	s3 =	sld [smem:$0x3FFC];
	_ =	sdelay $0x3  }
0x9a: {  	_ =	strace s3  }
0x9b: {  	s3 =	sld [smem:$0x3FFD];
	_ =	sdelay $0x3  }
0x9c: {  	_ =	strace s3  }
0x9d: {  	_ =	strace $0x8FFFFFFF  }
0x9e: {  	s18 =	sld [smem:$0x3FDB];
	_ =	sdelay $0x1  }
0x9f: {  	s19 =	simm.s32 $_scs_section_size  }
0xa0: {  	s5 =	simm.s32 $_size__tile_overlayer_lowered;
	s6 =	simm.s32 $_tile_overlayer_lowered  }
0xa1: {  	s22 =	simm.s32 $0x1BFF;
	s21 =	sshll.u32 s6, $0x1;
	s3 =	sadd.s32 s19, s18  }
0xa2: {  	s7 =	simm.s32 $0x0;
	s20 =	sshll.u32 s5, $0x1;
	s5 =	sadd.s32 s21, s3  }
0xa3: {  	[timem:s7], [sflag:s22] =	dma.local [hbm:s5], s20  }
0xa4: {  	_ =	swait.ge [sflag:s22], s20  }
0xa5: {  	s4 =	ssub.s32 $0x0, s20;
	[sflag:s22] =	ssyncset.done $0x0  }
0xa6: {  	[sflag:s22] =	ssyncadd.s32 s4;
	_ =	sdelay $0x1  }
0xa7: {  	s23 =	simm.s32 $0x1B8B  }
0xa8: {  	_ =	swait.ge [sflag:s23], $0x1  }
0xa9: {  	[sflag:s23] =	ssyncset.done $0x0  }
0xaa: {  	s25 =	simm.s32 $0x1B8E;
	s24 =	sld [smem:$0x3FFE];
	[sflag:s23] =	ssyncadd.s32 $0xFFFFFFFF  }
0xab: {  	s26 =	simm.s32 $execute0_lowered;
	[smem:$0x3FD2] =	sst s25  }
0xac: {  	s5 =	sshll.u32 s26, $0x1;
	_ =	strace $0x8000004F;
	[dreg:$0x1] =	wrdreg $0xFFFFFFFF  }
0xad: {  	s28 =	simm.s32 $_size_execute0_lowered;
	s3 =	sadd.s32 s3, s5;
	[dreg:$0x0] =	wrdreg $0x0  }
0xae: {  	s5 =	sshll.u32 s28, $0x1;
	[dreg:$0x2] =	wrdreg s3  }
0xaf: {  	[dreg:$0x3] =	wrdreg s5  }
0xb0: {  	[dreg:$0x4] =	wrdreg $0xC0  }
0xb1: {  	_ =	task [dreg:s7], $0x5FFFF  }
0xb2: {  	[dreg:$0x1] =	wrdreg $0xFFFFFFFF  }
0xb3: {  	[dreg:$0x0] =	wrdreg $0x60  }
0xb4: {  	[dreg:$0x2] =	wrdreg s16  }
0xb5: {  	[dreg:$0x3] =	wrdreg s24  }
0xb6: {  	[dreg:$0x4] =	wrdreg $0x41000  }
0xb7: {  	[dreg:$0x5] =	wrdreg $0x9  }
0xb8: {  	_ =	task.clear_ibuf [dreg:s7], $0x6FFFF;
	_ =	strace $0x9000004F  }
0xb9: {  	s29 =	simm.s32 $0x9;
	_ =	strace $0x80000051  }
0xba: {  	_ =	swait.ge [sflag:s29], $0x1  }
0xbb: {  	[sflag:s29] =	ssyncadd.s32 $0xFFFFFFFF  }
0xbc: {  	_ =	strace $0x90000051  }
0xbd: {  	_ =	sfence  }
0xbe: {  	s30 =	sld [smem:$0x0];
	_ =	sdelay $0x2  }
0xbf: {  	s31 =	sshll.u32 s1, $0xD;
	s1 =	sshrl.u32 s1, $0x2  }
0xc0: {  	s3 =	sand.u32 $0x4000, s31;
	s1 =	sadd.s32 s1, s30  }
0xc1: {  	s0 =	sor.u32 s3, s0;
	s1 =	sshll.u32 s1, $0x11  }
0xc2: {  	s0 =	sor.u32 s1, s0  }
0xc3: {  	s0 =	sadd.s32 $0x8F2B, s0  }
0xc4: {  	[sflag:s0] =	ssyncadd.remote.s32 $0x1  }
0xc5: {  	_ =	sfence.sel $0xFFFF  }
0xc6: {  	[dreg:$0x0] =	wrdreg $0xFFFFFFFF;
	(pc) =	sbr.abs _section_cstart, $3  }
0xc7: {  	[dreg:$0x1] =	wrdreg $0xFFFFFFFF  }
0xc8: {  	_ =	task.clear_ibuf [dreg:s7], $0x2FFFF;
	_ =	strace $0x9FFFFFFF  }
0xc9: {  	(tm) =	ssettm $0x7FFFFFFF  }
tec
execute0_lowered:
.L_overlay_start_1:
0x0: {  	(tag) =	ssettag $0x1  }
0x1: {  	s0 =	rddreg [dreg:$0x0]  }
0x2: {  	s6 =	rddreg [dreg:$0x1]  }
0x3: {  	s1 =	srdreg.scid;
	s2 =	stileid.u32  }
0x4: {  	s3 =	rddreg [dreg:$0x2];
	s4 =	simm.s32 $0x0;
	s8 =	smul.u32 $0x2800, s2  }
0x5: {  	s14 =	simm.s32 $0x100;
	s15 =	simm.s32 $0x1;
	s29 =	smul.u32 $0x50000, s2  }
0x6: {  	s7 =	sand.u32 $0x1, s1;
	s1 =	rddreg [dreg:$0x3];
	s11 =	smul.u32 $0x4F0, s2  }
0x7: {  	s16 =	simm.s32 $0x0;
	[smem:$0x7FF] =	sst s4;
	s5 =	smul.u32 $0x4F00, s7  }
0x8: {  	s31 =	sshll.u32 s2, $0x6;
	s9 =	smul.u32 $0x28000, s7;
	s30 =	ssub.s32 $0x2, s7  }
0x9: {  	_ =	strace $0x80000050;
	s7 =	sshrl.u32 s30, $0x1;
	s10 =	sadd.s32 s5, s6  }
0xa: {  	s8 =	sadd.s32 s8, s9;
	s5 =	sadd.s32 $0x1F800, s6;
	s9 =	sshrl.u32 s29, $0x2  }
0xb: {  	s12 =	ssub.s32 s30, s7;
	s8 =	sadd.s32 s8, s6;
	s13 =	sadd.s32 s9, s3  }
0xc: {  	s6 =	sor.u32 $0x1C02, s31;
	s10 =	sadd.s32 s11, s10;
	s7 =	sadd.s32 $0x22000, s8  }
0xd: {  	s8 =	smax.u32 s12, $0x1;
	s9 =	sadd.s32 $0x15A00, s10;
	s10 =	sadd.s32 $0xBC00, s10  }
0xe: {  	s11 =	sshrl.u32 s13, $0x3;
	s12 =	simm.s32 $0x2;
	s13 =	simm.s32 $0x80  }
.LBB2_1:
0xf: {  	[spmem:s11], [sflag:s6] =	dma.local [hbm:s5], $0x2800  }
0x10: {  	_ =	swait.ge [sflag:s12], $0x2800  }
0x11: {  	[sflag:s12] =	ssyncset.done $0x0  }
0x12: {  	[sflag:s12] =	ssyncadd.s32 $0xFFFFD800  }
0x13: {  	s17 =	sadd.s32 $0x0, s10;
	[bflag:$0x0] =	sbarrier.arrive $0xFFFF  }
0x14: {  	[tilespmem:s4], [sflag:$0x2] =	stream.linear.gather [hbm4b:s17+s4], $0x80, $0x38;
	[tilespmem:$0x18100] =	vst v63  }
0x15: {  	_ =	swait.ge [sflag:s12], $0x80  }
0x16: {  	[sflag:s12] =	ssyncset.done $0x0  }
0x17: {  	s31 =	sadd.s32 $0x0, s9;
	[sflag:s12] =	ssyncadd.s32 $0xFFFFFF80  }
0x18: {  	[tilespmem:s13], [sflag:$0x2] =	stream.linear.gather [hbm4b:s31+s4], $0x80, $0x38;
	[tilespmem:$0x18100] =	vst v63  }
0x19: {  	_ =	swait.ge [sflag:s12], $0x80  }
0x1a: {  	[sflag:s12] =	ssyncset.done $0x0  }
0x1b: {  	[sflag:s12] =	ssyncadd.s32 $0xFFFFFF80  }
0x1c: {  	[tilespmem:s14], [sflag:$0x1] =	stream.indirect.gather [hbm4b:s0+s13], $0x80, s4, s13, $0xb8;
	[tilespmem:$0x18100] =	vst v63  }
0x1d: {  	_ =	swait.ge [sflag:s15], $0x4000  }
0x1e: {  	[sflag:s15] =	ssyncset.done $0x0  }
0x1f: {  	[sflag:s15] =	ssyncadd.s32 $0xFFFFC000  }
0x20: {  	[spmem:s3] =	stream.indirect.scatter.add.f32 [tilespmem:s14], [sflag:$0x2], $0x80, s13, s13, $0xb8;
	[tilespmem:$0x18100] =	vst v63  }
0x21: {  	_ =	swait.ge [sflag:s12], $0x4000  }
0x22: {  	s18 =	simm.s32 $0x20;
	s17 =	simm.s32 $0x10;
	[sflag:s12] =	ssyncset.done $0x0  }
.LBB2_2:
0x23: {  	s19 =	sadd.s32 s17, s10  }
0x24: {  	[sflag:s12] =	ssyncadd.s32 $0xFFFFC000;
	s20 =	smov.u32 s18;
	s21 =	sadd.s32 $0x10, s18  }
0x25: {  	[tilespmem:s4], [sflag:$0x2] =	stream.linear.gather [hbm4b:s19+s4], $0x80, $0x38;
	[tilespmem:$0x18100] =	vst v63  }
0x26: {  	p0 =	sne.s32 s18, $0x4E0;
	_ =	swait.ge [sflag:s12], $0x80  }
0x27: {  	[sflag:s12] =	ssyncset.done $0x0  }
0x28: {  	s18 =	sadd.s32 s17, s9;
	s17 =	smov.u32 s20;
	[sflag:s12] =	ssyncadd.s32 $0xFFFFFF80  }
0x29: {  	[tilespmem:s13], [sflag:$0x2] =	stream.linear.gather [hbm4b:s18+s4], $0x80, $0x38;
	[tilespmem:$0x18100] =	vst v63  }
0x2a: {  	_ =	swait.ge [sflag:s12], $0x80  }
0x2b: {  	[sflag:s12] =	ssyncset.done $0x0  }
0x2c: {  	[sflag:s12] =	ssyncadd.s32 $0xFFFFFF80  }
0x2d: {  	[tilespmem:s14], [sflag:$0x1] =	stream.indirect.gather [hbm4b:s0+s13], $0x80, s4, s13, $0xb8;
	[tilespmem:$0x18100] =	vst v63  }
0x2e: {  	_ =	swait.ge [sflag:s15], $0x4000  }
.Ltmp0:
0x2f: {  	[sflag:s15] =	ssyncset.done $0x0;
	(pc) =	sbr.rel @p0 .LBB2_2-.Ltmp0, $4  }
0x30: {  	[sflag:s15] =	ssyncadd.s32 $0xFFFFC000  }
0x31: {  	[spmem:s3] =	stream.indirect.scatter.add.f32 [tilespmem:s14], [sflag:$0x2], $0x80, s13, s13, $0xb8;
	[tilespmem:$0x18100] =	vst v63  }
0x32: {  	_ =	swait.ge [sflag:s12], $0x4000  }
0x33: {  	s18 =	smov.u32 s21;
	[sflag:s12] =	ssyncset.done $0x0  }
0x34: {  	s18 =	sadd.s32 s17, s10;
	[sflag:s12] =	ssyncadd.s32 $0xFFFFC000  }
0x35: {  	[tilespmem:s4], [sflag:$0x2] =	stream.linear.gather [hbm4b:s18+s4], $0x80, $0x38;
	[tilespmem:$0x18100] =	vst v63  }
0x36: {  	_ =	swait.ge [sflag:s12], $0x80  }
0x37: {  	[sflag:s12] =	ssyncset.done $0x0  }
0x38: {  	s31 =	sadd.s32 s17, s9;
	[sflag:s12] =	ssyncadd.s32 $0xFFFFFF80  }
0x39: {  	[tilespmem:s13], [sflag:$0x2] =	stream.linear.gather [hbm4b:s31+s4], $0x80, $0x38;
	[tilespmem:$0x18100] =	vst v63  }
0x3a: {  	_ =	swait.ge [sflag:s12], $0x80  }
0x3b: {  	[sflag:s12] =	ssyncset.done $0x0  }
0x3c: {  	[sflag:s12] =	ssyncadd.s32 $0xFFFFFF80  }
0x3d: {  	[tilespmem:s14], [sflag:$0x1] =	stream.indirect.gather [hbm4b:s0+s13], $0x80, s4, s13, $0xb8;
	[tilespmem:$0x18100] =	vst v63  }
0x3e: {  	_ =	swait.ge [sflag:s15], $0x4000  }
0x3f: {  	[sflag:s15] =	ssyncset.done $0x0  }
0x40: {  	[sflag:s15] =	ssyncadd.s32 $0xFFFFC000  }
0x41: {  	[spmem:s3] =	stream.indirect.scatter.add.f32 [tilespmem:s14], [sflag:$0x2], $0x80, s13, s13, $0xb8;
	[tilespmem:$0x18100] =	vst v63  }
0x42: {  	_ =	swait.ge [sflag:s12], $0x4000  }
0x43: {  	s16 =	sadd.s32 $0x1, s16;
	[sflag:s12] =	ssyncset.done $0x0  }
0x44: {  	p0 =	sne.s32 s16, s8;
	[sflag:s12] =	ssyncadd.s32 $0xFFFFC000  }
.Ltmp1:
0x45: {  	[bflag:$0x0] =	sbarrier.arrive $0xFFFF;
	(pc) =	sbr.rel @p0 .LBB2_1-.Ltmp1, $4  }
0x46: {  	[hbm:s7], [sflag:s6] =	dma.local [spmem:s11], $0x2800  }
0x47: {  	_ =	swait.ge [sflag:s12], $0x2800  }
0x48: {  	[sflag:s12] =	ssyncset.done $0x0  }
0x49: {  	[sflag:s12] =	ssyncadd.s32 $0xFFFFD800  }
0x4a: {  	_ =	sfence.sel $0x180000  }
0x4b: {  	[bflag:$0x0] =	sbarrier.arrive $0xFFFF  }
0x4c: {  	p0 =	sne.s32 s2, $0x0;
	_ =	strace $0x90000050  }
0x4d: {  	s0 =	sadd.s32 @!p0 $0x100000, s1;
	[bflag:$0x2] =	sbarrier.arrive $0xFFFF  }
0x4e: {  	[sflag:s0] =	ssyncadd.tile.s32 @!p0 $0x1;
	_ =	shalt  }
.Lfunc_end2:
_tile_overlayer_lowered:
.L_overlay_start_2:
0x4f: {  	(tag) =	ssettag $0x2  }
0x50: {  	s0 =	rddreg [dreg:$0x0];
	s2 =	stileid.u32  }
0x51: {  	s1 =	rddreg [dreg:$0x1];
	p0 =	sne.s32 s2, $0x0  }
0x52: {  	s3 =	rddreg [dreg:$0x2];
	[bflag:$0x3] =	sbarrier.arrive $0xFFFF;
	s2 =	simm.s32 @!p0 $0x1C02  }
0x53: {  	[timem:s3], [sflag:s2] =	dma.local @!p0 [hbm:s0], s1  }
0x54: {  	s0 =	simm.s32 @!p0 $0x2  }
0x55: {  	_ =	swait.ge @!p0 [sflag:s0], s1  }
0x56: {  	s1 =	ssub.s32 @!p0 $0x0, s1;
	[sflag:s0] =	ssyncset.done @!p0 $0x0  }
0x57: {  	[sflag:s0] =	ssyncadd.s32 @!p0 s1  }
0x58: {  	[bflag:$0x3] =	sbarrier.arrive $0xFFFF  }
0x59: {  	_ =	shalt  }

// kernel: kernel.31.cloned.1.call-start
scs
__scs_entry_jumppad:
0x0: {  	(pc) =	sbr.rel $0x88, $3  }
0x1: {  	(tag) =	ssettag $0x0;
	lr =	simm.s32 $0x1  }
0x2: {  	[smem:$0x3F94] =	sst lr;
	_ =	strace $0xD0000000  }
0x3: {  	_ = 	snop  }
0x4: {  	_ = 	snop  }
0x5: {  	_ = 	snop  }
0x6: {  	_ = 	snop  }
0x7: {  	_ = 	snop  }
__scs_overlays_trampoline_lowered:
0x8: {  	[smem:$0x3FA3] =	sst s0  }
0x9: {  	[smem:$0x3FA4] =	sst s1  }
0xa: {  	[smem:$0x3FA5] =	sst s2  }
0xb: {  	[smem:$0x3FA6] =	sst s3  }
0xc: {  	[smem:$0x3FA7] =	sst s4  }
0xd: {  	[smem:$0x3FA8] =	sst s5  }
0xe: {  	[smem:$0x3FA9] =	sst s6  }
0xf: {  	[smem:$0x3FAA] =	sst s7  }
0x10: {  	[smem:$0x3FAB] =	sst s8  }
0x11: {  	[smem:$0x3FAC] =	sst s9;
	s0 =	simm.s32 @!p0 $0x0  }
0x12: {  	s1 =	sld [smem:$0x3F92];
	s0 =	simm.s32 @p0 $0x1  }
0x13: {  	[smem:$0x3FAD] =	sst s0;
	s0 =	simm.s32 @!p1 $0x0  }
0x14: {  	s2 =	sld [smem:$0x3F91];
	s0 =	simm.s32 @p1 $0x1  }
0x15: {  	[smem:$0x3FAE] =	sst s0;
	s0 =	simm.s32 @!p2 $0x0  }
0x16: {  	s3 =	sld [smem:$0x3FDB];
	s0 =	simm.s32 @p2 $0x1  }
0x17: {  	s4 =	simm.s32 $0x1BF5;
	[smem:$0x3FB0] =	sst s0  }
0x18: {  	s0 =	sld [smem:$0x3F93];
	_ =	swait.ge [sflag:s4], $0x0  }
0x19: {  	s7 =	sld [smem:$0x3F94]  }
0x1a: {  	s8 =	sadd.s32 $0xFFFFE003, lr  }
0x1b: {  	s9 =	sadd.s32 $0xFFFFFEF7, lr;
	s5 =	simm.s32 $0xFFFFFFFF;
	p2 =	slt.u32 s8, $0xFFFFF086  }
0x1c: {  	p1 =	slt.u32 s9, $0xF7A;
	s5 =	simm.s32 @!p2 $0x0  }
0x1d: {  	s5 =	simm.s32 @p1 $0x1;
	p0 =	seq.s32 s7, s2  }
0x1e: {  	s7 =	smul.u32 @!p0 $0xF7A, s2;
	p2 =	seq.s32 @!p0 s5, $0x0  }
0x1f: {  	s9 =	smul.u32 $0xF7A, s1;
	s8 =	simm.s32 @!p0 $0x1BF5;
	p2 =	por !p2, p0  }
0x20: {  	[sflag:s8] =	ssyncset.s32 @!p0 $0xFFFFF086;
	s6 =	sadd.s32 @!p0 s3, s7;
	s7 =	simm.s32 @!p0 $0x108  }
0x21: {  	s3 =	sadd.s32 s3, s9;
	s6 =	sadd.s32 @!p0 $0x88, s6;
	s7 =	simm.s32 @p2 $0x1082  }
0x22: {  	[simem:s7], [sflag:s8] =	dma.local @!p0 [hbm:s6], $0xF7A  }
0x23: {  	s9 =	sor.u32 $0xD0000000, s2;
	s6 =	simm.s32 $0x108;
	_ =	swait.ge @!p0 [sflag:s8], $0x0  }
0x24: {  	s3 =	sadd.s32 $0x88, s3;
	s6 =	simm.s32 @!p1 $0x1082;
	[sflag:s4] =	ssyncset.s32 $0xFFFFF086  }
0x25: {  	[simem:s6], [sflag:s4] =	dma.local [hbm:s3], $0xF7A  }
0x26: {  	[smem:$0x3F94] =	sst s1;
	(tag) =	ssettag s2;
	_ =	strace s9  }
0x27: {  	s1 =	sld [smem:$0x3FA4]  }
0x28: {  	s2 =	sld [smem:$0x3FA5]  }
0x29: {  	s4 =	sld [smem:$0x3FA7]  }
0x2a: {  	p0 =	seq.s32 s5, $0x0;
	s5 =	sld [smem:$0x3FA8]  }
0x2b: {  	s6 =	sld [smem:$0x3FA9]  }
0x2c: {  	s7 =	sld [smem:$0x3FAA]  }
0x2d: {  	s3 =	simm.s32 $0x108;
	s8 =	sld [smem:$0x3FAB]  }
0x2e: {  	s3 =	simm.s32 @!p0 $0x1082;
	s9 =	sld [smem:$0x3FAC]  }
0x2f: {  	lr =	sadd.s32 s0, s3;
	s0 =	sld [smem:$0x3FA3]  }
0x30: {  	s3 =	sld [smem:$0x3FA6]  }
0x31: {  	[smem:$0x3FAF] =	sst s10  }
0x32: {  	s10 =	sld [smem:$0x3FAD];
	_ =	sdelay $0x3  }
0x33: {  	p0 =	seq.s32 s10, $0x1;
	s10 =	sld [smem:$0x3FAF];
	_ =	sdelay $0x3  }
0x34: {  	[smem:$0x3FAF] =	sst s10  }
0x35: {  	s10 =	sld [smem:$0x3FAE];
	_ =	sdelay $0x3  }
0x36: {  	p1 =	seq.s32 s10, $0x1;
	s10 =	sld [smem:$0x3FAF];
	_ =	sdelay $0x3  }
0x37: {  	[smem:$0x3FAF] =	sst s10  }
0x38: {  	s10 =	sld [smem:$0x3FB0]  }
0x39: {  	_ = 	snop;
	(pc) =	sbr.ind lr, $3  }
0x3a: {  	_ = 	snop  }
0x3b: {  	_ = 	snop  }
0x3c: {  	p2 =	seq.s32 s10, $0x1;
	s10 =	sld [smem:$0x3FAF]  }
0x3d: {  	_ =	shalt  }
0x3e: {  	_ =	shalt  }
0x3f: {  	_ =	shalt  }
0x40: {  	_ =	shalt  }
0x41: {  	_ =	shalt  }
0x42: {  	_ =	shalt  }
0x43: {  	_ =	shalt  }
0x44: {  	_ =	shalt  }
0x45: {  	_ =	shalt  }
0x46: {  	_ =	shalt  }
0x47: {  	_ =	shalt  }
0x48: {  	_ =	shalt  }
0x49: {  	_ =	shalt  }
0x4a: {  	_ =	shalt  }
0x4b: {  	_ =	shalt  }
0x4c: {  	_ =	shalt  }
0x4d: {  	_ =	shalt  }
0x4e: {  	_ =	shalt  }
0x4f: {  	_ =	shalt  }
0x50: {  	_ =	shalt  }
0x51: {  	_ =	shalt  }
0x52: {  	_ =	shalt  }
0x53: {  	_ =	shalt  }
0x54: {  	_ =	shalt  }
0x55: {  	_ =	shalt  }
0x56: {  	_ =	shalt  }
0x57: {  	_ =	shalt  }
0x58: {  	_ =	shalt  }
0x59: {  	_ =	shalt  }
0x5a: {  	_ =	shalt  }
0x5b: {  	_ =	shalt  }
0x5c: {  	_ =	shalt  }
0x5d: {  	_ =	shalt  }
0x5e: {  	_ =	shalt  }
0x5f: {  	_ =	shalt  }
0x60: {  	_ =	shalt  }
0x61: {  	_ =	shalt  }
0x62: {  	_ =	shalt  }
0x63: {  	_ =	shalt  }
0x64: {  	_ =	shalt  }
0x65: {  	_ =	shalt  }
0x66: {  	_ =	shalt  }
0x67: {  	_ =	shalt  }
0x68: {  	_ =	shalt  }
0x69: {  	_ =	shalt  }
0x6a: {  	_ =	shalt  }
0x6b: {  	_ =	shalt  }
0x6c: {  	_ =	shalt  }
0x6d: {  	_ =	shalt  }
0x6e: {  	_ =	shalt  }
0x6f: {  	_ =	shalt  }
0x70: {  	_ =	shalt  }
0x71: {  	_ =	shalt  }
0x72: {  	_ =	shalt  }
0x73: {  	_ =	shalt  }
0x74: {  	_ =	shalt  }
0x75: {  	_ =	shalt  }
0x76: {  	_ =	shalt  }
0x77: {  	_ =	shalt  }
0x78: {  	_ =	shalt  }
0x79: {  	_ =	shalt  }
0x7a: {  	_ =	shalt  }
0x7b: {  	_ =	shalt  }
0x7c: {  	_ =	shalt  }
0x7d: {  	_ =	shalt  }
0x7e: {  	_ =	shalt  }
0x7f: {  	_ =	shalt  }
0x80: {  	_ =	shalt  }
0x81: {  	_ =	shalt  }
0x82: {  	_ =	shalt  }
0x83: {  	_ =	shalt  }
0x84: {  	_ =	shalt  }
0x85: {  	_ =	shalt  }
0x86: {  	_ =	shalt  }
0x87: {  	_ =	shalt  }
.Lfunc_end0:
.L_simem_size_0:
called_computation.4_lowered:
.L_overlay_start_0:
0x88: {  	s2 =	sld [smem:$0x3FD9]  }
0x89: {  	s3 =	sld [smem:$0x3FFE];
	_ =	sdelay $0x1  }
0x8a: {  	s1 =	srdreg.scid  }
0x8b: {  	s0 =	sand.u32 $0x1, s1  }
0x8c: {  	s14 =	sshll.u32 s0, $0xA;
	s2 =	sadd.s32 s3, s2  }
0x8d: {  	s2 =	sadd.s32 s2, s14  }
0x8e: {  	[smem:$0x3FBB] =	sst s2  }
0x8f: {  	_ = 	snop  }
0x90: {  	s2 =	sld [smem:$0x3FD0];
	_ =	sdelay $0x2  }
0x91: {  	s15 =	simm.s32 $0xA;
	s4 =	simm.s32 $0x10  }
0x92: {  	[smem:s4], [sflag:s15] =	dma.local [hbm:s2], $0x1  }
0x93: {  	_ =	swait.eq [sflag:s15], $0x1  }
0x94: {  	[sflag:s15] =	ssyncset.done $0x0  }
0x95: {  	[sflag:s15] =	ssyncadd.s32 $0xFFFFFFFF  }
0x96: {  	s16 =	sld [smem:$0x11];
	(tm) =	ssettm $0x1  }
0x97: {  	s17 =	sld [smem:$0x3FFB];
	_ =	sdelay $0x3  }
0x98: {  	_ =	strace s17  }
0x99: {  	s3 =	sld [smem:$0x3FFC];
	_ =	sdelay $0x3  }
0x9a: {  	_ =	strace s3  }
0x9b: {  	s3 =	sld [smem:$0x3FFD];
	_ =	sdelay $0x3  }
0x9c: {  	_ =	strace s3  }
0x9d: {  	_ =	strace $0x8FFFFFFF  }
0x9e: {  	s18 =	sld [smem:$0x3FDB];
	_ =	sdelay $0x1  }
0x9f: {  	s19 =	simm.s32 $_scs_section_size  }
0xa0: {  	s5 =	simm.s32 $_size__tile_overlayer_lowered;
	s6 =	simm.s32 $_tile_overlayer_lowered  }
0xa1: {  	s22 =	simm.s32 $0x1BFF;
	s21 =	sshll.u32 s6, $0x1;
	s3 =	sadd.s32 s19, s18  }
0xa2: {  	s7 =	simm.s32 $0x0;
	s20 =	sshll.u32 s5, $0x1;
	s5 =	sadd.s32 s21, s3  }
0xa3: {  	[timem:s7], [sflag:s22] =	dma.local [hbm:s5], s20  }
0xa4: {  	_ =	swait.ge [sflag:s22], s20  }
0xa5: {  	s4 =	ssub.s32 $0x0, s20;
	[sflag:s22] =	ssyncset.done $0x0  }
0xa6: {  	[sflag:s22] =	ssyncadd.s32 s4;
	_ =	sdelay $0x1  }
0xa7: {  	s23 =	simm.s32 $0x1B8B  }
0xa8: {  	_ =	swait.ge [sflag:s23], $0x1  }
0xa9: {  	[sflag:s23] =	ssyncset.done $0x0  }
0xaa: {  	s25 =	simm.s32 $0x1B8E;
	s24 =	sld [smem:$0x3FFE];
	[sflag:s23] =	ssyncadd.s32 $0xFFFFFFFF  }
0xab: {  	s26 =	simm.s32 $execute0_lowered;
	[smem:$0x3FD2] =	sst s25  }
0xac: {  	s5 =	sshll.u32 s26, $0x1;
	_ =	strace $0x80000052;
	[dreg:$0x1] =	wrdreg $0xFFFFFFFF  }
0xad: {  	s28 =	simm.s32 $_size_execute0_lowered;
	s3 =	sadd.s32 s3, s5;
	[dreg:$0x0] =	wrdreg $0x0  }
0xae: {  	s5 =	sshll.u32 s28, $0x1;
	[dreg:$0x2] =	wrdreg s3  }
0xaf: {  	[dreg:$0x3] =	wrdreg s5  }
0xb0: {  	[dreg:$0x4] =	wrdreg $0xC0  }
0xb1: {  	_ =	task [dreg:s7], $0x5FFFF  }
0xb2: {  	[dreg:$0x1] =	wrdreg $0xFFFFFFFF  }
0xb3: {  	[dreg:$0x0] =	wrdreg $0x60  }
0xb4: {  	[dreg:$0x2] =	wrdreg s16  }
0xb5: {  	[dreg:$0x3] =	wrdreg s24  }
0xb6: {  	[dreg:$0x4] =	wrdreg $0x41000  }
0xb7: {  	[dreg:$0x5] =	wrdreg $0x9  }
0xb8: {  	_ =	task.clear_ibuf [dreg:s7], $0x6FFFF;
	_ =	strace $0x90000052  }
0xb9: {  	s29 =	simm.s32 $0x9;
	_ =	strace $0x80000054  }
0xba: {  	_ =	swait.ge [sflag:s29], $0x1  }
0xbb: {  	[sflag:s29] =	ssyncadd.s32 $0xFFFFFFFF  }
0xbc: {  	_ =	strace $0x90000054  }
0xbd: {  	_ =	sfence  }
0xbe: {  	s30 =	sld [smem:$0x0];
	_ =	sdelay $0x2  }
0xbf: {  	s31 =	sshll.u32 s1, $0xD;
	s1 =	sshrl.u32 s1, $0x2  }
0xc0: {  	s3 =	sand.u32 $0x4000, s31;
	s1 =	sadd.s32 s1, s30  }
0xc1: {  	s0 =	sor.u32 s3, s0;
	s1 =	sshll.u32 s1, $0x11  }
0xc2: {  	s0 =	sor.u32 s1, s0  }
0xc3: {  	s0 =	sadd.s32 $0x8F2B, s0  }
0xc4: {  	[sflag:s0] =	ssyncadd.remote.s32 $0x1  }
0xc5: {  	_ =	sfence.sel $0xFFFF  }
0xc6: {  	[dreg:$0x0] =	wrdreg $0xFFFFFFFF;
	(pc) =	sbr.abs _section_cstart, $3  }
0xc7: {  	[dreg:$0x1] =	wrdreg $0xFFFFFFFF  }
0xc8: {  	_ =	task.clear_ibuf [dreg:s7], $0x2FFFF;
	_ =	strace $0x9FFFFFFF  }
0xc9: {  	(tm) =	ssettm $0x7FFFFFFF  }
tec
execute0_lowered:
.L_overlay_start_1:
0x0: {  	(tag) =	ssettag $0x1  }
0x1: {  	s0 =	rddreg [dreg:$0x0]  }
0x2: {  	s6 =	rddreg [dreg:$0x1]  }
0x3: {  	s1 =	srdreg.scid;
	s2 =	stileid.u32  }
0x4: {  	s3 =	rddreg [dreg:$0x2];
	s4 =	simm.s32 $0x0;
	s8 =	smul.u32 $0x2800, s2  }
0x5: {  	s14 =	simm.s32 $0x100;
	s15 =	simm.s32 $0x1;
	s29 =	smul.u32 $0x50000, s2  }
0x6: {  	s7 =	sand.u32 $0x1, s1;
	s1 =	rddreg [dreg:$0x3];
	s11 =	smul.u32 $0x4F0, s2  }
0x7: {  	s16 =	simm.s32 $0x0;
	[smem:$0x7FF] =	sst s4;
	s5 =	smul.u32 $0x4F00, s7  }
0x8: {  	s31 =	sshll.u32 s2, $0x6;
	s9 =	smul.u32 $0x28000, s7;
	s30 =	ssub.s32 $0x2, s7  }
0x9: {  	_ =	strace $0x80000053;
	s7 =	sshrl.u32 s30, $0x1;
	s10 =	sadd.s32 s5, s6  }
0xa: {  	s8 =	sadd.s32 s8, s9;
	s5 =	sadd.s32 $0x1F800, s6;
	s9 =	sshrl.u32 s29, $0x2  }
0xb: {  	s12 =	ssub.s32 s30, s7;
	s8 =	sadd.s32 s8, s6;
	s13 =	sadd.s32 s9, s3  }
0xc: {  	s6 =	sor.u32 $0x1C02, s31;
	s10 =	sadd.s32 s11, s10;
	s7 =	sadd.s32 $0x22000, s8  }
0xd: {  	s8 =	smax.u32 s12, $0x1;
	s9 =	sadd.s32 $0x15A00, s10;
	s10 =	sadd.s32 $0xBC00, s10  }
0xe: {  	s11 =	sshrl.u32 s13, $0x3;
	s12 =	simm.s32 $0x2;
	s13 =	simm.s32 $0x80  }
.LBB2_1:
0xf: {  	[spmem:s11], [sflag:s6] =	dma.local [hbm:s5], $0x2800  }
0x10: {  	_ =	swait.ge [sflag:s12], $0x2800  }
0x11: {  	[sflag:s12] =	ssyncset.done $0x0  }
0x12: {  	[sflag:s12] =	ssyncadd.s32 $0xFFFFD800  }
0x13: {  	s17 =	sadd.s32 $0x0, s10;
	[bflag:$0x0] =	sbarrier.arrive $0xFFFF  }
0x14: {  	[tilespmem:s4], [sflag:$0x2] =	stream.linear.gather [hbm4b:s17+s4], $0x80, $0x38;
	[tilespmem:$0x18100] =	vst v63  }
0x15: {  	_ =	swait.ge [sflag:s12], $0x80  }
0x16: {  	[sflag:s12] =	ssyncset.done $0x0  }
0x17: {  	s31 =	sadd.s32 $0x0, s9;
	[sflag:s12] =	ssyncadd.s32 $0xFFFFFF80  }
0x18: {  	[tilespmem:s13], [sflag:$0x2] =	stream.linear.gather [hbm4b:s31+s4], $0x80, $0x38;
	[tilespmem:$0x18100] =	vst v63  }
0x19: {  	_ =	swait.ge [sflag:s12], $0x80  }
0x1a: {  	[sflag:s12] =	ssyncset.done $0x0  }
0x1b: {  	[sflag:s12] =	ssyncadd.s32 $0xFFFFFF80  }
0x1c: {  	[tilespmem:s14], [sflag:$0x1] =	stream.indirect.gather [hbm4b:s0+s13], $0x80, s4, s13, $0xb8;
	[tilespmem:$0x18100] =	vst v63  }
0x1d: {  	_ =	swait.ge [sflag:s15], $0x4000  }
0x1e: {  	[sflag:s15] =	ssyncset.done $0x0  }
0x1f: {  	[sflag:s15] =	ssyncadd.s32 $0xFFFFC000  }
0x20: {  	[spmem:s3] =	stream.indirect.scatter.add.f32 [tilespmem:s14], [sflag:$0x2], $0x80, s13, s13, $0xb8;
	[tilespmem:$0x18100] =	vst v63  }
0x21: {  	_ =	swait.ge [sflag:s12], $0x4000  }
0x22: {  	s18 =	simm.s32 $0x20;
	s17 =	simm.s32 $0x10;
	[sflag:s12] =	ssyncset.done $0x0  }
.LBB2_2:
0x23: {  	s19 =	sadd.s32 s17, s10  }
0x24: {  	[sflag:s12] =	ssyncadd.s32 $0xFFFFC000;
	s20 =	smov.u32 s18;
	s21 =	sadd.s32 $0x10, s18  }
0x25: {  	[tilespmem:s4], [sflag:$0x2] =	stream.linear.gather [hbm4b:s19+s4], $0x80, $0x38;
	[tilespmem:$0x18100] =	vst v63  }
0x26: {  	p0 =	sne.s32 s18, $0x4E0;
	_ =	swait.ge [sflag:s12], $0x80  }
0x27: {  	[sflag:s12] =	ssyncset.done $0x0  }
0x28: {  	s18 =	sadd.s32 s17, s9;
	s17 =	smov.u32 s20;
	[sflag:s12] =	ssyncadd.s32 $0xFFFFFF80  }
0x29: {  	[tilespmem:s13], [sflag:$0x2] =	stream.linear.gather [hbm4b:s18+s4], $0x80, $0x38;
	[tilespmem:$0x18100] =	vst v63  }
0x2a: {  	_ =	swait.ge [sflag:s12], $0x80  }
0x2b: {  	[sflag:s12] =	ssyncset.done $0x0  }
0x2c: {  	[sflag:s12] =	ssyncadd.s32 $0xFFFFFF80  }
0x2d: {  	[tilespmem:s14], [sflag:$0x1] =	stream.indirect.gather [hbm4b:s0+s13], $0x80, s4, s13, $0xb8;
	[tilespmem:$0x18100] =	vst v63  }
0x2e: {  	_ =	swait.ge [sflag:s15], $0x4000  }
.Ltmp0:
0x2f: {  	[sflag:s15] =	ssyncset.done $0x0;
	(pc) =	sbr.rel @p0 .LBB2_2-.Ltmp0, $4  }
0x30: {  	[sflag:s15] =	ssyncadd.s32 $0xFFFFC000  }
0x31: {  	[spmem:s3] =	stream.indirect.scatter.add.f32 [tilespmem:s14], [sflag:$0x2], $0x80, s13, s13, $0xb8;
	[tilespmem:$0x18100] =	vst v63  }
0x32: {  	_ =	swait.ge [sflag:s12], $0x4000  }
0x33: {  	s18 =	smov.u32 s21;
	[sflag:s12] =	ssyncset.done $0x0  }
0x34: {  	s18 =	sadd.s32 s17, s10;
	[sflag:s12] =	ssyncadd.s32 $0xFFFFC000  }
0x35: {  	[tilespmem:s4], [sflag:$0x2] =	stream.linear.gather [hbm4b:s18+s4], $0x80, $0x38;
	[tilespmem:$0x18100] =	vst v63  }
0x36: {  	_ =	swait.ge [sflag:s12], $0x80  }
0x37: {  	[sflag:s12] =	ssyncset.done $0x0  }
0x38: {  	s31 =	sadd.s32 s17, s9;
	[sflag:s12] =	ssyncadd.s32 $0xFFFFFF80  }
0x39: {  	[tilespmem:s13], [sflag:$0x2] =	stream.linear.gather [hbm4b:s31+s4], $0x80, $0x38;
	[tilespmem:$0x18100] =	vst v63  }
0x3a: {  	_ =	swait.ge [sflag:s12], $0x80  }
0x3b: {  	[sflag:s12] =	ssyncset.done $0x0  }
0x3c: {  	[sflag:s12] =	ssyncadd.s32 $0xFFFFFF80  }
0x3d: {  	[tilespmem:s14], [sflag:$0x1] =	stream.indirect.gather [hbm4b:s0+s13], $0x80, s4, s13, $0xb8;
	[tilespmem:$0x18100] =	vst v63  }
0x3e: {  	_ =	swait.ge [sflag:s15], $0x4000  }
0x3f: {  	[sflag:s15] =	ssyncset.done $0x0  }
0x40: {  	[sflag:s15] =	ssyncadd.s32 $0xFFFFC000  }
0x41: {  	[spmem:s3] =	stream.indirect.scatter.add.f32 [tilespmem:s14], [sflag:$0x2], $0x80, s13, s13, $0xb8;
	[tilespmem:$0x18100] =	vst v63  }
0x42: {  	_ =	swait.ge [sflag:s12], $0x4000  }
0x43: {  	s16 =	sadd.s32 $0x1, s16;
	[sflag:s12] =	ssyncset.done $0x0  }
0x44: {  	p0 =	sne.s32 s16, s8;
	[sflag:s12] =	ssyncadd.s32 $0xFFFFC000  }
.Ltmp1:
0x45: {  	[bflag:$0x0] =	sbarrier.arrive $0xFFFF;
	(pc) =	sbr.rel @p0 .LBB2_1-.Ltmp1, $4  }
0x46: {  	[hbm:s7], [sflag:s6] =	dma.local [spmem:s11], $0x2800  }
0x47: {  	_ =	swait.ge [sflag:s12], $0x2800  }
0x48: {  	[sflag:s12] =	ssyncset.done $0x0  }
0x49: {  	[sflag:s12] =	ssyncadd.s32 $0xFFFFD800  }
0x4a: {  	_ =	sfence.sel $0x180000  }
0x4b: {  	[bflag:$0x0] =	sbarrier.arrive $0xFFFF  }
0x4c: {  	p0 =	sne.s32 s2, $0x0;
	_ =	strace $0x90000053  }
0x4d: {  	s0 =	sadd.s32 @!p0 $0x100000, s1;
	[bflag:$0x2] =	sbarrier.arrive $0xFFFF  }
0x4e: {  	[sflag:s0] =	ssyncadd.tile.s32 @!p0 $0x1;
	_ =	shalt  }
.Lfunc_end2:
_tile_overlayer_lowered:
.L_overlay_start_2:
0x4f: {  	(tag) =	ssettag $0x2  }
0x50: {  	s0 =	rddreg [dreg:$0x0];
	s2 =	stileid.u32  }
0x51: {  	s1 =	rddreg [dreg:$0x1];
	p0 =	sne.s32 s2, $0x0  }
0x52: {  	s3 =	rddreg [dreg:$0x2];
	[bflag:$0x3] =	sbarrier.arrive $0xFFFF;
	s2 =	simm.s32 @!p0 $0x1C02  }
0x53: {  	[timem:s3], [sflag:s2] =	dma.local @!p0 [hbm:s0], s1  }
0x54: {  	s0 =	simm.s32 @!p0 $0x2  }
0x55: {  	_ =	swait.ge @!p0 [sflag:s0], s1  }
0x56: {  	s1 =	ssub.s32 @!p0 $0x0, s1;
	[sflag:s0] =	ssyncset.done @!p0 $0x0  }
0x57: {  	[sflag:s0] =	ssyncadd.s32 @!p0 s1  }
0x58: {  	[bflag:$0x3] =	sbarrier.arrive $0xFFFF  }
0x59: {  	_ =	shalt  }

// kernel: kernel.34.cloned.1.call-start
scs
__scs_entry_jumppad:
0x0: {  	(pc) =	sbr.rel $0x88, $3  }
0x1: {  	(tag) =	ssettag $0x0;
	lr =	simm.s32 $0x1  }
0x2: {  	[smem:$0x3F94] =	sst lr;
	_ =	strace $0xD0000000  }
0x3: {  	_ = 	snop  }
0x4: {  	_ = 	snop  }
0x5: {  	_ = 	snop  }
0x6: {  	_ = 	snop  }
0x7: {  	_ = 	snop  }
__scs_overlays_trampoline_lowered:
0x8: {  	[smem:$0x3FA3] =	sst s0  }
0x9: {  	[smem:$0x3FA4] =	sst s1  }
0xa: {  	[smem:$0x3FA5] =	sst s2  }
0xb: {  	[smem:$0x3FA6] =	sst s3  }
0xc: {  	[smem:$0x3FA7] =	sst s4  }
0xd: {  	[smem:$0x3FA8] =	sst s5  }
0xe: {  	[smem:$0x3FA9] =	sst s6  }
0xf: {  	[smem:$0x3FAA] =	sst s7  }
0x10: {  	[smem:$0x3FAB] =	sst s8  }
0x11: {  	[smem:$0x3FAC] =	sst s9;
	s0 =	simm.s32 @!p0 $0x0  }
0x12: {  	s1 =	sld [smem:$0x3F92];
	s0 =	simm.s32 @p0 $0x1  }
0x13: {  	[smem:$0x3FAD] =	sst s0;
	s0 =	simm.s32 @!p1 $0x0  }
0x14: {  	s2 =	sld [smem:$0x3F91];
	s0 =	simm.s32 @p1 $0x1  }
0x15: {  	[smem:$0x3FAE] =	sst s0;
	s0 =	simm.s32 @!p2 $0x0  }
0x16: {  	s3 =	sld [smem:$0x3FDB];
	s0 =	simm.s32 @p2 $0x1  }
0x17: {  	s4 =	simm.s32 $0x1BF5;
	[smem:$0x3FB0] =	sst s0  }
0x18: {  	s0 =	sld [smem:$0x3F93];
	_ =	swait.ge [sflag:s4], $0x0  }
0x19: {  	s7 =	sld [smem:$0x3F94]  }
0x1a: {  	s8 =	sadd.s32 $0xFFFFE003, lr  }
0x1b: {  	s9 =	sadd.s32 $0xFFFFFEF7, lr;
	s5 =	simm.s32 $0xFFFFFFFF;
	p2 =	slt.u32 s8, $0xFFFFF086  }
0x1c: {  	p1 =	slt.u32 s9, $0xF7A;
	s5 =	simm.s32 @!p2 $0x0  }
0x1d: {  	s5 =	simm.s32 @p1 $0x1;
	p0 =	seq.s32 s7, s2  }
0x1e: {  	s7 =	smul.u32 @!p0 $0xF7A, s2;
	p2 =	seq.s32 @!p0 s5, $0x0  }
0x1f: {  	s9 =	smul.u32 $0xF7A, s1;
	s8 =	simm.s32 @!p0 $0x1BF5;
	p2 =	por !p2, p0  }
0x20: {  	[sflag:s8] =	ssyncset.s32 @!p0 $0xFFFFF086;
	s6 =	sadd.s32 @!p0 s3, s7;
	s7 =	simm.s32 @!p0 $0x108  }
0x21: {  	s3 =	sadd.s32 s3, s9;
	s6 =	sadd.s32 @!p0 $0x88, s6;
	s7 =	simm.s32 @p2 $0x1082  }
0x22: {  	[simem:s7], [sflag:s8] =	dma.local @!p0 [hbm:s6], $0xF7A  }
0x23: {  	s9 =	sor.u32 $0xD0000000, s2;
	s6 =	simm.s32 $0x108;
	_ =	swait.ge @!p0 [sflag:s8], $0x0  }
0x24: {  	s3 =	sadd.s32 $0x88, s3;
	s6 =	simm.s32 @!p1 $0x1082;
	[sflag:s4] =	ssyncset.s32 $0xFFFFF086  }
0x25: {  	[simem:s6], [sflag:s4] =	dma.local [hbm:s3], $0xF7A  }
0x26: {  	[smem:$0x3F94] =	sst s1;
	(tag) =	ssettag s2;
	_ =	strace s9  }
0x27: {  	s1 =	sld [smem:$0x3FA4]  }
0x28: {  	s2 =	sld [smem:$0x3FA5]  }
0x29: {  	s4 =	sld [smem:$0x3FA7]  }
0x2a: {  	p0 =	seq.s32 s5, $0x0;
	s5 =	sld [smem:$0x3FA8]  }
0x2b: {  	s6 =	sld [smem:$0x3FA9]  }
0x2c: {  	s7 =	sld [smem:$0x3FAA]  }
0x2d: {  	s3 =	simm.s32 $0x108;
	s8 =	sld [smem:$0x3FAB]  }
0x2e: {  	s3 =	simm.s32 @!p0 $0x1082;
	s9 =	sld [smem:$0x3FAC]  }
0x2f: {  	lr =	sadd.s32 s0, s3;
	s0 =	sld [smem:$0x3FA3]  }
0x30: {  	s3 =	sld [smem:$0x3FA6]  }
0x31: {  	[smem:$0x3FAF] =	sst s10  }
0x32: {  	s10 =	sld [smem:$0x3FAD];
	_ =	sdelay $0x3  }
0x33: {  	p0 =	seq.s32 s10, $0x1;
	s10 =	sld [smem:$0x3FAF];
	_ =	sdelay $0x3  }
0x34: {  	[smem:$0x3FAF] =	sst s10  }
0x35: {  	s10 =	sld [smem:$0x3FAE];
	_ =	sdelay $0x3  }
0x36: {  	p1 =	seq.s32 s10, $0x1;
	s10 =	sld [smem:$0x3FAF];
	_ =	sdelay $0x3  }
0x37: {  	[smem:$0x3FAF] =	sst s10  }
0x38: {  	s10 =	sld [smem:$0x3FB0]  }
0x39: {  	_ = 	snop;
	(pc) =	sbr.ind lr, $3  }
0x3a: {  	_ = 	snop  }
0x3b: {  	_ = 	snop  }
0x3c: {  	p2 =	seq.s32 s10, $0x1;
	s10 =	sld [smem:$0x3FAF]  }
0x3d: {  	_ =	shalt  }
0x3e: {  	_ =	shalt  }
0x3f: {  	_ =	shalt  }
0x40: {  	_ =	shalt  }
0x41: {  	_ =	shalt  }
0x42: {  	_ =	shalt  }
0x43: {  	_ =	shalt  }
0x44: {  	_ =	shalt  }
0x45: {  	_ =	shalt  }
0x46: {  	_ =	shalt  }
0x47: {  	_ =	shalt  }
0x48: {  	_ =	shalt  }
0x49: {  	_ =	shalt  }
0x4a: {  	_ =	shalt  }
0x4b: {  	_ =	shalt  }
0x4c: {  	_ =	shalt  }
0x4d: {  	_ =	shalt  }
0x4e: {  	_ =	shalt  }
0x4f: {  	_ =	shalt  }
0x50: {  	_ =	shalt  }
0x51: {  	_ =	shalt  }
0x52: {  	_ =	shalt  }
0x53: {  	_ =	shalt  }
0x54: {  	_ =	shalt  }
0x55: {  	_ =	shalt  }
0x56: {  	_ =	shalt  }
0x57: {  	_ =	shalt  }
0x58: {  	_ =	shalt  }
0x59: {  	_ =	shalt  }
0x5a: {  	_ =	shalt  }
0x5b: {  	_ =	shalt  }
0x5c: {  	_ =	shalt  }
0x5d: {  	_ =	shalt  }
0x5e: {  	_ =	shalt  }
0x5f: {  	_ =	shalt  }
0x60: {  	_ =	shalt  }
0x61: {  	_ =	shalt  }
0x62: {  	_ =	shalt  }
0x63: {  	_ =	shalt  }
0x64: {  	_ =	shalt  }
0x65: {  	_ =	shalt  }
0x66: {  	_ =	shalt  }
0x67: {  	_ =	shalt  }
0x68: {  	_ =	shalt  }
0x69: {  	_ =	shalt  }
0x6a: {  	_ =	shalt  }
0x6b: {  	_ =	shalt  }
0x6c: {  	_ =	shalt  }
0x6d: {  	_ =	shalt  }
0x6e: {  	_ =	shalt  }
0x6f: {  	_ =	shalt  }
0x70: {  	_ =	shalt  }
0x71: {  	_ =	shalt  }
0x72: {  	_ =	shalt  }
0x73: {  	_ =	shalt  }
0x74: {  	_ =	shalt  }
0x75: {  	_ =	shalt  }
0x76: {  	_ =	shalt  }
0x77: {  	_ =	shalt  }
0x78: {  	_ =	shalt  }
0x79: {  	_ =	shalt  }
0x7a: {  	_ =	shalt  }
0x7b: {  	_ =	shalt  }
0x7c: {  	_ =	shalt  }
0x7d: {  	_ =	shalt  }
0x7e: {  	_ =	shalt  }
0x7f: {  	_ =	shalt  }
0x80: {  	_ =	shalt  }
0x81: {  	_ =	shalt  }
0x82: {  	_ =	shalt  }
0x83: {  	_ =	shalt  }
0x84: {  	_ =	shalt  }
0x85: {  	_ =	shalt  }
0x86: {  	_ =	shalt  }
0x87: {  	_ =	shalt  }
.Lfunc_end0:
.L_simem_size_0:
called_computation.5_lowered:
.L_overlay_start_0:
0x88: {  	s2 =	sld [smem:$0x3FD9]  }
0x89: {  	s3 =	sld [smem:$0x3FFE];
	_ =	sdelay $0x1  }
0x8a: {  	s1 =	srdreg.scid  }
0x8b: {  	s0 =	sand.u32 $0x1, s1  }
0x8c: {  	s14 =	sshll.u32 s0, $0xA;
	s2 =	sadd.s32 s3, s2  }
0x8d: {  	s2 =	sadd.s32 s2, s14  }
0x8e: {  	[smem:$0x3FBB] =	sst s2  }
0x8f: {  	_ = 	snop  }
0x90: {  	s2 =	sld [smem:$0x3FD0];
	_ =	sdelay $0x2  }
0x91: {  	s15 =	simm.s32 $0xA;
	s4 =	simm.s32 $0x10  }
0x92: {  	[smem:s4], [sflag:s15] =	dma.local [hbm:s2], $0x1  }
0x93: {  	_ =	swait.eq [sflag:s15], $0x1  }
0x94: {  	[sflag:s15] =	ssyncset.done $0x0  }
0x95: {  	[sflag:s15] =	ssyncadd.s32 $0xFFFFFFFF  }
0x96: {  	s16 =	sld [smem:$0x11];
	(tm) =	ssettm $0x1  }
0x97: {  	s17 =	sld [smem:$0x3FFB];
	_ =	sdelay $0x3  }
0x98: {  	_ =	strace s17  }
0x99: {  	s3 =	sld [smem:$0x3FFC];
	_ =	sdelay $0x3  }
0x9a: {  	_ =	strace s3  }
0x9b: {  	s3 =	sld [smem:$0x3FFD];
	_ =	sdelay $0x3  }
0x9c: {  	_ =	strace s3  }
0x9d: {  	_ =	strace $0x8FFFFFFF  }
0x9e: {  	s18 =	sld [smem:$0x3FDB];
	_ =	sdelay $0x1  }
0x9f: {  	s19 =	simm.s32 $_scs_section_size  }
0xa0: {  	s5 =	simm.s32 $_size__tile_overlayer_lowered;
	s6 =	simm.s32 $_tile_overlayer_lowered  }
0xa1: {  	s22 =	simm.s32 $0x1BFF;
	s21 =	sshll.u32 s6, $0x1;
	s3 =	sadd.s32 s19, s18  }
0xa2: {  	s7 =	simm.s32 $0x0;
	s20 =	sshll.u32 s5, $0x1;
	s5 =	sadd.s32 s21, s3  }
0xa3: {  	[timem:s7], [sflag:s22] =	dma.local [hbm:s5], s20  }
0xa4: {  	_ =	swait.ge [sflag:s22], s20  }
0xa5: {  	s4 =	ssub.s32 $0x0, s20;
	[sflag:s22] =	ssyncset.done $0x0  }
0xa6: {  	[sflag:s22] =	ssyncadd.s32 s4;
	_ =	sdelay $0x1  }
0xa7: {  	s23 =	simm.s32 $0x1B8B  }
0xa8: {  	_ =	swait.ge [sflag:s23], $0x1  }
0xa9: {  	[sflag:s23] =	ssyncset.done $0x0  }
0xaa: {  	s25 =	simm.s32 $0x1B8E;
	s24 =	sld [smem:$0x3FFE];
	[sflag:s23] =	ssyncadd.s32 $0xFFFFFFFF  }
0xab: {  	s26 =	simm.s32 $execute0_lowered;
	[smem:$0x3FD2] =	sst s25  }
0xac: {  	s5 =	sshll.u32 s26, $0x1;
	_ =	strace $0x80000055;
	[dreg:$0x1] =	wrdreg $0xFFFFFFFF  }
0xad: {  	s28 =	simm.s32 $_size_execute0_lowered;
	s3 =	sadd.s32 s3, s5;
	[dreg:$0x0] =	wrdreg $0x0  }
0xae: {  	s5 =	sshll.u32 s28, $0x1;
	[dreg:$0x2] =	wrdreg s3  }
0xaf: {  	[dreg:$0x3] =	wrdreg s5  }
0xb0: {  	[dreg:$0x4] =	wrdreg $0xC0  }
0xb1: {  	_ =	task [dreg:s7], $0x5FFFF  }
0xb2: {  	[dreg:$0x1] =	wrdreg $0xFFFFFFFF  }
0xb3: {  	[dreg:$0x0] =	wrdreg $0x60  }
0xb4: {  	[dreg:$0x2] =	wrdreg s16  }
0xb5: {  	[dreg:$0x3] =	wrdreg s24  }
0xb6: {  	[dreg:$0x4] =	wrdreg $0x41000  }
0xb7: {  	[dreg:$0x5] =	wrdreg $0x9  }
0xb8: {  	_ =	task.clear_ibuf [dreg:s7], $0x6FFFF;
	_ =	strace $0x90000055  }
0xb9: {  	s29 =	simm.s32 $0x9;
	_ =	strace $0x80000057  }
0xba: {  	_ =	swait.ge [sflag:s29], $0x1  }
0xbb: {  	[sflag:s29] =	ssyncadd.s32 $0xFFFFFFFF  }
0xbc: {  	_ =	strace $0x90000057  }
0xbd: {  	_ =	sfence  }
0xbe: {  	s30 =	sld [smem:$0x0];
	_ =	sdelay $0x2  }
0xbf: {  	s31 =	sshll.u32 s1, $0xD;
	s1 =	sshrl.u32 s1, $0x2  }
0xc0: {  	s3 =	sand.u32 $0x4000, s31;
	s1 =	sadd.s32 s1, s30  }
0xc1: {  	s0 =	sor.u32 s3, s0;
	s1 =	sshll.u32 s1, $0x11  }
0xc2: {  	s0 =	sor.u32 s1, s0  }
0xc3: {  	s0 =	sadd.s32 $0x8F2B, s0  }
0xc4: {  	[sflag:s0] =	ssyncadd.remote.s32 $0x1  }
0xc5: {  	_ =	sfence.sel $0xFFFF  }
0xc6: {  	[dreg:$0x0] =	wrdreg $0xFFFFFFFF;
	(pc) =	sbr.abs _section_cstart, $3  }
0xc7: {  	[dreg:$0x1] =	wrdreg $0xFFFFFFFF  }
0xc8: {  	_ =	task.clear_ibuf [dreg:s7], $0x2FFFF;
	_ =	strace $0x9FFFFFFF  }
0xc9: {  	(tm) =	ssettm $0x7FFFFFFF  }
tec
execute0_lowered:
.L_overlay_start_1:
0x0: {  	(tag) =	ssettag $0x1  }
0x1: {  	s0 =	rddreg [dreg:$0x0]  }
0x2: {  	s6 =	rddreg [dreg:$0x1]  }
0x3: {  	s1 =	srdreg.scid;
	s2 =	stileid.u32  }
0x4: {  	s3 =	rddreg [dreg:$0x2];
	s4 =	simm.s32 $0x0;
	s8 =	smul.u32 $0x2800, s2  }
0x5: {  	s14 =	simm.s32 $0x100;
	s15 =	simm.s32 $0x1;
	s29 =	smul.u32 $0x50000, s2  }
0x6: {  	s7 =	sand.u32 $0x1, s1;
	s1 =	rddreg [dreg:$0x3];
	s11 =	smul.u32 $0x4F0, s2  }
0x7: {  	s16 =	simm.s32 $0x0;
	[smem:$0x7FF] =	sst s4;
	s5 =	smul.u32 $0x4F00, s7  }
0x8: {  	s31 =	sshll.u32 s2, $0x6;
	s9 =	smul.u32 $0x28000, s7;
	s30 =	ssub.s32 $0x2, s7  }
0x9: {  	_ =	strace $0x80000056;
	s7 =	sshrl.u32 s30, $0x1;
	s10 =	sadd.s32 s5, s6  }
0xa: {  	s8 =	sadd.s32 s8, s9;
	s5 =	sadd.s32 $0x1F800, s6;
	s9 =	sshrl.u32 s29, $0x2  }
0xb: {  	s12 =	ssub.s32 s30, s7;
	s8 =	sadd.s32 s8, s6;
	s13 =	sadd.s32 s9, s3  }
0xc: {  	s6 =	sor.u32 $0x1C02, s31;
	s10 =	sadd.s32 s11, s10;
	s7 =	sadd.s32 $0x22000, s8  }
0xd: {  	s8 =	smax.u32 s12, $0x1;
	s9 =	sadd.s32 $0x15A00, s10;
	s10 =	sadd.s32 $0xBC00, s10  }
0xe: {  	s11 =	sshrl.u32 s13, $0x3;
	s12 =	simm.s32 $0x2;
	s13 =	simm.s32 $0x80  }
.LBB2_1:
0xf: {  	[spmem:s11], [sflag:s6] =	dma.local [hbm:s5], $0x2800  }
0x10: {  	_ =	swait.ge [sflag:s12], $0x2800  }
0x11: {  	[sflag:s12] =	ssyncset.done $0x0  }
0x12: {  	[sflag:s12] =	ssyncadd.s32 $0xFFFFD800  }
0x13: {  	s17 =	sadd.s32 $0x0, s10;
	[bflag:$0x0] =	sbarrier.arrive $0xFFFF  }
0x14: {  	[tilespmem:s4], [sflag:$0x2] =	stream.linear.gather [hbm4b:s17+s4], $0x80, $0x38;
	[tilespmem:$0x18100] =	vst v63  }
0x15: {  	_ =	swait.ge [sflag:s12], $0x80  }
0x16: {  	[sflag:s12] =	ssyncset.done $0x0  }
0x17: {  	s31 =	sadd.s32 $0x0, s9;
	[sflag:s12] =	ssyncadd.s32 $0xFFFFFF80  }
0x18: {  	[tilespmem:s13], [sflag:$0x2] =	stream.linear.gather [hbm4b:s31+s4], $0x80, $0x38;
	[tilespmem:$0x18100] =	vst v63  }
0x19: {  	_ =	swait.ge [sflag:s12], $0x80  }
0x1a: {  	[sflag:s12] =	ssyncset.done $0x0  }
0x1b: {  	[sflag:s12] =	ssyncadd.s32 $0xFFFFFF80  }
0x1c: {  	[tilespmem:s14], [sflag:$0x1] =	stream.indirect.gather [hbm4b:s0+s13], $0x80, s4, s13, $0xb8;
	[tilespmem:$0x18100] =	vst v63  }
0x1d: {  	_ =	swait.ge [sflag:s15], $0x4000  }
0x1e: {  	[sflag:s15] =	ssyncset.done $0x0  }
0x1f: {  	[sflag:s15] =	ssyncadd.s32 $0xFFFFC000  }
0x20: {  	[spmem:s3] =	stream.indirect.scatter.add.f32 [tilespmem:s14], [sflag:$0x2], $0x80, s13, s13, $0xb8;
	[tilespmem:$0x18100] =	vst v63  }
0x21: {  	_ =	swait.ge [sflag:s12], $0x4000  }
0x22: {  	s18 =	simm.s32 $0x20;
	s17 =	simm.s32 $0x10;
	[sflag:s12] =	ssyncset.done $0x0  }
.LBB2_2:
0x23: {  	s19 =	sadd.s32 s17, s10  }
0x24: {  	[sflag:s12] =	ssyncadd.s32 $0xFFFFC000;
	s20 =	smov.u32 s18;
	s21 =	sadd.s32 $0x10, s18  }
0x25: {  	[tilespmem:s4], [sflag:$0x2] =	stream.linear.gather [hbm4b:s19+s4], $0x80, $0x38;
	[tilespmem:$0x18100] =	vst v63  }
0x26: {  	p0 =	sne.s32 s18, $0x4E0;
	_ =	swait.ge [sflag:s12], $0x80  }
0x27: {  	[sflag:s12] =	ssyncset.done $0x0  }
0x28: {  	s18 =	sadd.s32 s17, s9;
	s17 =	smov.u32 s20;
	[sflag:s12] =	ssyncadd.s32 $0xFFFFFF80  }
0x29: {  	[tilespmem:s13], [sflag:$0x2] =	stream.linear.gather [hbm4b:s18+s4], $0x80, $0x38;
	[tilespmem:$0x18100] =	vst v63  }
0x2a: {  	_ =	swait.ge [sflag:s12], $0x80  }
0x2b: {  	[sflag:s12] =	ssyncset.done $0x0  }
0x2c: {  	[sflag:s12] =	ssyncadd.s32 $0xFFFFFF80  }
0x2d: {  	[tilespmem:s14], [sflag:$0x1] =	stream.indirect.gather [hbm4b:s0+s13], $0x80, s4, s13, $0xb8;
	[tilespmem:$0x18100] =	vst v63  }
0x2e: {  	_ =	swait.ge [sflag:s15], $0x4000  }
.Ltmp0:
0x2f: {  	[sflag:s15] =	ssyncset.done $0x0;
	(pc) =	sbr.rel @p0 .LBB2_2-.Ltmp0, $4  }
0x30: {  	[sflag:s15] =	ssyncadd.s32 $0xFFFFC000  }
0x31: {  	[spmem:s3] =	stream.indirect.scatter.add.f32 [tilespmem:s14], [sflag:$0x2], $0x80, s13, s13, $0xb8;
	[tilespmem:$0x18100] =	vst v63  }
0x32: {  	_ =	swait.ge [sflag:s12], $0x4000  }
0x33: {  	s18 =	smov.u32 s21;
	[sflag:s12] =	ssyncset.done $0x0  }
0x34: {  	s18 =	sadd.s32 s17, s10;
	[sflag:s12] =	ssyncadd.s32 $0xFFFFC000  }
0x35: {  	[tilespmem:s4], [sflag:$0x2] =	stream.linear.gather [hbm4b:s18+s4], $0x80, $0x38;
	[tilespmem:$0x18100] =	vst v63  }
0x36: {  	_ =	swait.ge [sflag:s12], $0x80  }
0x37: {  	[sflag:s12] =	ssyncset.done $0x0  }
0x38: {  	s31 =	sadd.s32 s17, s9;
	[sflag:s12] =	ssyncadd.s32 $0xFFFFFF80  }
0x39: {  	[tilespmem:s13], [sflag:$0x2] =	stream.linear.gather [hbm4b:s31+s4], $0x80, $0x38;
	[tilespmem:$0x18100] =	vst v63  }
0x3a: {  	_ =	swait.ge [sflag:s12], $0x80  }
0x3b: {  	[sflag:s12] =	ssyncset.done $0x0  }
0x3c: {  	[sflag:s12] =	ssyncadd.s32 $0xFFFFFF80  }
0x3d: {  	[tilespmem:s14], [sflag:$0x1] =	stream.indirect.gather [hbm4b:s0+s13], $0x80, s4, s13, $0xb8;
	[tilespmem:$0x18100] =	vst v63  }
0x3e: {  	_ =	swait.ge [sflag:s15], $0x4000  }
0x3f: {  	[sflag:s15] =	ssyncset.done $0x0  }
0x40: {  	[sflag:s15] =	ssyncadd.s32 $0xFFFFC000  }
0x41: {  	[spmem:s3] =	stream.indirect.scatter.add.f32 [tilespmem:s14], [sflag:$0x2], $0x80, s13, s13, $0xb8;
	[tilespmem:$0x18100] =	vst v63  }
0x42: {  	_ =	swait.ge [sflag:s12], $0x4000  }
0x43: {  	s16 =	sadd.s32 $0x1, s16;
	[sflag:s12] =	ssyncset.done $0x0  }
0x44: {  	p0 =	sne.s32 s16, s8;
	[sflag:s12] =	ssyncadd.s32 $0xFFFFC000  }
.Ltmp1:
0x45: {  	[bflag:$0x0] =	sbarrier.arrive $0xFFFF;
	(pc) =	sbr.rel @p0 .LBB2_1-.Ltmp1, $4  }
0x46: {  	[hbm:s7], [sflag:s6] =	dma.local [spmem:s11], $0x2800  }
0x47: {  	_ =	swait.ge [sflag:s12], $0x2800  }
0x48: {  	[sflag:s12] =	ssyncset.done $0x0  }
0x49: {  	[sflag:s12] =	ssyncadd.s32 $0xFFFFD800  }
0x4a: {  	_ =	sfence.sel $0x180000  }
0x4b: {  	[bflag:$0x0] =	sbarrier.arrive $0xFFFF  }
0x4c: {  	p0 =	sne.s32 s2, $0x0;
	_ =	strace $0x90000056  }
0x4d: {  	s0 =	sadd.s32 @!p0 $0x100000, s1;
	[bflag:$0x2] =	sbarrier.arrive $0xFFFF  }
0x4e: {  	[sflag:s0] =	ssyncadd.tile.s32 @!p0 $0x1;
	_ =	shalt  }
.Lfunc_end2:
_tile_overlayer_lowered:
.L_overlay_start_2:
0x4f: {  	(tag) =	ssettag $0x2  }
0x50: {  	s0 =	rddreg [dreg:$0x0];
	s2 =	stileid.u32  }
0x51: {  	s1 =	rddreg [dreg:$0x1];
	p0 =	sne.s32 s2, $0x0  }
0x52: {  	s3 =	rddreg [dreg:$0x2];
	[bflag:$0x3] =	sbarrier.arrive $0xFFFF;
	s2 =	simm.s32 @!p0 $0x1C02  }
0x53: {  	[timem:s3], [sflag:s2] =	dma.local @!p0 [hbm:s0], s1  }
0x54: {  	s0 =	simm.s32 @!p0 $0x2  }
0x55: {  	_ =	swait.ge @!p0 [sflag:s0], s1  }
0x56: {  	s1 =	ssub.s32 @!p0 $0x0, s1;
	[sflag:s0] =	ssyncset.done @!p0 $0x0  }
0x57: {  	[sflag:s0] =	ssyncadd.s32 @!p0 s1  }
0x58: {  	[bflag:$0x3] =	sbarrier.arrive $0xFFFF  }
0x59: {  	_ =	shalt  }

// kernel: kernel.37.cloned.1.call-start
scs
__scs_entry_jumppad:
0x0: {  	(pc) =	sbr.rel $0x88, $3  }
0x1: {  	(tag) =	ssettag $0x0;
	lr =	simm.s32 $0x1  }
0x2: {  	[smem:$0x3F94] =	sst lr;
	_ =	strace $0xD0000000  }
0x3: {  	_ = 	snop  }
0x4: {  	_ = 	snop  }
0x5: {  	_ = 	snop  }
0x6: {  	_ = 	snop  }
0x7: {  	_ = 	snop  }
__scs_overlays_trampoline_lowered:
0x8: {  	[smem:$0x3FA3] =	sst s0  }
0x9: {  	[smem:$0x3FA4] =	sst s1  }
0xa: {  	[smem:$0x3FA5] =	sst s2  }
0xb: {  	[smem:$0x3FA6] =	sst s3  }
0xc: {  	[smem:$0x3FA7] =	sst s4  }
0xd: {  	[smem:$0x3FA8] =	sst s5  }
0xe: {  	[smem:$0x3FA9] =	sst s6  }
0xf: {  	[smem:$0x3FAA] =	sst s7  }
0x10: {  	[smem:$0x3FAB] =	sst s8  }
0x11: {  	[smem:$0x3FAC] =	sst s9;
	s0 =	simm.s32 @!p0 $0x0  }
0x12: {  	s1 =	sld [smem:$0x3F92];
	s0 =	simm.s32 @p0 $0x1  }
0x13: {  	[smem:$0x3FAD] =	sst s0;
	s0 =	simm.s32 @!p1 $0x0  }
0x14: {  	s2 =	sld [smem:$0x3F91];
	s0 =	simm.s32 @p1 $0x1  }
0x15: {  	[smem:$0x3FAE] =	sst s0;
	s0 =	simm.s32 @!p2 $0x0  }
0x16: {  	s3 =	sld [smem:$0x3FDB];
	s0 =	simm.s32 @p2 $0x1  }
0x17: {  	s4 =	simm.s32 $0x1BF5;
	[smem:$0x3FB0] =	sst s0  }
0x18: {  	s0 =	sld [smem:$0x3F93];
	_ =	swait.ge [sflag:s4], $0x0  }
0x19: {  	s7 =	sld [smem:$0x3F94]  }
0x1a: {  	s8 =	sadd.s32 $0xFFFFE003, lr  }
0x1b: {  	s9 =	sadd.s32 $0xFFFFFEF7, lr;
	s5 =	simm.s32 $0xFFFFFFFF;
	p2 =	slt.u32 s8, $0xFFFFF086  }
0x1c: {  	p1 =	slt.u32 s9, $0xF7A;
	s5 =	simm.s32 @!p2 $0x0  }
0x1d: {  	s5 =	simm.s32 @p1 $0x1;
	p0 =	seq.s32 s7, s2  }
0x1e: {  	s7 =	smul.u32 @!p0 $0xF7A, s2;
	p2 =	seq.s32 @!p0 s5, $0x0  }
0x1f: {  	s9 =	smul.u32 $0xF7A, s1;
	s8 =	simm.s32 @!p0 $0x1BF5;
	p2 =	por !p2, p0  }
0x20: {  	[sflag:s8] =	ssyncset.s32 @!p0 $0xFFFFF086;
	s6 =	sadd.s32 @!p0 s3, s7;
	s7 =	simm.s32 @!p0 $0x108  }
0x21: {  	s3 =	sadd.s32 s3, s9;
	s6 =	sadd.s32 @!p0 $0x88, s6;
	s7 =	simm.s32 @p2 $0x1082  }
0x22: {  	[simem:s7], [sflag:s8] =	dma.local @!p0 [hbm:s6], $0xF7A  }
0x23: {  	s9 =	sor.u32 $0xD0000000, s2;
	s6 =	simm.s32 $0x108;
	_ =	swait.ge @!p0 [sflag:s8], $0x0  }
0x24: {  	s3 =	sadd.s32 $0x88, s3;
	s6 =	simm.s32 @!p1 $0x1082;
	[sflag:s4] =	ssyncset.s32 $0xFFFFF086  }
0x25: {  	[simem:s6], [sflag:s4] =	dma.local [hbm:s3], $0xF7A  }
0x26: {  	[smem:$0x3F94] =	sst s1;
	(tag) =	ssettag s2;
	_ =	strace s9  }
0x27: {  	s1 =	sld [smem:$0x3FA4]  }
0x28: {  	s2 =	sld [smem:$0x3FA5]  }
0x29: {  	s4 =	sld [smem:$0x3FA7]  }
0x2a: {  	p0 =	seq.s32 s5, $0x0;
	s5 =	sld [smem:$0x3FA8]  }
0x2b: {  	s6 =	sld [smem:$0x3FA9]  }
0x2c: {  	s7 =	sld [smem:$0x3FAA]  }
0x2d: {  	s3 =	simm.s32 $0x108;
	s8 =	sld [smem:$0x3FAB]  }
0x2e: {  	s3 =	simm.s32 @!p0 $0x1082;
	s9 =	sld [smem:$0x3FAC]  }
0x2f: {  	lr =	sadd.s32 s0, s3;
	s0 =	sld [smem:$0x3FA3]  }
0x30: {  	s3 =	sld [smem:$0x3FA6]  }
0x31: {  	[smem:$0x3FAF] =	sst s10  }
0x32: {  	s10 =	sld [smem:$0x3FAD];
	_ =	sdelay $0x3  }
0x33: {  	p0 =	seq.s32 s10, $0x1;
	s10 =	sld [smem:$0x3FAF];
	_ =	sdelay $0x3  }
0x34: {  	[smem:$0x3FAF] =	sst s10  }
0x35: {  	s10 =	sld [smem:$0x3FAE];
	_ =	sdelay $0x3  }
0x36: {  	p1 =	seq.s32 s10, $0x1;
	s10 =	sld [smem:$0x3FAF];
	_ =	sdelay $0x3  }
0x37: {  	[smem:$0x3FAF] =	sst s10  }
0x38: {  	s10 =	sld [smem:$0x3FB0]  }
0x39: {  	_ = 	snop;
	(pc) =	sbr.ind lr, $3  }
0x3a: {  	_ = 	snop  }
0x3b: {  	_ = 	snop  }
0x3c: {  	p2 =	seq.s32 s10, $0x1;
	s10 =	sld [smem:$0x3FAF]  }
0x3d: {  	_ =	shalt  }
0x3e: {  	_ =	shalt  }
0x3f: {  	_ =	shalt  }
0x40: {  	_ =	shalt  }
0x41: {  	_ =	shalt  }
0x42: {  	_ =	shalt  }
0x43: {  	_ =	shalt  }
0x44: {  	_ =	shalt  }
0x45: {  	_ =	shalt  }
0x46: {  	_ =	shalt  }
0x47: {  	_ =	shalt  }
0x48: {  	_ =	shalt  }
0x49: {  	_ =	shalt  }
0x4a: {  	_ =	shalt  }
0x4b: {  	_ =	shalt  }
0x4c: {  	_ =	shalt  }
0x4d: {  	_ =	shalt  }
0x4e: {  	_ =	shalt  }
0x4f: {  	_ =	shalt  }
0x50: {  	_ =	shalt  }
0x51: {  	_ =	shalt  }
0x52: {  	_ =	shalt  }
0x53: {  	_ =	shalt  }
0x54: {  	_ =	shalt  }
0x55: {  	_ =	shalt  }
0x56: {  	_ =	shalt  }
0x57: {  	_ =	shalt  }
0x58: {  	_ =	shalt  }
0x59: {  	_ =	shalt  }
0x5a: {  	_ =	shalt  }
0x5b: {  	_ =	shalt  }
0x5c: {  	_ =	shalt  }
0x5d: {  	_ =	shalt  }
0x5e: {  	_ =	shalt  }
0x5f: {  	_ =	shalt  }
0x60: {  	_ =	shalt  }
0x61: {  	_ =	shalt  }
0x62: {  	_ =	shalt  }
0x63: {  	_ =	shalt  }
0x64: {  	_ =	shalt  }
0x65: {  	_ =	shalt  }
0x66: {  	_ =	shalt  }
0x67: {  	_ =	shalt  }
0x68: {  	_ =	shalt  }
0x69: {  	_ =	shalt  }
0x6a: {  	_ =	shalt  }
0x6b: {  	_ =	shalt  }
0x6c: {  	_ =	shalt  }
0x6d: {  	_ =	shalt  }
0x6e: {  	_ =	shalt  }
0x6f: {  	_ =	shalt  }
0x70: {  	_ =	shalt  }
0x71: {  	_ =	shalt  }
0x72: {  	_ =	shalt  }
0x73: {  	_ =	shalt  }
0x74: {  	_ =	shalt  }
0x75: {  	_ =	shalt  }
0x76: {  	_ =	shalt  }
0x77: {  	_ =	shalt  }
0x78: {  	_ =	shalt  }
0x79: {  	_ =	shalt  }
0x7a: {  	_ =	shalt  }
0x7b: {  	_ =	shalt  }
0x7c: {  	_ =	shalt  }
0x7d: {  	_ =	shalt  }
0x7e: {  	_ =	shalt  }
0x7f: {  	_ =	shalt  }
0x80: {  	_ =	shalt  }
0x81: {  	_ =	shalt  }
0x82: {  	_ =	shalt  }
0x83: {  	_ =	shalt  }
0x84: {  	_ =	shalt  }
0x85: {  	_ =	shalt  }
0x86: {  	_ =	shalt  }
0x87: {  	_ =	shalt  }
.Lfunc_end0:
.L_simem_size_0:
called_computation.6_lowered:
.L_overlay_start_0:
0x88: {  	s2 =	sld [smem:$0x3FD9]  }
0x89: {  	s3 =	sld [smem:$0x3FFE];
	_ =	sdelay $0x1  }
0x8a: {  	s1 =	srdreg.scid  }
0x8b: {  	s0 =	sand.u32 $0x1, s1  }
0x8c: {  	s14 =	sshll.u32 s0, $0xA;
	s2 =	sadd.s32 s3, s2  }
0x8d: {  	s2 =	sadd.s32 s2, s14  }
0x8e: {  	[smem:$0x3FBB] =	sst s2  }
0x8f: {  	_ = 	snop  }
0x90: {  	s2 =	sld [smem:$0x3FD0];
	_ =	sdelay $0x2  }
0x91: {  	s15 =	simm.s32 $0xA;
	s4 =	simm.s32 $0x10  }
0x92: {  	[smem:s4], [sflag:s15] =	dma.local [hbm:s2], $0x1  }
0x93: {  	_ =	swait.eq [sflag:s15], $0x1  }
0x94: {  	[sflag:s15] =	ssyncset.done $0x0  }
0x95: {  	[sflag:s15] =	ssyncadd.s32 $0xFFFFFFFF  }
0x96: {  	s16 =	sld [smem:$0x11];
	(tm) =	ssettm $0x1  }
0x97: {  	s17 =	sld [smem:$0x3FFB];
	_ =	sdelay $0x3  }
0x98: {  	_ =	strace s17  }
0x99: {  	s3 =	sld [smem:$0x3FFC];
	_ =	sdelay $0x3  }
0x9a: {  	_ =	strace s3  }
0x9b: {  	s3 =	sld [smem:$0x3FFD];
	_ =	sdelay $0x3  }
0x9c: {  	_ =	strace s3  }
0x9d: {  	_ =	strace $0x8FFFFFFF  }
0x9e: {  	s18 =	sld [smem:$0x3FDB];
	_ =	sdelay $0x1  }
0x9f: {  	s19 =	simm.s32 $_scs_section_size  }
0xa0: {  	s5 =	simm.s32 $_size__tile_overlayer_lowered;
	s6 =	simm.s32 $_tile_overlayer_lowered  }
0xa1: {  	s22 =	simm.s32 $0x1BFF;
	s21 =	sshll.u32 s6, $0x1;
	s3 =	sadd.s32 s19, s18  }
0xa2: {  	s7 =	simm.s32 $0x0;
	s20 =	sshll.u32 s5, $0x1;
	s5 =	sadd.s32 s21, s3  }
0xa3: {  	[timem:s7], [sflag:s22] =	dma.local [hbm:s5], s20  }
0xa4: {  	_ =	swait.ge [sflag:s22], s20  }
0xa5: {  	s4 =	ssub.s32 $0x0, s20;
	[sflag:s22] =	ssyncset.done $0x0  }
0xa6: {  	[sflag:s22] =	ssyncadd.s32 s4;
	_ =	sdelay $0x1  }
0xa7: {  	s23 =	simm.s32 $0x1B8B  }
0xa8: {  	_ =	swait.ge [sflag:s23], $0x1  }
0xa9: {  	[sflag:s23] =	ssyncset.done $0x0  }
0xaa: {  	s25 =	simm.s32 $0x1B8E;
	s24 =	sld [smem:$0x3FFE];
	[sflag:s23] =	ssyncadd.s32 $0xFFFFFFFF  }
0xab: {  	s26 =	simm.s32 $execute0_lowered;
	[smem:$0x3FD2] =	sst s25  }
0xac: {  	s5 =	sshll.u32 s26, $0x1;
	_ =	strace $0x80000058;
	[dreg:$0x1] =	wrdreg $0xFFFFFFFF  }
0xad: {  	s28 =	simm.s32 $_size_execute0_lowered;
	s3 =	sadd.s32 s3, s5;
	[dreg:$0x0] =	wrdreg $0x0  }
0xae: {  	s5 =	sshll.u32 s28, $0x1;
	[dreg:$0x2] =	wrdreg s3  }
0xaf: {  	[dreg:$0x3] =	wrdreg s5  }
0xb0: {  	[dreg:$0x4] =	wrdreg $0xC0  }
0xb1: {  	_ =	task [dreg:s7], $0x5FFFF  }
0xb2: {  	[dreg:$0x1] =	wrdreg $0xFFFFFFFF  }
0xb3: {  	[dreg:$0x0] =	wrdreg $0x60  }
0xb4: {  	[dreg:$0x2] =	wrdreg s16  }
0xb5: {  	[dreg:$0x3] =	wrdreg s24  }
0xb6: {  	[dreg:$0x4] =	wrdreg $0x41000  }
0xb7: {  	[dreg:$0x5] =	wrdreg $0x9  }
0xb8: {  	_ =	task.clear_ibuf [dreg:s7], $0x6FFFF;
	_ =	strace $0x90000058  }
0xb9: {  	s29 =	simm.s32 $0x9;
	_ =	strace $0x8000005A  }
0xba: {  	_ =	swait.ge [sflag:s29], $0x1  }
0xbb: {  	[sflag:s29] =	ssyncadd.s32 $0xFFFFFFFF  }
0xbc: {  	_ =	strace $0x9000005A  }
0xbd: {  	_ =	sfence  }
0xbe: {  	s30 =	sld [smem:$0x0];
	_ =	sdelay $0x2  }
0xbf: {  	s31 =	sshll.u32 s1, $0xD;
	s1 =	sshrl.u32 s1, $0x2  }
0xc0: {  	s3 =	sand.u32 $0x4000, s31;
	s1 =	sadd.s32 s1, s30  }
0xc1: {  	s0 =	sor.u32 s3, s0;
	s1 =	sshll.u32 s1, $0x11  }
0xc2: {  	s0 =	sor.u32 s1, s0  }
0xc3: {  	s0 =	sadd.s32 $0x8F2B, s0  }
0xc4: {  	[sflag:s0] =	ssyncadd.remote.s32 $0x1  }
0xc5: {  	_ =	sfence.sel $0xFFFF  }
0xc6: {  	[dreg:$0x0] =	wrdreg $0xFFFFFFFF;
	(pc) =	sbr.abs _section_cstart, $3  }
0xc7: {  	[dreg:$0x1] =	wrdreg $0xFFFFFFFF  }
0xc8: {  	_ =	task.clear_ibuf [dreg:s7], $0x2FFFF;
	_ =	strace $0x9FFFFFFF  }
0xc9: {  	(tm) =	ssettm $0x7FFFFFFF  }
tec
execute0_lowered:
.L_overlay_start_1:
0x0: {  	(tag) =	ssettag $0x1  }
0x1: {  	s0 =	rddreg [dreg:$0x0]  }
0x2: {  	s6 =	rddreg [dreg:$0x1]  }
0x3: {  	s1 =	srdreg.scid;
	s2 =	stileid.u32  }
0x4: {  	s3 =	rddreg [dreg:$0x2];
	s4 =	simm.s32 $0x0;
	s8 =	smul.u32 $0x2800, s2  }
0x5: {  	s14 =	simm.s32 $0x100;
	s15 =	simm.s32 $0x1;
	s29 =	smul.u32 $0x50000, s2  }
0x6: {  	s7 =	sand.u32 $0x1, s1;
	s1 =	rddreg [dreg:$0x3];
	s11 =	smul.u32 $0x4F0, s2  }
0x7: {  	s16 =	simm.s32 $0x0;
	[smem:$0x7FF] =	sst s4;
	s5 =	smul.u32 $0x4F00, s7  }
0x8: {  	s31 =	sshll.u32 s2, $0x6;
	s9 =	smul.u32 $0x28000, s7;
	s30 =	ssub.s32 $0x2, s7  }
0x9: {  	_ =	strace $0x80000059;
	s7 =	sshrl.u32 s30, $0x1;
	s10 =	sadd.s32 s5, s6  }
0xa: {  	s8 =	sadd.s32 s8, s9;
	s5 =	sadd.s32 $0x1F800, s6;
	s9 =	sshrl.u32 s29, $0x2  }
0xb: {  	s12 =	ssub.s32 s30, s7;
	s8 =	sadd.s32 s8, s6;
	s13 =	sadd.s32 s9, s3  }
0xc: {  	s6 =	sor.u32 $0x1C02, s31;
	s10 =	sadd.s32 s11, s10;
	s7 =	sadd.s32 $0x22000, s8  }
0xd: {  	s8 =	smax.u32 s12, $0x1;
	s9 =	sadd.s32 $0x15A00, s10;
	s10 =	sadd.s32 $0xBC00, s10  }
0xe: {  	s11 =	sshrl.u32 s13, $0x3;
	s12 =	simm.s32 $0x2;
	s13 =	simm.s32 $0x80  }
.LBB2_1:
0xf: {  	[spmem:s11], [sflag:s6] =	dma.local [hbm:s5], $0x2800  }
0x10: {  	_ =	swait.ge [sflag:s12], $0x2800  }
0x11: {  	[sflag:s12] =	ssyncset.done $0x0  }
0x12: {  	[sflag:s12] =	ssyncadd.s32 $0xFFFFD800  }
0x13: {  	s17 =	sadd.s32 $0x0, s10;
	[bflag:$0x0] =	sbarrier.arrive $0xFFFF  }
0x14: {  	[tilespmem:s4], [sflag:$0x2] =	stream.linear.gather [hbm4b:s17+s4], $0x80, $0x38;
	[tilespmem:$0x18100] =	vst v63  }
0x15: {  	_ =	swait.ge [sflag:s12], $0x80  }
0x16: {  	[sflag:s12] =	ssyncset.done $0x0  }
0x17: {  	s31 =	sadd.s32 $0x0, s9;
	[sflag:s12] =	ssyncadd.s32 $0xFFFFFF80  }
0x18: {  	[tilespmem:s13], [sflag:$0x2] =	stream.linear.gather [hbm4b:s31+s4], $0x80, $0x38;
	[tilespmem:$0x18100] =	vst v63  }
0x19: {  	_ =	swait.ge [sflag:s12], $0x80  }
0x1a: {  	[sflag:s12] =	ssyncset.done $0x0  }
0x1b: {  	[sflag:s12] =	ssyncadd.s32 $0xFFFFFF80  }
0x1c: {  	[tilespmem:s14], [sflag:$0x1] =	stream.indirect.gather [hbm4b:s0+s13], $0x80, s4, s13, $0xb8;
	[tilespmem:$0x18100] =	vst v63  }
0x1d: {  	_ =	swait.ge [sflag:s15], $0x4000  }
0x1e: {  	[sflag:s15] =	ssyncset.done $0x0  }
0x1f: {  	[sflag:s15] =	ssyncadd.s32 $0xFFFFC000  }
0x20: {  	[spmem:s3] =	stream.indirect.scatter.add.f32 [tilespmem:s14], [sflag:$0x2], $0x80, s13, s13, $0xb8;
	[tilespmem:$0x18100] =	vst v63  }
0x21: {  	_ =	swait.ge [sflag:s12], $0x4000  }
0x22: {  	s18 =	simm.s32 $0x20;
	s17 =	simm.s32 $0x10;
	[sflag:s12] =	ssyncset.done $0x0  }
.LBB2_2:
0x23: {  	s19 =	sadd.s32 s17, s10  }
0x24: {  	[sflag:s12] =	ssyncadd.s32 $0xFFFFC000;
	s20 =	smov.u32 s18;
	s21 =	sadd.s32 $0x10, s18  }
0x25: {  	[tilespmem:s4], [sflag:$0x2] =	stream.linear.gather [hbm4b:s19+s4], $0x80, $0x38;
	[tilespmem:$0x18100] =	vst v63  }
0x26: {  	p0 =	sne.s32 s18, $0x4E0;
	_ =	swait.ge [sflag:s12], $0x80  }
0x27: {  	[sflag:s12] =	ssyncset.done $0x0  }
0x28: {  	s18 =	sadd.s32 s17, s9;
	s17 =	smov.u32 s20;
	[sflag:s12] =	ssyncadd.s32 $0xFFFFFF80  }
0x29: {  	[tilespmem:s13], [sflag:$0x2] =	stream.linear.gather [hbm4b:s18+s4], $0x80, $0x38;
	[tilespmem:$0x18100] =	vst v63  }
0x2a: {  	_ =	swait.ge [sflag:s12], $0x80  }
0x2b: {  	[sflag:s12] =	ssyncset.done $0x0  }
0x2c: {  	[sflag:s12] =	ssyncadd.s32 $0xFFFFFF80  }
0x2d: {  	[tilespmem:s14], [sflag:$0x1] =	stream.indirect.gather [hbm4b:s0+s13], $0x80, s4, s13, $0xb8;
	[tilespmem:$0x18100] =	vst v63  }
0x2e: {  	_ =	swait.ge [sflag:s15], $0x4000  }
.Ltmp0:
0x2f: {  	[sflag:s15] =	ssyncset.done $0x0;
	(pc) =	sbr.rel @p0 .LBB2_2-.Ltmp0, $4  }
0x30: {  	[sflag:s15] =	ssyncadd.s32 $0xFFFFC000  }
0x31: {  	[spmem:s3] =	stream.indirect.scatter.add.f32 [tilespmem:s14], [sflag:$0x2], $0x80, s13, s13, $0xb8;
	[tilespmem:$0x18100] =	vst v63  }
0x32: {  	_ =	swait.ge [sflag:s12], $0x4000  }
0x33: {  	s18 =	smov.u32 s21;
	[sflag:s12] =	ssyncset.done $0x0  }
0x34: {  	s18 =	sadd.s32 s17, s10;
	[sflag:s12] =	ssyncadd.s32 $0xFFFFC000  }
0x35: {  	[tilespmem:s4], [sflag:$0x2] =	stream.linear.gather [hbm4b:s18+s4], $0x80, $0x38;
	[tilespmem:$0x18100] =	vst v63  }
0x36: {  	_ =	swait.ge [sflag:s12], $0x80  }
0x37: {  	[sflag:s12] =	ssyncset.done $0x0  }
0x38: {  	s31 =	sadd.s32 s17, s9;
	[sflag:s12] =	ssyncadd.s32 $0xFFFFFF80  }
0x39: {  	[tilespmem:s13], [sflag:$0x2] =	stream.linear.gather [hbm4b:s31+s4], $0x80, $0x38;
	[tilespmem:$0x18100] =	vst v63  }
0x3a: {  	_ =	swait.ge [sflag:s12], $0x80  }
0x3b: {  	[sflag:s12] =	ssyncset.done $0x0  }
0x3c: {  	[sflag:s12] =	ssyncadd.s32 $0xFFFFFF80  }
0x3d: {  	[tilespmem:s14], [sflag:$0x1] =	stream.indirect.gather [hbm4b:s0+s13], $0x80, s4, s13, $0xb8;
	[tilespmem:$0x18100] =	vst v63  }
0x3e: {  	_ =	swait.ge [sflag:s15], $0x4000  }
0x3f: {  	[sflag:s15] =	ssyncset.done $0x0  }
0x40: {  	[sflag:s15] =	ssyncadd.s32 $0xFFFFC000  }
0x41: {  	[spmem:s3] =	stream.indirect.scatter.add.f32 [tilespmem:s14], [sflag:$0x2], $0x80, s13, s13, $0xb8;
	[tilespmem:$0x18100] =	vst v63  }
0x42: {  	_ =	swait.ge [sflag:s12], $0x4000  }
0x43: {  	s16 =	sadd.s32 $0x1, s16;
	[sflag:s12] =	ssyncset.done $0x0  }
0x44: {  	p0 =	sne.s32 s16, s8;
	[sflag:s12] =	ssyncadd.s32 $0xFFFFC000  }
.Ltmp1:
0x45: {  	[bflag:$0x0] =	sbarrier.arrive $0xFFFF;
	(pc) =	sbr.rel @p0 .LBB2_1-.Ltmp1, $4  }
0x46: {  	[hbm:s7], [sflag:s6] =	dma.local [spmem:s11], $0x2800  }
0x47: {  	_ =	swait.ge [sflag:s12], $0x2800  }
0x48: {  	[sflag:s12] =	ssyncset.done $0x0  }
0x49: {  	[sflag:s12] =	ssyncadd.s32 $0xFFFFD800  }
0x4a: {  	_ =	sfence.sel $0x180000  }
0x4b: {  	[bflag:$0x0] =	sbarrier.arrive $0xFFFF  }
0x4c: {  	p0 =	sne.s32 s2, $0x0;
	_ =	strace $0x90000059  }
0x4d: {  	s0 =	sadd.s32 @!p0 $0x100000, s1;
	[bflag:$0x2] =	sbarrier.arrive $0xFFFF  }
0x4e: {  	[sflag:s0] =	ssyncadd.tile.s32 @!p0 $0x1;
	_ =	shalt  }
.Lfunc_end2:
_tile_overlayer_lowered:
.L_overlay_start_2:
0x4f: {  	(tag) =	ssettag $0x2  }
0x50: {  	s0 =	rddreg [dreg:$0x0];
	s2 =	stileid.u32  }
0x51: {  	s1 =	rddreg [dreg:$0x1];
	p0 =	sne.s32 s2, $0x0  }
0x52: {  	s3 =	rddreg [dreg:$0x2];
	[bflag:$0x3] =	sbarrier.arrive $0xFFFF;
	s2 =	simm.s32 @!p0 $0x1C02  }
0x53: {  	[timem:s3], [sflag:s2] =	dma.local @!p0 [hbm:s0], s1  }
0x54: {  	s0 =	simm.s32 @!p0 $0x2  }
0x55: {  	_ =	swait.ge @!p0 [sflag:s0], s1  }
0x56: {  	s1 =	ssub.s32 @!p0 $0x0, s1;
	[sflag:s0] =	ssyncset.done @!p0 $0x0  }
0x57: {  	[sflag:s0] =	ssyncadd.s32 @!p0 s1  }
0x58: {  	[bflag:$0x3] =	sbarrier.arrive $0xFFFF  }
0x59: {  	_ =	shalt  }

// kernel: kernel.40.cloned.1.call-start
scs
__scs_entry_jumppad:
0x0: {  	(pc) =	sbr.rel $0x88, $3  }
0x1: {  	(tag) =	ssettag $0x0;
	lr =	simm.s32 $0x1  }
0x2: {  	[smem:$0x3F94] =	sst lr;
	_ =	strace $0xD0000000  }
0x3: {  	_ = 	snop  }
0x4: {  	_ = 	snop  }
0x5: {  	_ = 	snop  }
0x6: {  	_ = 	snop  }
0x7: {  	_ = 	snop  }
__scs_overlays_trampoline_lowered:
0x8: {  	[smem:$0x3FA3] =	sst s0  }
0x9: {  	[smem:$0x3FA4] =	sst s1  }
0xa: {  	[smem:$0x3FA5] =	sst s2  }
0xb: {  	[smem:$0x3FA6] =	sst s3  }
0xc: {  	[smem:$0x3FA7] =	sst s4  }
0xd: {  	[smem:$0x3FA8] =	sst s5  }
0xe: {  	[smem:$0x3FA9] =	sst s6  }
0xf: {  	[smem:$0x3FAA] =	sst s7  }
0x10: {  	[smem:$0x3FAB] =	sst s8  }
0x11: {  	[smem:$0x3FAC] =	sst s9;
	s0 =	simm.s32 @!p0 $0x0  }
0x12: {  	s1 =	sld [smem:$0x3F92];
	s0 =	simm.s32 @p0 $0x1  }
0x13: {  	[smem:$0x3FAD] =	sst s0;
	s0 =	simm.s32 @!p1 $0x0  }
0x14: {  	s2 =	sld [smem:$0x3F91];
	s0 =	simm.s32 @p1 $0x1  }
0x15: {  	[smem:$0x3FAE] =	sst s0;
	s0 =	simm.s32 @!p2 $0x0  }
0x16: {  	s3 =	sld [smem:$0x3FDB];
	s0 =	simm.s32 @p2 $0x1  }
0x17: {  	s4 =	simm.s32 $0x1BF5;
	[smem:$0x3FB0] =	sst s0  }
0x18: {  	s0 =	sld [smem:$0x3F93];
	_ =	swait.ge [sflag:s4], $0x0  }
0x19: {  	s7 =	sld [smem:$0x3F94]  }
0x1a: {  	s8 =	sadd.s32 $0xFFFFE003, lr  }
0x1b: {  	s9 =	sadd.s32 $0xFFFFFEF7, lr;
	s5 =	simm.s32 $0xFFFFFFFF;
	p2 =	slt.u32 s8, $0xFFFFF086  }
0x1c: {  	p1 =	slt.u32 s9, $0xF7A;
	s5 =	simm.s32 @!p2 $0x0  }
0x1d: {  	s5 =	simm.s32 @p1 $0x1;
	p0 =	seq.s32 s7, s2  }
0x1e: {  	s7 =	smul.u32 @!p0 $0xF7A, s2;
	p2 =	seq.s32 @!p0 s5, $0x0  }
0x1f: {  	s9 =	smul.u32 $0xF7A, s1;
	s8 =	simm.s32 @!p0 $0x1BF5;
	p2 =	por !p2, p0  }
0x20: {  	[sflag:s8] =	ssyncset.s32 @!p0 $0xFFFFF086;
	s6 =	sadd.s32 @!p0 s3, s7;
	s7 =	simm.s32 @!p0 $0x108  }
0x21: {  	s3 =	sadd.s32 s3, s9;
	s6 =	sadd.s32 @!p0 $0x88, s6;
	s7 =	simm.s32 @p2 $0x1082  }
0x22: {  	[simem:s7], [sflag:s8] =	dma.local @!p0 [hbm:s6], $0xF7A  }
0x23: {  	s9 =	sor.u32 $0xD0000000, s2;
	s6 =	simm.s32 $0x108;
	_ =	swait.ge @!p0 [sflag:s8], $0x0  }
0x24: {  	s3 =	sadd.s32 $0x88, s3;
	s6 =	simm.s32 @!p1 $0x1082;
	[sflag:s4] =	ssyncset.s32 $0xFFFFF086  }
0x25: {  	[simem:s6], [sflag:s4] =	dma.local [hbm:s3], $0xF7A  }
0x26: {  	[smem:$0x3F94] =	sst s1;
	(tag) =	ssettag s2;
	_ =	strace s9  }
0x27: {  	s1 =	sld [smem:$0x3FA4]  }
0x28: {  	s2 =	sld [smem:$0x3FA5]  }
0x29: {  	s4 =	sld [smem:$0x3FA7]  }
0x2a: {  	p0 =	seq.s32 s5, $0x0;
	s5 =	sld [smem:$0x3FA8]  }
0x2b: {  	s6 =	sld [smem:$0x3FA9]  }
0x2c: {  	s7 =	sld [smem:$0x3FAA]  }
0x2d: {  	s3 =	simm.s32 $0x108;
	s8 =	sld [smem:$0x3FAB]  }
0x2e: {  	s3 =	simm.s32 @!p0 $0x1082;
	s9 =	sld [smem:$0x3FAC]  }
0x2f: {  	lr =	sadd.s32 s0, s3;
	s0 =	sld [smem:$0x3FA3]  }
0x30: {  	s3 =	sld [smem:$0x3FA6]  }
0x31: {  	[smem:$0x3FAF] =	sst s10  }
0x32: {  	s10 =	sld [smem:$0x3FAD];
	_ =	sdelay $0x3  }
0x33: {  	p0 =	seq.s32 s10, $0x1;
	s10 =	sld [smem:$0x3FAF];
	_ =	sdelay $0x3  }
0x34: {  	[smem:$0x3FAF] =	sst s10  }
0x35: {  	s10 =	sld [smem:$0x3FAE];
	_ =	sdelay $0x3  }
0x36: {  	p1 =	seq.s32 s10, $0x1;
	s10 =	sld [smem:$0x3FAF];
	_ =	sdelay $0x3  }
0x37: {  	[smem:$0x3FAF] =	sst s10  }
0x38: {  	s10 =	sld [smem:$0x3FB0]  }
0x39: {  	_ = 	snop;
	(pc) =	sbr.ind lr, $3  }
0x3a: {  	_ = 	snop  }
0x3b: {  	_ = 	snop  }
0x3c: {  	p2 =	seq.s32 s10, $0x1;
	s10 =	sld [smem:$0x3FAF]  }
0x3d: {  	_ =	shalt  }
0x3e: {  	_ =	shalt  }
0x3f: {  	_ =	shalt  }
0x40: {  	_ =	shalt  }
0x41: {  	_ =	shalt  }
0x42: {  	_ =	shalt  }
0x43: {  	_ =	shalt  }
0x44: {  	_ =	shalt  }
0x45: {  	_ =	shalt  }
0x46: {  	_ =	shalt  }
0x47: {  	_ =	shalt  }
0x48: {  	_ =	shalt  }
0x49: {  	_ =	shalt  }
0x4a: {  	_ =	shalt  }
0x4b: {  	_ =	shalt  }
0x4c: {  	_ =	shalt  }
0x4d: {  	_ =	shalt  }
0x4e: {  	_ =	shalt  }
0x4f: {  	_ =	shalt  }
0x50: {  	_ =	shalt  }
0x51: {  	_ =	shalt  }
0x52: {  	_ =	shalt  }
0x53: {  	_ =	shalt  }
0x54: {  	_ =	shalt  }
0x55: {  	_ =	shalt  }
0x56: {  	_ =	shalt  }
0x57: {  	_ =	shalt  }
0x58: {  	_ =	shalt  }
0x59: {  	_ =	shalt  }
0x5a: {  	_ =	shalt  }
0x5b: {  	_ =	shalt  }
0x5c: {  	_ =	shalt  }
0x5d: {  	_ =	shalt  }
0x5e: {  	_ =	shalt  }
0x5f: {  	_ =	shalt  }
0x60: {  	_ =	shalt  }
0x61: {  	_ =	shalt  }
0x62: {  	_ =	shalt  }
0x63: {  	_ =	shalt  }
0x64: {  	_ =	shalt  }
0x65: {  	_ =	shalt  }
0x66: {  	_ =	shalt  }
0x67: {  	_ =	shalt  }
0x68: {  	_ =	shalt  }
0x69: {  	_ =	shalt  }
0x6a: {  	_ =	shalt  }
0x6b: {  	_ =	shalt  }
0x6c: {  	_ =	shalt  }
0x6d: {  	_ =	shalt  }
0x6e: {  	_ =	shalt  }
0x6f: {  	_ =	shalt  }
0x70: {  	_ =	shalt  }
0x71: {  	_ =	shalt  }
0x72: {  	_ =	shalt  }
0x73: {  	_ =	shalt  }
0x74: {  	_ =	shalt  }
0x75: {  	_ =	shalt  }
0x76: {  	_ =	shalt  }
0x77: {  	_ =	shalt  }
0x78: {  	_ =	shalt  }
0x79: {  	_ =	shalt  }
0x7a: {  	_ =	shalt  }
0x7b: {  	_ =	shalt  }
0x7c: {  	_ =	shalt  }
0x7d: {  	_ =	shalt  }
0x7e: {  	_ =	shalt  }
0x7f: {  	_ =	shalt  }
0x80: {  	_ =	shalt  }
0x81: {  	_ =	shalt  }
0x82: {  	_ =	shalt  }
0x83: {  	_ =	shalt  }
0x84: {  	_ =	shalt  }
0x85: {  	_ =	shalt  }
0x86: {  	_ =	shalt  }
0x87: {  	_ =	shalt  }
.Lfunc_end0:
.L_simem_size_0:
called_computation.7_lowered:
.L_overlay_start_0:
0x88: {  	s2 =	sld [smem:$0x3FD9]  }
0x89: {  	s3 =	sld [smem:$0x3FFE];
	_ =	sdelay $0x1  }
0x8a: {  	s1 =	srdreg.scid  }
0x8b: {  	s0 =	sand.u32 $0x1, s1  }
0x8c: {  	s14 =	sshll.u32 s0, $0xA;
	s2 =	sadd.s32 s3, s2  }
0x8d: {  	s2 =	sadd.s32 s2, s14  }
0x8e: {  	[smem:$0x3FBB] =	sst s2  }
0x8f: {  	_ = 	snop  }
0x90: {  	s2 =	sld [smem:$0x3FD0];
	_ =	sdelay $0x2  }
0x91: {  	s15 =	simm.s32 $0xA;
	s4 =	simm.s32 $0x10  }
0x92: {  	[smem:s4], [sflag:s15] =	dma.local [hbm:s2], $0x1  }
0x93: {  	_ =	swait.eq [sflag:s15], $0x1  }
0x94: {  	[sflag:s15] =	ssyncset.done $0x0  }
0x95: {  	[sflag:s15] =	ssyncadd.s32 $0xFFFFFFFF  }
0x96: {  	s16 =	sld [smem:$0x11];
	(tm) =	ssettm $0x1  }
0x97: {  	s17 =	sld [smem:$0x3FFB];
	_ =	sdelay $0x3  }
0x98: {  	_ =	strace s17  }
0x99: {  	s3 =	sld [smem:$0x3FFC];
	_ =	sdelay $0x3  }
0x9a: {  	_ =	strace s3  }
0x9b: {  	s3 =	sld [smem:$0x3FFD];
	_ =	sdelay $0x3  }
0x9c: {  	_ =	strace s3  }
0x9d: {  	_ =	strace $0x8FFFFFFF  }
0x9e: {  	s18 =	sld [smem:$0x3FDB];
	_ =	sdelay $0x1  }
0x9f: {  	s19 =	simm.s32 $_scs_section_size  }
0xa0: {  	s5 =	simm.s32 $_size__tile_overlayer_lowered;
	s6 =	simm.s32 $_tile_overlayer_lowered  }
0xa1: {  	s22 =	simm.s32 $0x1BFF;
	s21 =	sshll.u32 s6, $0x1;
	s3 =	sadd.s32 s19, s18  }
0xa2: {  	s7 =	simm.s32 $0x0;
	s20 =	sshll.u32 s5, $0x1;
	s5 =	sadd.s32 s21, s3  }
0xa3: {  	[timem:s7], [sflag:s22] =	dma.local [hbm:s5], s20  }
0xa4: {  	_ =	swait.ge [sflag:s22], s20  }
0xa5: {  	s4 =	ssub.s32 $0x0, s20;
	[sflag:s22] =	ssyncset.done $0x0  }
0xa6: {  	[sflag:s22] =	ssyncadd.s32 s4;
	_ =	sdelay $0x1  }
0xa7: {  	s23 =	simm.s32 $0x1B8B  }
0xa8: {  	_ =	swait.ge [sflag:s23], $0x1  }
0xa9: {  	[sflag:s23] =	ssyncset.done $0x0  }
0xaa: {  	s25 =	simm.s32 $0x1B8E;
	s24 =	sld [smem:$0x3FFE];
	[sflag:s23] =	ssyncadd.s32 $0xFFFFFFFF  }
0xab: {  	s26 =	simm.s32 $execute0_lowered;
	[smem:$0x3FD2] =	sst s25  }
0xac: {  	s5 =	sshll.u32 s26, $0x1;
	_ =	strace $0x8000005B;
	[dreg:$0x1] =	wrdreg $0xFFFFFFFF  }
0xad: {  	s28 =	simm.s32 $_size_execute0_lowered;
	s3 =	sadd.s32 s3, s5;
	[dreg:$0x0] =	wrdreg $0x0  }
0xae: {  	s5 =	sshll.u32 s28, $0x1;
	[dreg:$0x2] =	wrdreg s3  }
0xaf: {  	[dreg:$0x3] =	wrdreg s5  }
0xb0: {  	[dreg:$0x4] =	wrdreg $0xC0  }
0xb1: {  	_ =	task [dreg:s7], $0x5FFFF  }
0xb2: {  	[dreg:$0x1] =	wrdreg $0xFFFFFFFF  }
0xb3: {  	[dreg:$0x0] =	wrdreg $0x60  }
0xb4: {  	[dreg:$0x2] =	wrdreg s16  }
0xb5: {  	[dreg:$0x3] =	wrdreg s24  }
0xb6: {  	[dreg:$0x4] =	wrdreg $0x41000  }
0xb7: {  	[dreg:$0x5] =	wrdreg $0x9  }
0xb8: {  	_ =	task.clear_ibuf [dreg:s7], $0x6FFFF;
	_ =	strace $0x9000005B  }
0xb9: {  	s29 =	simm.s32 $0x9;
	_ =	strace $0x8000005D  }
0xba: {  	_ =	swait.ge [sflag:s29], $0x1  }
0xbb: {  	[sflag:s29] =	ssyncadd.s32 $0xFFFFFFFF  }
0xbc: {  	_ =	strace $0x9000005D  }
0xbd: {  	_ =	sfence  }
0xbe: {  	s30 =	sld [smem:$0x0];
	_ =	sdelay $0x2  }
0xbf: {  	s31 =	sshll.u32 s1, $0xD;
	s1 =	sshrl.u32 s1, $0x2  }
0xc0: {  	s3 =	sand.u32 $0x4000, s31;
	s1 =	sadd.s32 s1, s30  }
0xc1: {  	s0 =	sor.u32 s3, s0;
	s1 =	sshll.u32 s1, $0x11  }
0xc2: {  	s0 =	sor.u32 s1, s0  }
0xc3: {  	s0 =	sadd.s32 $0x8F2B, s0  }
0xc4: {  	[sflag:s0] =	ssyncadd.remote.s32 $0x1  }
0xc5: {  	_ =	sfence.sel $0xFFFF  }
0xc6: {  	[dreg:$0x0] =	wrdreg $0xFFFFFFFF;
	(pc) =	sbr.abs _section_cstart, $3  }
0xc7: {  	[dreg:$0x1] =	wrdreg $0xFFFFFFFF  }
0xc8: {  	_ =	task.clear_ibuf [dreg:s7], $0x2FFFF;
	_ =	strace $0x9FFFFFFF  }
0xc9: {  	(tm) =	ssettm $0x7FFFFFFF  }
tec
execute0_lowered:
.L_overlay_start_1:
0x0: {  	(tag) =	ssettag $0x1  }
0x1: {  	s0 =	rddreg [dreg:$0x0]  }
0x2: {  	s6 =	rddreg [dreg:$0x1]  }
0x3: {  	s1 =	srdreg.scid;
	s2 =	stileid.u32  }
0x4: {  	s3 =	rddreg [dreg:$0x2];
	s4 =	simm.s32 $0x0;
	s8 =	smul.u32 $0x2800, s2  }
0x5: {  	s14 =	simm.s32 $0x100;
	s15 =	simm.s32 $0x1;
	s29 =	smul.u32 $0x50000, s2  }
0x6: {  	s7 =	sand.u32 $0x1, s1;
	s1 =	rddreg [dreg:$0x3];
	s11 =	smul.u32 $0x4F0, s2  }
0x7: {  	s16 =	simm.s32 $0x0;
	[smem:$0x7FF] =	sst s4;
	s5 =	smul.u32 $0x4F00, s7  }
0x8: {  	s31 =	sshll.u32 s2, $0x6;
	s9 =	smul.u32 $0x28000, s7;
	s30 =	ssub.s32 $0x2, s7  }
0x9: {  	_ =	strace $0x8000005C;
	s7 =	sshrl.u32 s30, $0x1;
	s10 =	sadd.s32 s5, s6  }
0xa: {  	s8 =	sadd.s32 s8, s9;
	s5 =	sadd.s32 $0x1F800, s6;
	s9 =	sshrl.u32 s29, $0x2  }
0xb: {  	s12 =	ssub.s32 s30, s7;
	s8 =	sadd.s32 s8, s6;
	s13 =	sadd.s32 s9, s3  }
0xc: {  	s6 =	sor.u32 $0x1C02, s31;
	s10 =	sadd.s32 s11, s10;
	s7 =	sadd.s32 $0x22000, s8  }
0xd: {  	s8 =	smax.u32 s12, $0x1;
	s9 =	sadd.s32 $0x15A00, s10;
	s10 =	sadd.s32 $0xBC00, s10  }
0xe: {  	s11 =	sshrl.u32 s13, $0x3;
	s12 =	simm.s32 $0x2;
	s13 =	simm.s32 $0x80  }
.LBB2_1:
0xf: {  	[spmem:s11], [sflag:s6] =	dma.local [hbm:s5], $0x2800  }
0x10: {  	_ =	swait.ge [sflag:s12], $0x2800  }
0x11: {  	[sflag:s12] =	ssyncset.done $0x0  }
0x12: {  	[sflag:s12] =	ssyncadd.s32 $0xFFFFD800  }
0x13: {  	s17 =	sadd.s32 $0x0, s10;
	[bflag:$0x0] =	sbarrier.arrive $0xFFFF  }
0x14: {  	[tilespmem:s4], [sflag:$0x2] =	stream.linear.gather [hbm4b:s17+s4], $0x80, $0x38;
	[tilespmem:$0x18100] =	vst v63  }
0x15: {  	_ =	swait.ge [sflag:s12], $0x80  }
0x16: {  	[sflag:s12] =	ssyncset.done $0x0  }
0x17: {  	s31 =	sadd.s32 $0x0, s9;
	[sflag:s12] =	ssyncadd.s32 $0xFFFFFF80  }
0x18: {  	[tilespmem:s13], [sflag:$0x2] =	stream.linear.gather [hbm4b:s31+s4], $0x80, $0x38;
	[tilespmem:$0x18100] =	vst v63  }
0x19: {  	_ =	swait.ge [sflag:s12], $0x80  }
0x1a: {  	[sflag:s12] =	ssyncset.done $0x0  }
0x1b: {  	[sflag:s12] =	ssyncadd.s32 $0xFFFFFF80  }
0x1c: {  	[tilespmem:s14], [sflag:$0x1] =	stream.indirect.gather [hbm4b:s0+s13], $0x80, s4, s13, $0xb8;
	[tilespmem:$0x18100] =	vst v63  }
0x1d: {  	_ =	swait.ge [sflag:s15], $0x4000  }
0x1e: {  	[sflag:s15] =	ssyncset.done $0x0  }
0x1f: {  	[sflag:s15] =	ssyncadd.s32 $0xFFFFC000  }
0x20: {  	[spmem:s3] =	stream.indirect.scatter.add.f32 [tilespmem:s14], [sflag:$0x2], $0x80, s13, s13, $0xb8;
	[tilespmem:$0x18100] =	vst v63  }
0x21: {  	_ =	swait.ge [sflag:s12], $0x4000  }
0x22: {  	s18 =	simm.s32 $0x20;
	s17 =	simm.s32 $0x10;
	[sflag:s12] =	ssyncset.done $0x0  }
.LBB2_2:
0x23: {  	s19 =	sadd.s32 s17, s10  }
0x24: {  	[sflag:s12] =	ssyncadd.s32 $0xFFFFC000;
	s20 =	smov.u32 s18;
	s21 =	sadd.s32 $0x10, s18  }
0x25: {  	[tilespmem:s4], [sflag:$0x2] =	stream.linear.gather [hbm4b:s19+s4], $0x80, $0x38;
	[tilespmem:$0x18100] =	vst v63  }
0x26: {  	p0 =	sne.s32 s18, $0x4E0;
	_ =	swait.ge [sflag:s12], $0x80  }
0x27: {  	[sflag:s12] =	ssyncset.done $0x0  }
0x28: {  	s18 =	sadd.s32 s17, s9;
	s17 =	smov.u32 s20;
	[sflag:s12] =	ssyncadd.s32 $0xFFFFFF80  }
0x29: {  	[tilespmem:s13], [sflag:$0x2] =	stream.linear.gather [hbm4b:s18+s4], $0x80, $0x38;
	[tilespmem:$0x18100] =	vst v63  }
0x2a: {  	_ =	swait.ge [sflag:s12], $0x80  }
0x2b: {  	[sflag:s12] =	ssyncset.done $0x0  }
0x2c: {  	[sflag:s12] =	ssyncadd.s32 $0xFFFFFF80  }
0x2d: {  	[tilespmem:s14], [sflag:$0x1] =	stream.indirect.gather [hbm4b:s0+s13], $0x80, s4, s13, $0xb8;
	[tilespmem:$0x18100] =	vst v63  }
0x2e: {  	_ =	swait.ge [sflag:s15], $0x4000  }
.Ltmp0:
0x2f: {  	[sflag:s15] =	ssyncset.done $0x0;
	(pc) =	sbr.rel @p0 .LBB2_2-.Ltmp0, $4  }
0x30: {  	[sflag:s15] =	ssyncadd.s32 $0xFFFFC000  }
0x31: {  	[spmem:s3] =	stream.indirect.scatter.add.f32 [tilespmem:s14], [sflag:$0x2], $0x80, s13, s13, $0xb8;
	[tilespmem:$0x18100] =	vst v63  }
0x32: {  	_ =	swait.ge [sflag:s12], $0x4000  }
0x33: {  	s18 =	smov.u32 s21;
	[sflag:s12] =	ssyncset.done $0x0  }
0x34: {  	s18 =	sadd.s32 s17, s10;
	[sflag:s12] =	ssyncadd.s32 $0xFFFFC000  }
0x35: {  	[tilespmem:s4], [sflag:$0x2] =	stream.linear.gather [hbm4b:s18+s4], $0x80, $0x38;
	[tilespmem:$0x18100] =	vst v63  }
0x36: {  	_ =	swait.ge [sflag:s12], $0x80  }
0x37: {  	[sflag:s12] =	ssyncset.done $0x0  }
0x38: {  	s31 =	sadd.s32 s17, s9;
	[sflag:s12] =	ssyncadd.s32 $0xFFFFFF80  }
0x39: {  	[tilespmem:s13], [sflag:$0x2] =	stream.linear.gather [hbm4b:s31+s4], $0x80, $0x38;
	[tilespmem:$0x18100] =	vst v63  }
0x3a: {  	_ =	swait.ge [sflag:s12], $0x80  }
0x3b: {  	[sflag:s12] =	ssyncset.done $0x0  }
0x3c: {  	[sflag:s12] =	ssyncadd.s32 $0xFFFFFF80  }
0x3d: {  	[tilespmem:s14], [sflag:$0x1] =	stream.indirect.gather [hbm4b:s0+s13], $0x80, s4, s13, $0xb8;
	[tilespmem:$0x18100] =	vst v63  }
0x3e: {  	_ =	swait.ge [sflag:s15], $0x4000  }
0x3f: {  	[sflag:s15] =	ssyncset.done $0x0  }
0x40: {  	[sflag:s15] =	ssyncadd.s32 $0xFFFFC000  }
0x41: {  	[spmem:s3] =	stream.indirect.scatter.add.f32 [tilespmem:s14], [sflag:$0x2], $0x80, s13, s13, $0xb8;
	[tilespmem:$0x18100] =	vst v63  }
0x42: {  	_ =	swait.ge [sflag:s12], $0x4000  }
0x43: {  	s16 =	sadd.s32 $0x1, s16;
	[sflag:s12] =	ssyncset.done $0x0  }
0x44: {  	p0 =	sne.s32 s16, s8;
	[sflag:s12] =	ssyncadd.s32 $0xFFFFC000  }
.Ltmp1:
0x45: {  	[bflag:$0x0] =	sbarrier.arrive $0xFFFF;
	(pc) =	sbr.rel @p0 .LBB2_1-.Ltmp1, $4  }
0x46: {  	[hbm:s7], [sflag:s6] =	dma.local [spmem:s11], $0x2800  }
0x47: {  	_ =	swait.ge [sflag:s12], $0x2800  }
0x48: {  	[sflag:s12] =	ssyncset.done $0x0  }
0x49: {  	[sflag:s12] =	ssyncadd.s32 $0xFFFFD800  }
0x4a: {  	_ =	sfence.sel $0x180000  }
0x4b: {  	[bflag:$0x0] =	sbarrier.arrive $0xFFFF  }
0x4c: {  	p0 =	sne.s32 s2, $0x0;
	_ =	strace $0x9000005C  }
0x4d: {  	s0 =	sadd.s32 @!p0 $0x100000, s1;
	[bflag:$0x2] =	sbarrier.arrive $0xFFFF  }
0x4e: {  	[sflag:s0] =	ssyncadd.tile.s32 @!p0 $0x1;
	_ =	shalt  }
.Lfunc_end2:
_tile_overlayer_lowered:
.L_overlay_start_2:
0x4f: {  	(tag) =	ssettag $0x2  }
0x50: {  	s0 =	rddreg [dreg:$0x0];
	s2 =	stileid.u32  }
0x51: {  	s1 =	rddreg [dreg:$0x1];
	p0 =	sne.s32 s2, $0x0  }
0x52: {  	s3 =	rddreg [dreg:$0x2];
	[bflag:$0x3] =	sbarrier.arrive $0xFFFF;
	s2 =	simm.s32 @!p0 $0x1C02  }
0x53: {  	[timem:s3], [sflag:s2] =	dma.local @!p0 [hbm:s0], s1  }
0x54: {  	s0 =	simm.s32 @!p0 $0x2  }
0x55: {  	_ =	swait.ge @!p0 [sflag:s0], s1  }
0x56: {  	s1 =	ssub.s32 @!p0 $0x0, s1;
	[sflag:s0] =	ssyncset.done @!p0 $0x0  }
0x57: {  	[sflag:s0] =	ssyncadd.s32 @!p0 s1  }
0x58: {  	[bflag:$0x3] =	sbarrier.arrive $0xFFFF  }
0x59: {  	_ =	shalt  }

</sc_bundles>
